<compile_context>
chip_gen: v7x
topology: tpu7x:2x2x1
jax: 0.10.2.dev20260603
libtpu: 0.0.44.dev20260713+nightly
codegen_flags: <defaults>
</compile_context>

<pallas_src>
import functools

import jax
import jax.numpy as jnp
from jax import lax
from jax.experimental import pallas as pl
from jax.experimental.pallas import tpu as pltpu
from jax.experimental.pallas import tpu_sc as plsc

_N = 10000
_E = 320000
_DIN = 128
_H = 64
_G = 16

_NC, _NS = 2, 16
_CHR = 125
_CH = 128
_KCH = 80
_SINK = 10111
_NPAD = 10112
_STRIPE = _NPAD // _NS
_NP2 = _NPAD // 2
_NGRID = 8
_PBLK = _NP2 // _NGRID


def _sc_mesh():
    return plsc.VectorSubcoreMesh(core_axis_name="c", subcore_axis_name="s",
                                  num_cores=_NC, num_subcores=_NS)


@functools.cache
def _deg_hist_kernel():
    return pl.kernel(
        _deg_hist_body,
        out_type=jax.ShapeDtypeStruct((_NC, _NPAD, _H), jnp.float32),
        mesh=_sc_mesh(),
        scratch_types=[
            pltpu.VMEM((_KCH, _CH), jnp.int32),
            pltpu.VMEM((_CH, 16), jnp.float32),
            pltpu.VMEM((_CH, 16), jnp.float32),
            pltpu.VMEM_SHARED((_NPAD, 16), jnp.float32),
            pltpu.VMEM((_STRIPE, 16), jnp.float32),
            pltpu.VMEM((_STRIPE, _H), jnp.float32),
        ],
        compiler_params=pltpu.CompilerParams(use_tc_tiling_on_sc=False),
    )


def _deg_hist_body(dstg, out, dstv, onev, zb, acc, ebuf, obuf):
    c = lax.axis_index("c")
    s = lax.axis_index("s")
    wid = c * _NS + s

    def _fill(r, carry):
        zb[r, pl.ds(0, 16)] = jnp.zeros((16,), jnp.float32)
        onev[r, pl.ds(0, 16)] = jnp.ones((16,), jnp.float32)
        return carry

    lax.fori_loop(0, _CH, _fill, 0)
    row0 = s * _STRIPE
    for j in range(_STRIPE // _CH):
        pltpu.sync_copy(zb, acc.at[pl.ds(row0 + j * _CH, _CH)])
    rem = _STRIPE % _CH
    if rem:
        pltpu.sync_copy(zb.at[pl.ds(0, rem)],
                        acc.at[pl.ds(row0 + (_STRIPE // _CH) * _CH, rem)])
    pltpu.sync_copy(dstg.at[wid], dstv)
    plsc.subcore_barrier()

    def _step(k, carry):
        pltpu.sync_copy(onev, acc.at[dstv.at[k]], add=True)
        return carry

    lax.fori_loop(0, _KCH, _step, 0)
    plsc.subcore_barrier()
    pltpu.sync_copy(acc.at[pl.ds(row0, _STRIPE)], ebuf)

    def _rep(r, carry):
        v = ebuf[r, pl.ds(0, 16)]
        for q in range(_H // 16):
            obuf[r, pl.ds(q * 16, 16)] = v
        return carry

    lax.fori_loop(0, _STRIPE, _rep, 0)
    pltpu.sync_copy(obuf, out.at[c, pl.ds(row0, _STRIPE)])


@functools.cache
def _edge_scatter_kernel():
    return pl.kernel(
        _edge_scatter_body,
        out_type=jax.ShapeDtypeStruct((_NC, _NPAD, _H), jnp.float32),
        mesh=_sc_mesh(),
        scratch_types=[
            pltpu.VMEM((_KCH, _CH), jnp.int32),
            pltpu.VMEM((_KCH, _CH), jnp.int32),
            pltpu.VMEM((_CH, _H), jnp.float32),
            pltpu.VMEM((_CH, _H), jnp.float32),
            pltpu.VMEM((_CH, _H), jnp.float32),
            pltpu.VMEM_SHARED((_NPAD, _H), jnp.float32),
            pltpu.VMEM_SHARED((_NPAD, _H), jnp.float32),
            pltpu.SemaphoreType.DMA,
            pltpu.SemaphoreType.DMA,
        ],
        compiler_params=pltpu.CompilerParams(use_tc_tiling_on_sc=False),
    )


def _edge_scatter_body(hs, srcg, dstg, out, srcv, dstv, b0, b1, zb, acc, hs_sh,
                       semA, semB):
    c = lax.axis_index("c")
    s = lax.axis_index("s")
    wid = c * _NS + s
    row0 = s * _STRIPE

    d1 = pltpu.async_copy(srcg.at[wid], srcv, semA)
    d2 = pltpu.async_copy(dstg.at[wid], dstv, semA)
    d3 = pltpu.async_copy(hs.at[pl.ds(row0, _STRIPE)],
                          hs_sh.at[pl.ds(row0, _STRIPE)], semB)

    def _zrow(r, carry):
        for q in range(_H // 16):
            zb[r, pl.ds(q * 16, 16)] = jnp.zeros((16,), jnp.float32)
        return carry

    lax.fori_loop(0, _CH, _zrow, 0)
    for j in range(_STRIPE // _CH):
        pltpu.sync_copy(zb, acc.at[pl.ds(row0 + j * _CH, _CH)])
    rem = _STRIPE % _CH
    if rem:
        pltpu.sync_copy(zb.at[pl.ds(0, rem)],
                        acc.at[pl.ds(row0 + (_STRIPE // _CH) * _CH, rem)])
    d1.wait()
    d2.wait()
    d3.wait()
    plsc.subcore_barrier()

    pltpu.async_copy(hs_sh.at[srcv.at[0]], b0, semA)

    def _step(i, carry):
        k = i * 2
        pltpu.make_async_copy(hs_sh.at[srcv.at[k]], b0, semA).wait()
        pltpu.async_copy(hs_sh.at[srcv.at[k + 1]], b1, semB)
        pltpu.sync_copy(b0, acc.at[dstv.at[k]], add=True)
        pltpu.make_async_copy(hs_sh.at[srcv.at[k + 1]], b1, semB).wait()

        @pl.when(k + 2 < _KCH)
        def _():
            pltpu.async_copy(hs_sh.at[srcv.at[k + 2]], b0, semA)

        pltpu.sync_copy(b1, acc.at[dstv.at[k + 1]], add=True)
        return carry

    lax.fori_loop(0, _KCH // 2, _step, 0)
    plsc.subcore_barrier()
    pltpu.sync_copy(acc.at[pl.ds(row0, _STRIPE)], out.at[c, pl.ds(row0, _STRIPE)])


def _disp_from(dp_ref):
    return lax.rsqrt(1.0 + dp_ref[0] + dp_ref[1])


def _mm_scale_body(xlo_ref, xhi_ref, w_ref, dp_ref, o_ref):
    i = pl.program_id(0)
    w = w_ref[...]
    dis_p = _disp_from(dp_ref)
    hlo = jnp.dot(xlo_ref[...], w, preferred_element_type=jnp.float32)
    hhi = jnp.dot(xhi_ref[...], w, preferred_element_type=jnp.float32)
    node_hi = _NP2 + i * _PBLK + lax.broadcasted_iota(jnp.int32, (_PBLK, _H), 0)
    hhi = jnp.where(node_hi < _N, hhi, 0.0)
    o_ref[...] = jnp.concatenate([hlo, hhi], axis=1) * dis_p


def _combine_mm_body(acc_ref, hs_ref, dp_ref, b_ref, w_ref, o_ref):
    dis_p = _disp_from(dp_ref)
    ssum = acc_ref[0] + acc_ref[1] + hs_ref[...]
    h = jnp.maximum(ssum * dis_p + b_ref[...], 0.0)
    o_ref[...] = jnp.dot(h, w_ref[...], preferred_element_type=jnp.float32) * dis_p


def _final_body(acc_ref, hs_ref, dp_ref, b_ref, blo_ref, bhi_ref, wfc_ref,
                bfc_ref, o_ref, sums_ref, cnt_ref):
    i = pl.program_id(0)
    dis_p = _disp_from(dp_ref)
    ssum = acc_ref[0] + acc_ref[1] + hs_ref[...]
    h3 = jnp.maximum(ssum * dis_p + b_ref[...], 0.0)
    gi = lax.broadcasted_iota(jnp.int32, (_G, _PBLK), 0)
    ohe = (gi == blo_ref[0, 0, :][None, :]).astype(jnp.float32)
    oho = (gi == bhi_ref[0, 0, :][None, :]).astype(jnp.float32)
    part = (jnp.dot(ohe, h3[:, :_H], preferred_element_type=jnp.float32)
            + jnp.dot(oho, h3[:, _H:], preferred_element_type=jnp.float32))
    pcnt = jnp.sum(ohe, axis=1) + jnp.sum(oho, axis=1)

    @pl.when(i == 0)
    def _():
        sums_ref[...] = part
        cnt_ref[...] = pcnt[None, :]

    @pl.when(i > 0)
    def _():
        sums_ref[...] += part
        cnt_ref[...] += pcnt[None, :]

    @pl.when(i == _NGRID - 1)
    def _():
        cnt = jnp.maximum(cnt_ref[0, :], 1.0)
        mean = sums_ref[...] / cnt[:, None]
        o_ref[...] = jnp.dot(mean, wfc_ref[...],
                             preferred_element_type=jnp.float32) + bfc_ref[...]


_GRID = (_NGRID,)
_ACC_SPEC = pl.BlockSpec((2, _PBLK, 128), lambda i: (0, i, 0))
_ROW_SPEC = pl.BlockSpec((_PBLK, 128), lambda i: (i, 0))


def _mm_scale(x, w, degp):
    return pl.pallas_call(
        _mm_scale_body, grid=_GRID,
        in_specs=[pl.BlockSpec((_PBLK, _DIN), lambda i: (i, 0)),
                  pl.BlockSpec((_PBLK, _DIN), lambda i: (i + _NGRID, 0)),
                  pl.BlockSpec((_DIN, _H), lambda i: (0, 0)),
                  _ACC_SPEC],
        out_specs=_ROW_SPEC,
        out_shape=jax.ShapeDtypeStruct((_NP2, 128), jnp.float32),
    )(x, x, w, degp)


def _combine_mm(acc, hs, degp, bp, wbd):
    return pl.pallas_call(
        _combine_mm_body, grid=_GRID,
        in_specs=[_ACC_SPEC, _ROW_SPEC, _ACC_SPEC,
                  pl.BlockSpec((1, 128), lambda i: (0, 0)),
                  pl.BlockSpec((128, 128), lambda i: (0, 0))],
        out_specs=_ROW_SPEC,
        out_shape=jax.ShapeDtypeStruct((_NP2, 128), jnp.float32),
    )(acc, hs, degp, bp, wbd)


def _final(acc, hs, degp, bp, blo, bhi, wfc, bfc):
    return pl.pallas_call(
        _final_body, grid=_GRID,
        in_specs=[_ACC_SPEC, _ROW_SPEC, _ACC_SPEC,
                  pl.BlockSpec((1, 128), lambda i: (0, 0)),
                  pl.BlockSpec((1, 1, _PBLK), lambda i: (i, 0, 0)),
                  pl.BlockSpec((1, 1, _PBLK), lambda i: (i, 0, 0)),
                  pl.BlockSpec((_H, 2), lambda i: (0, 0)),
                  pl.BlockSpec((1, 2), lambda i: (0, 0))],
        out_specs=pl.BlockSpec((_G, 2), lambda i: (0, 0)),
        out_shape=jax.ShapeDtypeStruct((_G, 2), jnp.float32),
        scratch_shapes=[pltpu.VMEM((_G, _H), jnp.float32),
                        pltpu.VMEM((1, _G), jnp.float32)],
    )(acc, hs, degp, bp, blo, bhi, wfc, bfc)


def _blockdiag(w):
    z = jnp.zeros((_H, _H), jnp.float32)
    return jnp.concatenate(
        [jnp.concatenate([w, z], axis=1),
         jnp.concatenate([z, w], axis=1)], axis=0)


def kernel(x, edge_index, batch, W1, b1, W2, b2, W3, b3, Wfc, bfc):
    src = edge_index[0].astype(jnp.int32)
    dst = edge_index[1].astype(jnp.int32)

    def sc_row(v):
        return jnp.where(v < _NP2, 2 * v, 2 * (v - _NP2) + 1)

    def chunked(v, fill):
        return jnp.pad(v.reshape(_NC * _NS, _KCH, _CHR),
                       ((0, 0), (0, 0), (0, _CH - _CHR)), constant_values=fill)

    srcg = sc_row(chunked(src, 0))
    dstg = sc_row(chunked(dst, _SINK))
    def scat(hs_packed):
        acc = _edge_scatter_kernel()(hs_packed.reshape(_NPAD, _H), srcg, dstg)
        return acc.reshape(_NC, _NP2, 128)

    degp = _deg_hist_kernel()(dstg).reshape(_NC, _NP2, 128)
    hs1 = _mm_scale(x, W1, degp)
    acc1 = scat(hs1)
    hs2 = _combine_mm(acc1, hs1, degp, jnp.tile(b1.reshape(1, _H), (1, 2)),
                      _blockdiag(W2))
    acc2 = scat(hs2)
    hs3 = _combine_mm(acc2, hs2, degp, jnp.tile(b2.reshape(1, _H), (1, 2)),
                      _blockdiag(W3))
    acc3 = scat(hs3)
    bpad = jnp.concatenate([batch.astype(jnp.int32),
                            jnp.full((_NPAD - _N,), -1, jnp.int32)])
    blo = bpad[:_NP2].reshape(_NGRID, 1, _PBLK)
    bhi = bpad[_NP2:].reshape(_NGRID, 1, _PBLK)
    return _final(acc3, hs3, degp, jnp.tile(b3.reshape(1, _H), (1, 2)),
                  blo, bhi, Wfc, bfc.reshape(1, 2))

# --- scband reference (transcript-rebuilt; emitter-appended) ---
"""Pipeline reference for scband-mpnnnet-79637283602865 (READ-ONLY COPY).

The authoritative reference and input builder live on the scoring server;
editing this copy changes nothing except your own understanding.
"""

import jax, jax.numpy as jnp
import numpy as np

N = 10000
E = 320000
D_IN = 128
H = 64
OUT = 2
G = 16


def setup_inputs(seed: int = 0) -> dict:
    key = jax.random.key(seed)
    ks = jax.random.split(key, 8)
    x = jax.random.normal(ks[0], (N, D_IN), dtype=jnp.float32)
    edge_index = jax.random.randint(ks[1], (2, E), 0, N)
    batch = jnp.sort(jax.random.randint(ks[2], (N,), 0, G))
    W1 = jax.random.normal(ks[3], (D_IN, H), dtype=jnp.float32) * 0.05
    b1 = jnp.zeros((H,), dtype=jnp.float32)
    W2 = jax.random.normal(ks[4], (H, H), dtype=jnp.float32) * 0.05
    b2 = jnp.zeros((H,), dtype=jnp.float32)
    W3 = jax.random.normal(ks[5], (H, H), dtype=jnp.float32) * 0.05
    b3 = jnp.zeros((H,), dtype=jnp.float32)
    Wfc = jax.random.normal(ks[6], (H, OUT), dtype=jnp.float32) * 0.05
    bfc = jnp.zeros((OUT,), dtype=jnp.float32)
    return {"x": x, "edge_index": edge_index, "batch": batch,
            "W1": W1, "b1": b1, "W2": W2, "b2": b2, "W3": W3, "b3": b3,
            "Wfc": Wfc, "bfc": bfc}


def reference(x, edge_index, batch, W1, b1, W2, b2, W3, b3, Wfc, bfc):
    # GCNConv (PyG semantics): add self-loops, symmetric normalization
    loop = jnp.arange(N)
    src = jnp.concatenate([edge_index[0], loop])
    dst = jnp.concatenate([edge_index[1], loop])
    deg = jax.ops.segment_sum(jnp.ones(src.shape[0], dtype=x.dtype), dst, num_segments=N)
    dis = jax.lax.rsqrt(jnp.maximum(deg, 1.0))
    norm = dis[src] * dis[dst]

    def gcn(h, W, b):
        h = h @ W
        agg = jax.ops.segment_sum(norm[:, None] * h[src], dst, num_segments=N)
        return agg + b

    h = jax.nn.relu(gcn(x, W1, b1))
    h = jax.nn.relu(gcn(h, W2, b2))
    h = jax.nn.relu(gcn(h, W3, b3))

    # global_mean_pool over batch ids
    sums = jax.ops.segment_sum(h, batch, num_segments=G)
    cnt = jax.ops.segment_sum(jnp.ones((N,), dtype=h.dtype), batch, num_segments=G)
    mean = sums / jnp.maximum(cnt, 1.0)[:, None]
    return mean @ Wfc + bfc

if __name__ == "__main__":
    import jax
    _d = setup_inputs()
    print(jax.jit(kernel)(*tuple(_d.values())))

</pallas_src>

<mosaic_0001>
#map = affine_map<(d0, d1) -> (0, 0)>
#map1 = affine_map<(d0, d1) -> (0, 0, 0)>
module attributes {stable_mosaic.version = 14 : i64} {
  func.func @_edge_scatter_body(%arg0: i32, %arg1: i32, %arg2: memref<10112x64xf32, #tpu.memory_space<hbm>>, %arg3: memref<32x80x128xi32, #tpu.memory_space<hbm>>, %arg4: memref<32x80x128xi32, #tpu.memory_space<hbm>>, %arg5: memref<2x10112x64xf32, #tpu.memory_space<hbm>>, %arg6: memref<80x128xi32, #tpu.memory_space<vmem>>, %arg7: memref<80x128xi32, #tpu.memory_space<vmem>>, %arg8: memref<128x64xf32, #tpu.memory_space<vmem>>, %arg9: memref<128x64xf32, #tpu.memory_space<vmem>>, %arg10: memref<128x64xf32, #tpu.memory_space<vmem>>, %arg11: memref<10112x64xf32, #tpu.memory_space<vmem_shared>>, %arg12: memref<10112x64xf32, #tpu.memory_space<vmem_shared>>, %arg13: memref<!tpu.dma_semaphore, #tpu.memory_space<semaphore_mem>>, %arg14: memref<!tpu.dma_semaphore, #tpu.memory_space<semaphore_mem>>) attributes {dimension_semantics = [#tpu.dimension_semantics<core_parallel>, #tpu.dimension_semantics<subcore_parallel>], iteration_bounds = array<i64: 2, 16>, scalar_prefetch = 0 : i64, scratch_operands = 9 : i64, tpu.core_type = #tpu.core_type<sc_vector_subcore>, window_params = [{transform_indices = #map}, {transform_indices = #map1}, {transform_indices = #map1}, {transform_indices = #map1}]} {
    %mul3A = arith.constant 16 : i32
    %mul3A_0 = arith.muli %arg0, %mul3A : i32
    %add3A = arith.addi %mul3A_0, %arg1 : i32
    %mul3A_1 = arith.constant 632 : i32
    %mul3A_2 = arith.muli %arg1, %mul3A_1 : i32
    %dma_start3A = arith.constant 0 : i32
    %dma_start3A_3 = arith.constant 0 : i32
    %dma_start3A_4 = tpu.memref_slice %arg3[%add3A, %dma_start3A, %dma_start3A_3] : memref<32x80x128xi32, #tpu.memory_space<hbm>> -> memref<1x80x128xi32, #tpu.memory_space<hbm>>
    %dma_start3A_5 = tpu.memref_squeeze %dma_start3A_4 : memref<1x80x128xi32, #tpu.memory_space<hbm>> -> memref<80x128xi32, #tpu.memory_space<hbm>>
    %dma_start3A_6 = arith.constant 0 : i32
    %dma_start3A_7 = arith.constant 0 : i32
    %dma_start3A_8 = tpu.memref_slice %arg3[%add3A, %dma_start3A_6, %dma_start3A_7] : memref<32x80x128xi32, #tpu.memory_space<hbm>> -> memref<1x80x128xi32, #tpu.memory_space<hbm>>
    %dma_start3A_9 = tpu.memref_squeeze %dma_start3A_8 : memref<1x80x128xi32, #tpu.memory_space<hbm>> -> memref<80x128xi32, #tpu.memory_space<hbm>>
    tpu.enqueue_dma source(%dma_start3A_9 : memref<80x128xi32, #tpu.memory_space<hbm>>) target(%arg6 : memref<80x128xi32, #tpu.memory_space<vmem>>) target_semaphore(%arg13 : memref<!tpu.dma_semaphore, #tpu.memory_space<semaphore_mem>>)
    %dma_start3A_10 = arith.constant 0 : i32
    %dma_start3A_11 = arith.constant 0 : i32
    %dma_start3A_12 = tpu.memref_slice %arg4[%add3A, %dma_start3A_10, %dma_start3A_11] : memref<32x80x128xi32, #tpu.memory_space<hbm>> -> memref<1x80x128xi32, #tpu.memory_space<hbm>>
    %dma_start3A_13 = tpu.memref_squeeze %dma_start3A_12 : memref<1x80x128xi32, #tpu.memory_space<hbm>> -> memref<80x128xi32, #tpu.memory_space<hbm>>
    %dma_start3A_14 = arith.constant 0 : i32
    %dma_start3A_15 = arith.constant 0 : i32
    %dma_start3A_16 = tpu.memref_slice %arg4[%add3A, %dma_start3A_14, %dma_start3A_15] : memref<32x80x128xi32, #tpu.memory_space<hbm>> -> memref<1x80x128xi32, #tpu.memory_space<hbm>>
    %dma_start3A_17 = tpu.memref_squeeze %dma_start3A_16 : memref<1x80x128xi32, #tpu.memory_space<hbm>> -> memref<80x128xi32, #tpu.memory_space<hbm>>
    tpu.enqueue_dma source(%dma_start3A_17 : memref<80x128xi32, #tpu.memory_space<hbm>>) target(%arg7 : memref<80x128xi32, #tpu.memory_space<vmem>>) target_semaphore(%arg13 : memref<!tpu.dma_semaphore, #tpu.memory_space<semaphore_mem>>)
    %dma_start3A_18 = arith.constant 0 : i32
    %dma_start3A_19 = tpu.memref_slice %arg12[%mul3A_2, %dma_start3A_18] : memref<10112x64xf32, #tpu.memory_space<vmem_shared>> -> memref<632x64xf32, #tpu.memory_space<vmem_shared>>
    %dma_start3A_20 = arith.constant 0 : i32
    %dma_start3A_21 = tpu.memref_slice %arg2[%mul3A_2, %dma_start3A_20] : memref<10112x64xf32, #tpu.memory_space<hbm>> -> memref<632x64xf32, #tpu.memory_space<hbm>>
    tpu.enqueue_dma source(%dma_start3A_21 : memref<632x64xf32, #tpu.memory_space<hbm>>) target(%dma_start3A_19 : memref<632x64xf32, #tpu.memory_space<vmem_shared>>) target_semaphore(%arg14 : memref<!tpu.dma_semaphore, #tpu.memory_space<semaphore_mem>>)
    %scan3A = arith.constant 0 : i32
    %scan3A_22 = arith.constant 0 : i32
    %scan3A_23 = arith.constant 128 : i32
    %scan3A_24 = arith.addi %scan3A_22, %scan3A_23 : i32
    %scan3A_25 = arith.constant 1 : i32
    scf.for %scan3A_70 = %scan3A_22 to %scan3A_24 step %scan3A_25  : i32 {
      %broadcast_in_dim3A = arith.constant 0.000000e+00 : f32
      %broadcast_in_dim3A_71 = vector.broadcast %broadcast_in_dim3A : f32 to vector<16xf32>
      %swap3A = arith.index_cast %scan3A_70 : i32 to index
      %swap3A_72 = arith.constant 0 : index
      %swap3A_73 = tpu.vector_load %arg10[%swap3A, %swap3A_72] {strides = array<i32>} : memref<128x64xf32, #tpu.memory_space<vmem>>, vector<1x16xf32>,
      %swap3A_74 = vector.shape_cast %swap3A_73 : vector<1x16xf32> to vector<16xf32>
      %swap3A_75 = vector.shape_cast %broadcast_in_dim3A_71 : vector<16xf32> to vector<1x16xf32>
      tpu.vector_store %arg10[%swap3A, %swap3A_72], %swap3A_75 {strides = array<i32>} : memref<128x64xf32, #tpu.memory_space<vmem>>, vector<1x16xf32>,
      %broadcast_in_dim3A_76 = arith.constant 0.000000e+00 : f32
      %broadcast_in_dim3A_77 = vector.broadcast %broadcast_in_dim3A_76 : f32 to vector<16xf32>
      %swap3A_78 = arith.index_cast %scan3A_70 : i32 to index
      %swap3A_79 = arith.constant 16 : index
      %swap3A_80 = tpu.vector_load %arg10[%swap3A_78, %swap3A_79] {strides = array<i32>} : memref<128x64xf32, #tpu.memory_space<vmem>>, vector<1x16xf32>,
      %swap3A_81 = vector.shape_cast %swap3A_80 : vector<1x16xf32> to vector<16xf32>
      %swap3A_82 = vector.shape_cast %broadcast_in_dim3A_77 : vector<16xf32> to vector<1x16xf32>
      tpu.vector_store %arg10[%swap3A_78, %swap3A_79], %swap3A_82 {strides = array<i32>} : memref<128x64xf32, #tpu.memory_space<vmem>>, vector<1x16xf32>,
      %broadcast_in_dim3A_83 = arith.constant 0.000000e+00 : f32
      %broadcast_in_dim3A_84 = vector.broadcast %broadcast_in_dim3A_83 : f32 to vector<16xf32>
      %swap3A_85 = arith.index_cast %scan3A_70 : i32 to index
      %swap3A_86 = arith.constant 32 : index
      %swap3A_87 = tpu.vector_load %arg10[%swap3A_85, %swap3A_86] {strides = array<i32>} : memref<128x64xf32, #tpu.memory_space<vmem>>, vector<1x16xf32>,
      %swap3A_88 = vector.shape_cast %swap3A_87 : vector<1x16xf32> to vector<16xf32>
      %swap3A_89 = vector.shape_cast %broadcast_in_dim3A_84 : vector<16xf32> to vector<1x16xf32>
      tpu.vector_store %arg10[%swap3A_85, %swap3A_86], %swap3A_89 {strides = array<i32>} : memref<128x64xf32, #tpu.memory_space<vmem>>, vector<1x16xf32>,
      %broadcast_in_dim3A_90 = arith.constant 0.000000e+00 : f32
      %broadcast_in_dim3A_91 = vector.broadcast %broadcast_in_dim3A_90 : f32 to vector<16xf32>
      %swap3A_92 = arith.index_cast %scan3A_70 : i32 to index
      %swap3A_93 = arith.constant 48 : index
      %swap3A_94 = tpu.vector_load %arg10[%swap3A_92, %swap3A_93] {strides = array<i32>} : memref<128x64xf32, #tpu.memory_space<vmem>>, vector<1x16xf32>,
      %swap3A_95 = vector.shape_cast %swap3A_94 : vector<1x16xf32> to vector<16xf32>
      %swap3A_96 = vector.shape_cast %broadcast_in_dim3A_91 : vector<16xf32> to vector<1x16xf32>
      tpu.vector_store %arg10[%swap3A_92, %swap3A_93], %swap3A_96 {strides = array<i32>} : memref<128x64xf32, #tpu.memory_space<vmem>>, vector<1x16xf32>,
    }
    %scan3A_26 = arith.constant 128 : i32
    %add3A_27 = arith.constant 0 : i32
    %add3A_28 = arith.addi %mul3A_2, %add3A_27 : i32
    "tpu.region"() ({
      %run_scoped3A = tpu.sem_alloc : memref<!tpu.dma_semaphore, #tpu.memory_space<semaphore_mem>>
      %dma_start3A_70 = arith.constant 0 : i32
      %dma_start3A_71 = tpu.memref_slice %arg11[%add3A_28, %dma_start3A_70] : memref<10112x64xf32, #tpu.memory_space<vmem_shared>> -> memref<128x64xf32, #tpu.memory_space<vmem_shared>>
      %dma_start3A_72 = arith.constant 0 : i32
      %dma_start3A_73 = tpu.memref_slice %arg11[%add3A_28, %dma_start3A_72] : memref<10112x64xf32, #tpu.memory_space<vmem_shared>> -> memref<128x64xf32, #tpu.memory_space<vmem_shared>>
      tpu.enqueue_dma source(%arg10 : memref<128x64xf32, #tpu.memory_space<vmem>>) target(%dma_start3A_73 : memref<128x64xf32, #tpu.memory_space<vmem_shared>>) target_semaphore(%run_scoped3A : memref<!tpu.dma_semaphore, #tpu.memory_space<semaphore_mem>>)
      %dma_wait3A_74 = arith.constant 0 : i32
      %dma_wait3A_75 = tpu.memref_slice %arg11[%add3A_28, %dma_wait3A_74] : memref<10112x64xf32, #tpu.memory_space<vmem_shared>> -> memref<128x64xf32, #tpu.memory_space<vmem_shared>>
      %dma_wait3A_76 = arith.constant 0 : i32
      %dma_wait3A_77 = tpu.memref_slice %arg11[%add3A_28, %dma_wait3A_76] : memref<10112x64xf32, #tpu.memory_space<vmem_shared>> -> memref<128x64xf32, #tpu.memory_space<vmem_shared>>
      tpu.wait_dma2 semaphore(%run_scoped3A : memref<!tpu.dma_semaphore, #tpu.memory_space<semaphore_mem>>) src(%arg10 : memref<128x64xf32, #tpu.memory_space<vmem>>) dst(%dma_wait3A_77 : memref<128x64xf32, #tpu.memory_space<vmem_shared>>)
      tpu.yield
    }) : () -> ()
    %add3A_29 = arith.constant 128 : i32
    %add3A_30 = arith.addi %mul3A_2, %add3A_29 : i32
    "tpu.region"() ({
      %run_scoped3A = tpu.sem_alloc : memref<!tpu.dma_semaphore, #tpu.memory_space<semaphore_mem>>
      %dma_start3A_70 = arith.constant 0 : i32
      %dma_start3A_71 = tpu.memref_slice %arg11[%add3A_30, %dma_start3A_70] : memref<10112x64xf32, #tpu.memory_space<vmem_shared>> -> memref<128x64xf32, #tpu.memory_space<vmem_shared>>
      %dma_start3A_72 = arith.constant 0 : i32
      %dma_start3A_73 = tpu.memref_slice %arg11[%add3A_30, %dma_start3A_72] : memref<10112x64xf32, #tpu.memory_space<vmem_shared>> -> memref<128x64xf32, #tpu.memory_space<vmem_shared>>
      tpu.enqueue_dma source(%arg10 : memref<128x64xf32, #tpu.memory_space<vmem>>) target(%dma_start3A_73 : memref<128x64xf32, #tpu.memory_space<vmem_shared>>) target_semaphore(%run_scoped3A : memref<!tpu.dma_semaphore, #tpu.memory_space<semaphore_mem>>)
      %dma_wait3A_74 = arith.constant 0 : i32
      %dma_wait3A_75 = tpu.memref_slice %arg11[%add3A_30, %dma_wait3A_74] : memref<10112x64xf32, #tpu.memory_space<vmem_shared>> -> memref<128x64xf32, #tpu.memory_space<vmem_shared>>
      %dma_wait3A_76 = arith.constant 0 : i32
      %dma_wait3A_77 = tpu.memref_slice %arg11[%add3A_30, %dma_wait3A_76] : memref<10112x64xf32, #tpu.memory_space<vmem_shared>> -> memref<128x64xf32, #tpu.memory_space<vmem_shared>>
      tpu.wait_dma2 semaphore(%run_scoped3A : memref<!tpu.dma_semaphore, #tpu.memory_space<semaphore_mem>>) src(%arg10 : memref<128x64xf32, #tpu.memory_space<vmem>>) dst(%dma_wait3A_77 : memref<128x64xf32, #tpu.memory_space<vmem_shared>>)
      tpu.yield
    }) : () -> ()
    %add3A_31 = arith.constant 256 : i32
    %add3A_32 = arith.addi %mul3A_2, %add3A_31 : i32
    "tpu.region"() ({
      %run_scoped3A = tpu.sem_alloc : memref<!tpu.dma_semaphore, #tpu.memory_space<semaphore_mem>>
      %dma_start3A_70 = arith.constant 0 : i32
      %dma_start3A_71 = tpu.memref_slice %arg11[%add3A_32, %dma_start3A_70] : memref<10112x64xf32, #tpu.memory_space<vmem_shared>> -> memref<128x64xf32, #tpu.memory_space<vmem_shared>>
      %dma_start3A_72 = arith.constant 0 : i32
      %dma_start3A_73 = tpu.memref_slice %arg11[%add3A_32, %dma_start3A_72] : memref<10112x64xf32, #tpu.memory_space<vmem_shared>> -> memref<128x64xf32, #tpu.memory_space<vmem_shared>>
      tpu.enqueue_dma source(%arg10 : memref<128x64xf32, #tpu.memory_space<vmem>>) target(%dma_start3A_73 : memref<128x64xf32, #tpu.memory_space<vmem_shared>>) target_semaphore(%run_scoped3A : memref<!tpu.dma_semaphore, #tpu.memory_space<semaphore_mem>>)
      %dma_wait3A_74 = arith.constant 0 : i32
      %dma_wait3A_75 = tpu.memref_slice %arg11[%add3A_32, %dma_wait3A_74] : memref<10112x64xf32, #tpu.memory_space<vmem_shared>> -> memref<128x64xf32, #tpu.memory_space<vmem_shared>>
      %dma_wait3A_76 = arith.constant 0 : i32
      %dma_wait3A_77 = tpu.memref_slice %arg11[%add3A_32, %dma_wait3A_76] : memref<10112x64xf32, #tpu.memory_space<vmem_shared>> -> memref<128x64xf32, #tpu.memory_space<vmem_shared>>
      tpu.wait_dma2 semaphore(%run_scoped3A : memref<!tpu.dma_semaphore, #tpu.memory_space<semaphore_mem>>) src(%arg10 : memref<128x64xf32, #tpu.memory_space<vmem>>) dst(%dma_wait3A_77 : memref<128x64xf32, #tpu.memory_space<vmem_shared>>)
      tpu.yield
    }) : () -> ()
    %add3A_33 = arith.constant 384 : i32
    %add3A_34 = arith.addi %mul3A_2, %add3A_33 : i32
    "tpu.region"() ({
      %run_scoped3A = tpu.sem_alloc : memref<!tpu.dma_semaphore, #tpu.memory_space<semaphore_mem>>
      %dma_start3A_70 = arith.constant 0 : i32
      %dma_start3A_71 = tpu.memref_slice %arg11[%add3A_34, %dma_start3A_70] : memref<10112x64xf32, #tpu.memory_space<vmem_shared>> -> memref<128x64xf32, #tpu.memory_space<vmem_shared>>
      %dma_start3A_72 = arith.constant 0 : i32
      %dma_start3A_73 = tpu.memref_slice %arg11[%add3A_34, %dma_start3A_72] : memref<10112x64xf32, #tpu.memory_space<vmem_shared>> -> memref<128x64xf32, #tpu.memory_space<vmem_shared>>
      tpu.enqueue_dma source(%arg10 : memref<128x64xf32, #tpu.memory_space<vmem>>) target(%dma_start3A_73 : memref<128x64xf32, #tpu.memory_space<vmem_shared>>) target_semaphore(%run_scoped3A : memref<!tpu.dma_semaphore, #tpu.memory_space<semaphore_mem>>)
      %dma_wait3A_74 = arith.constant 0 : i32
      %dma_wait3A_75 = tpu.memref_slice %arg11[%add3A_34, %dma_wait3A_74] : memref<10112x64xf32, #tpu.memory_space<vmem_shared>> -> memref<128x64xf32, #tpu.memory_space<vmem_shared>>
      %dma_wait3A_76 = arith.constant 0 : i32
      %dma_wait3A_77 = tpu.memref_slice %arg11[%add3A_34, %dma_wait3A_76] : memref<10112x64xf32, #tpu.memory_space<vmem_shared>> -> memref<128x64xf32, #tpu.memory_space<vmem_shared>>
      tpu.wait_dma2 semaphore(%run_scoped3A : memref<!tpu.dma_semaphore, #tpu.memory_space<semaphore_mem>>) src(%arg10 : memref<128x64xf32, #tpu.memory_space<vmem>>) dst(%dma_wait3A_77 : memref<128x64xf32, #tpu.memory_space<vmem_shared>>)
      tpu.yield
    }) : () -> ()
    %add3A_35 = arith.constant 512 : i32
    %add3A_36 = arith.addi %mul3A_2, %add3A_35 : i32
    "tpu.region"() ({
      %run_scoped3A = tpu.sem_alloc : memref<!tpu.dma_semaphore, #tpu.memory_space<semaphore_mem>>
      %dma_start3A_70 = arith.constant 0 : i32
      %dma_start3A_71 = arith.constant 0 : i32
      %dma_start3A_72 = tpu.memref_slice %arg10[%dma_start3A_70, %dma_start3A_71] : memref<128x64xf32, #tpu.memory_space<vmem>> -> memref<120x64xf32, #tpu.memory_space<vmem>>
      %dma_start3A_73 = arith.constant 0 : i32
      %dma_start3A_74 = tpu.memref_slice %arg11[%add3A_36, %dma_start3A_73] : memref<10112x64xf32, #tpu.memory_space<vmem_shared>> -> memref<120x64xf32, #tpu.memory_space<vmem_shared>>
      %dma_start3A_75 = arith.constant 0 : i32
      %dma_start3A_76 = tpu.memref_slice %arg11[%add3A_36, %dma_start3A_75] : memref<10112x64xf32, #tpu.memory_space<vmem_shared>> -> memref<120x64xf32, #tpu.memory_space<vmem_shared>>
      %dma_start3A_77 = arith.constant 0 : i32
      %dma_start3A_78 = arith.constant 0 : i32
      %dma_start3A_79 = tpu.memref_slice %arg10[%dma_start3A_77, %dma_start3A_78] : memref<128x64xf32, #tpu.memory_space<vmem>> -> memref<120x64xf32, #tpu.memory_space<vmem>>
      tpu.enqueue_dma source(%dma_start3A_79 : memref<120x64xf32, #tpu.memory_space<vmem>>) target(%dma_start3A_76 : memref<120x64xf32, #tpu.memory_space<vmem_shared>>) target_semaphore(%run_scoped3A : memref<!tpu.dma_semaphore, #tpu.memory_space<semaphore_mem>>)
      %dma_wait3A_80 = arith.constant 0 : i32
      %dma_wait3A_81 = arith.constant 0 : i32
      %dma_wait3A_82 = tpu.memref_slice %arg10[%dma_wait3A_80, %dma_wait3A_81] : memref<128x64xf32, #tpu.memory_space<vmem>> -> memref<120x64xf32, #tpu.memory_space<vmem>>
      %dma_wait3A_83 = arith.constant 0 : i32
      %dma_wait3A_84 = tpu.memref_slice %arg11[%add3A_36, %dma_wait3A_83] : memref<10112x64xf32, #tpu.memory_space<vmem_shared>> -> memref<120x64xf32, #tpu.memory_space<vmem_shared>>
      %dma_wait3A_85 = arith.constant 0 : i32
      %dma_wait3A_86 = tpu.memref_slice %arg11[%add3A_36, %dma_wait3A_85] : memref<10112x64xf32, #tpu.memory_space<vmem_shared>> -> memref<120x64xf32, #tpu.memory_space<vmem_shared>>
      %dma_wait3A_87 = arith.constant 0 : i32
      %dma_wait3A_88 = arith.constant 0 : i32
      %dma_wait3A_89 = tpu.memref_slice %arg10[%dma_wait3A_87, %dma_wait3A_88] : memref<128x64xf32, #tpu.memory_space<vmem>> -> memref<120x64xf32, #tpu.memory_space<vmem>>
      tpu.wait_dma2 semaphore(%run_scoped3A : memref<!tpu.dma_semaphore, #tpu.memory_space<semaphore_mem>>) src(%dma_wait3A_89 : memref<120x64xf32, #tpu.memory_space<vmem>>) dst(%dma_wait3A_86 : memref<120x64xf32, #tpu.memory_space<vmem_shared>>)
      tpu.yield
    }) : () -> ()
    %dma_wait3A = arith.constant 0 : i32
    %dma_wait3A_37 = arith.constant 0 : i32
    %dma_wait3A_38 = tpu.memref_slice %arg3[%add3A, %dma_wait3A, %dma_wait3A_37] : memref<32x80x128xi32, #tpu.memory_space<hbm>> -> memref<1x80x128xi32, #tpu.memory_space<hbm>>
    %dma_wait3A_39 = tpu.memref_squeeze %dma_wait3A_38 : memref<1x80x128xi32, #tpu.memory_space<hbm>> -> memref<80x128xi32, #tpu.memory_space<hbm>>
    %dma_wait3A_40 = arith.constant 0 : i32
    %dma_wait3A_41 = arith.constant 0 : i32
    %dma_wait3A_42 = tpu.memref_slice %arg3[%add3A, %dma_wait3A_40, %dma_wait3A_41] : memref<32x80x128xi32, #tpu.memory_space<hbm>> -> memref<1x80x128xi32, #tpu.memory_space<hbm>>
    %dma_wait3A_43 = tpu.memref_squeeze %dma_wait3A_42 : memref<1x80x128xi32, #tpu.memory_space<hbm>> -> memref<80x128xi32, #tpu.memory_space<hbm>>
    tpu.wait_dma2 semaphore(%arg13 : memref<!tpu.dma_semaphore, #tpu.memory_space<semaphore_mem>>) src(%dma_wait3A_43 : memref<80x128xi32, #tpu.memory_space<hbm>>) dst(%arg6 : memref<80x128xi32, #tpu.memory_space<vmem>>)
    %dma_wait3A_44 = arith.constant 0 : i32
    %dma_wait3A_45 = arith.constant 0 : i32
    %dma_wait3A_46 = tpu.memref_slice %arg4[%add3A, %dma_wait3A_44, %dma_wait3A_45] : memref<32x80x128xi32, #tpu.memory_space<hbm>> -> memref<1x80x128xi32, #tpu.memory_space<hbm>>
    %dma_wait3A_47 = tpu.memref_squeeze %dma_wait3A_46 : memref<1x80x128xi32, #tpu.memory_space<hbm>> -> memref<80x128xi32, #tpu.memory_space<hbm>>
    %dma_wait3A_48 = arith.constant 0 : i32
    %dma_wait3A_49 = arith.constant 0 : i32
    %dma_wait3A_50 = tpu.memref_slice %arg4[%add3A, %dma_wait3A_48, %dma_wait3A_49] : memref<32x80x128xi32, #tpu.memory_space<hbm>> -> memref<1x80x128xi32, #tpu.memory_space<hbm>>
    %dma_wait3A_51 = tpu.memref_squeeze %dma_wait3A_50 : memref<1x80x128xi32, #tpu.memory_space<hbm>> -> memref<80x128xi32, #tpu.memory_space<hbm>>
    tpu.wait_dma2 semaphore(%arg13 : memref<!tpu.dma_semaphore, #tpu.memory_space<semaphore_mem>>) src(%dma_wait3A_51 : memref<80x128xi32, #tpu.memory_space<hbm>>) dst(%arg7 : memref<80x128xi32, #tpu.memory_space<vmem>>)
    %dma_wait3A_52 = arith.constant 0 : i32
    %dma_wait3A_53 = tpu.memref_slice %arg12[%mul3A_2, %dma_wait3A_52] : memref<10112x64xf32, #tpu.memory_space<vmem_shared>> -> memref<632x64xf32, #tpu.memory_space<vmem_shared>>
    %dma_wait3A_54 = arith.constant 0 : i32
    %dma_wait3A_55 = tpu.memref_slice %arg2[%mul3A_2, %dma_wait3A_54] : memref<10112x64xf32, #tpu.memory_space<hbm>> -> memref<632x64xf32, #tpu.memory_space<hbm>>
    tpu.wait_dma2 semaphore(%arg14 : memref<!tpu.dma_semaphore, #tpu.memory_space<semaphore_mem>>) src(%dma_wait3A_55 : memref<632x64xf32, #tpu.memory_space<hbm>>) dst(%dma_wait3A_53 : memref<632x64xf32, #tpu.memory_space<vmem_shared>>)
    %barrier3A = arith.constant 0 : index
    tpu.barrier barrier_id(%barrier3A)
    %dma_start3A_56 = arith.constant 0 : i32
    %dma_start3A_57 = arith.constant 0 : i32
    %dma_start3A_58 = tpu.memref_slice %arg6[%dma_start3A_56, %dma_start3A_57] : memref<80x128xi32, #tpu.memory_space<vmem>> -> memref<1x128xi32, #tpu.memory_space<vmem>>
    %dma_start3A_59 = tpu.memref_squeeze %dma_start3A_58 : memref<1x128xi32, #tpu.memory_space<vmem>> -> memref<128xi32, #tpu.memory_space<vmem>>
    %dma_start3A_60 = arith.constant 0 : i32
    %dma_start3A_61 = arith.constant 0 : i32
    %dma_start3A_62 = tpu.memref_slice %arg12[%dma_start3A_60, %dma_start3A_61] : memref<10112x64xf32, #tpu.memory_space<vmem_shared>> -> memref<10112x64xf32, #tpu.memory_space<vmem_shared>>
    tpu.enqueue_indirect_dma source(%dma_start3A_62 : memref<10112x64xf32, #tpu.memory_space<vmem_shared>>) target(%arg8 : memref<128x64xf32, #tpu.memory_space<vmem>>) offsets(%dma_start3A_59 : memref<128xi32, #tpu.memory_space<vmem>>) semaphore(%arg13 : memref<!tpu.dma_semaphore, #tpu.memory_space<semaphore_mem>>)
    %scan3A_63 = arith.constant 0 : i32
    %scan3A_64 = arith.constant 0 : i32
    %scan3A_65 = arith.constant 40 : i32
    %scan3A_66 = arith.addi %scan3A_64, %scan3A_65 : i32
    %scan3A_67 = arith.constant 1 : i32
    scf.for %scan3A_70 = %scan3A_64 to %scan3A_66 step %scan3A_67  : i32 {
      %mul3A_71 = arith.constant 2 : i32
      %mul3A_72 = arith.muli %scan3A_70, %mul3A_71 : i32
      %dma_wait3A_73 = arith.constant 0 : i32
      %dma_wait3A_74 = tpu.memref_slice %arg6[%mul3A_72, %dma_wait3A_73] : memref<80x128xi32, #tpu.memory_space<vmem>> -> memref<1x128xi32, #tpu.memory_space<vmem>>
      %dma_wait3A_75 = tpu.memref_squeeze %dma_wait3A_74 : memref<1x128xi32, #tpu.memory_space<vmem>> -> memref<128xi32, #tpu.memory_space<vmem>>
      %dma_wait3A_76 = arith.constant 0 : i32
      %dma_wait3A_77 = arith.constant 0 : i32
      %dma_wait3A_78 = tpu.memref_slice %arg12[%dma_wait3A_76, %dma_wait3A_77] : memref<10112x64xf32, #tpu.memory_space<vmem_shared>> -> memref<10112x64xf32, #tpu.memory_space<vmem_shared>>
      tpu.wait_indirect_dma semaphore(%arg13 : memref<!tpu.dma_semaphore, #tpu.memory_space<semaphore_mem>>) src(%dma_wait3A_78 : memref<10112x64xf32, #tpu.memory_space<vmem_shared>>) dst(%arg8 : memref<128x64xf32, #tpu.memory_space<vmem>>)
      %add3A_79 = arith.constant 1 : i32
      %add3A_80 = arith.addi %mul3A_72, %add3A_79 : i32
      %dma_start3A_81 = arith.constant 0 : i32
      %dma_start3A_82 = tpu.memref_slice %arg6[%add3A_80, %dma_start3A_81] : memref<80x128xi32, #tpu.memory_space<vmem>> -> memref<1x128xi32, #tpu.memory_space<vmem>>
      %dma_start3A_83 = tpu.memref_squeeze %dma_start3A_82 : memref<1x128xi32, #tpu.memory_space<vmem>> -> memref<128xi32, #tpu.memory_space<vmem>>
      %dma_start3A_84 = arith.constant 0 : i32
      %dma_start3A_85 = arith.constant 0 : i32
      %dma_start3A_86 = tpu.memref_slice %arg12[%dma_start3A_84, %dma_start3A_85] : memref<10112x64xf32, #tpu.memory_space<vmem_shared>> -> memref<10112x64xf32, #tpu.memory_space<vmem_shared>>
      tpu.enqueue_indirect_dma source(%dma_start3A_86 : memref<10112x64xf32, #tpu.memory_space<vmem_shared>>) target(%arg9 : memref<128x64xf32, #tpu.memory_space<vmem>>) offsets(%dma_start3A_83 : memref<128xi32, #tpu.memory_space<vmem>>) semaphore(%arg14 : memref<!tpu.dma_semaphore, #tpu.memory_space<semaphore_mem>>)
      "tpu.region"() ({
        %run_scoped3A = tpu.sem_alloc : memref<!tpu.dma_semaphore, #tpu.memory_space<semaphore_mem>>
        %dma_start3A_101 = arith.constant 0 : i32
        %dma_start3A_102 = tpu.memref_slice %arg7[%mul3A_72, %dma_start3A_101] : memref<80x128xi32, #tpu.memory_space<vmem>> -> memref<1x128xi32, #tpu.memory_space<vmem>>
        %dma_start3A_103 = tpu.memref_squeeze %dma_start3A_102 : memref<1x128xi32, #tpu.memory_space<vmem>> -> memref<128xi32, #tpu.memory_space<vmem>>
        %dma_start3A_104 = arith.constant 0 : i32
        %dma_start3A_105 = arith.constant 0 : i32
        %dma_start3A_106 = tpu.memref_slice %arg11[%dma_start3A_104, %dma_start3A_105] : memref<10112x64xf32, #tpu.memory_space<vmem_shared>> -> memref<10112x64xf32, #tpu.memory_space<vmem_shared>>
        tpu.enqueue_indirect_dma source(%arg8 : memref<128x64xf32, #tpu.memory_space<vmem>>) target(%dma_start3A_106 : memref<10112x64xf32, #tpu.memory_space<vmem_shared>>) offsets(%dma_start3A_103 : memref<128xi32, #tpu.memory_space<vmem>>) semaphore(%run_scoped3A : memref<!tpu.dma_semaphore, #tpu.memory_space<semaphore_mem>>) {add = true}
        %dma_wait3A_107 = arith.constant 0 : i32
        %dma_wait3A_108 = tpu.memref_slice %arg7[%mul3A_72, %dma_wait3A_107] : memref<80x128xi32, #tpu.memory_space<vmem>> -> memref<1x128xi32, #tpu.memory_space<vmem>>
        %dma_wait3A_109 = tpu.memref_squeeze %dma_wait3A_108 : memref<1x128xi32, #tpu.memory_space<vmem>> -> memref<128xi32, #tpu.memory_space<vmem>>
        %dma_wait3A_110 = arith.constant 0 : i32
        %dma_wait3A_111 = arith.constant 0 : i32
        %dma_wait3A_112 = tpu.memref_slice %arg11[%dma_wait3A_110, %dma_wait3A_111] : memref<10112x64xf32, #tpu.memory_space<vmem_shared>> -> memref<10112x64xf32, #tpu.memory_space<vmem_shared>>
        tpu.wait_indirect_dma semaphore(%run_scoped3A : memref<!tpu.dma_semaphore, #tpu.memory_space<semaphore_mem>>) src(%arg8 : memref<128x64xf32, #tpu.memory_space<vmem>>) dst(%dma_wait3A_112 : memref<10112x64xf32, #tpu.memory_space<vmem_shared>>)
        tpu.yield
      }) : () -> ()
      %add3A_87 = arith.constant 1 : i32
      %add3A_88 = arith.addi %mul3A_72, %add3A_87 : i32
      %dma_wait3A_89 = arith.constant 0 : i32
      %dma_wait3A_90 = tpu.memref_slice %arg6[%add3A_88, %dma_wait3A_89] : memref<80x128xi32, #tpu.memory_space<vmem>> -> memref<1x128xi32, #tpu.memory_space<vmem>>
      %dma_wait3A_91 = tpu.memref_squeeze %dma_wait3A_90 : memref<1x128xi32, #tpu.memory_space<vmem>> -> memref<128xi32, #tpu.memory_space<vmem>>
      %dma_wait3A_92 = arith.constant 0 : i32
      %dma_wait3A_93 = arith.constant 0 : i32
      %dma_wait3A_94 = tpu.memref_slice %arg12[%dma_wait3A_92, %dma_wait3A_93] : memref<10112x64xf32, #tpu.memory_space<vmem_shared>> -> memref<10112x64xf32, #tpu.memory_space<vmem_shared>>
      tpu.wait_indirect_dma semaphore(%arg14 : memref<!tpu.dma_semaphore, #tpu.memory_space<semaphore_mem>>) src(%dma_wait3A_94 : memref<10112x64xf32, #tpu.memory_space<vmem_shared>>) dst(%arg9 : memref<128x64xf32, #tpu.memory_space<vmem>>)
      %add3A_95 = arith.constant 2 : i32
      %add3A_96 = arith.addi %mul3A_72, %add3A_95 : i32
      %lt3A = arith.constant 80 : i32
      %lt3A_97 = arith.cmpi slt, %add3A_96, %lt3A : i32
      %convert_element_type3A = arith.extui %lt3A_97 : i1 to i32
      %cond3A = arith.constant 0 : i32
      %cond3A_98 = arith.cmpi ne, %convert_element_type3A, %cond3A : i32
      scf.if %cond3A_98 {
        %add3A_101 = arith.constant 2 : i32
        %add3A_102 = arith.addi %mul3A_72, %add3A_101 : i32
        %dma_start3A_103 = arith.constant 0 : i32
        %dma_start3A_104 = tpu.memref_slice %arg6[%add3A_102, %dma_start3A_103] : memref<80x128xi32, #tpu.memory_space<vmem>> -> memref<1x128xi32, #tpu.memory_space<vmem>>
        %dma_start3A_105 = tpu.memref_squeeze %dma_start3A_104 : memref<1x128xi32, #tpu.memory_space<vmem>> -> memref<128xi32, #tpu.memory_space<vmem>>
        %dma_start3A_106 = arith.constant 0 : i32
        %dma_start3A_107 = arith.constant 0 : i32
        %dma_start3A_108 = tpu.memref_slice %arg12[%dma_start3A_106, %dma_start3A_107] : memref<10112x64xf32, #tpu.memory_space<vmem_shared>> -> memref<10112x64xf32, #tpu.memory_space<vmem_shared>>
        tpu.enqueue_indirect_dma source(%dma_start3A_108 : memref<10112x64xf32, #tpu.memory_space<vmem_shared>>) target(%arg8 : memref<128x64xf32, #tpu.memory_space<vmem>>) offsets(%dma_start3A_105 : memref<128xi32, #tpu.memory_space<vmem>>) semaphore(%arg13 : memref<!tpu.dma_semaphore, #tpu.memory_space<semaphore_mem>>)
      } else {
      }
      %add3A_99 = arith.constant 1 : i32
      %add3A_100 = arith.addi %mul3A_72, %add3A_99 : i32
      "tpu.region"() ({
        %run_scoped3A = tpu.sem_alloc : memref<!tpu.dma_semaphore, #tpu.memory_space<semaphore_mem>>
        %dma_start3A_101 = arith.constant 0 : i32
        %dma_start3A_102 = tpu.memref_slice %arg7[%add3A_100, %dma_start3A_101] : memref<80x128xi32, #tpu.memory_space<vmem>> -> memref<1x128xi32, #tpu.memory_space<vmem>>
        %dma_start3A_103 = tpu.memref_squeeze %dma_start3A_102 : memref<1x128xi32, #tpu.memory_space<vmem>> -> memref<128xi32, #tpu.memory_space<vmem>>
        %dma_start3A_104 = arith.constant 0 : i32
        %dma_start3A_105 = arith.constant 0 : i32
        %dma_start3A_106 = tpu.memref_slice %arg11[%dma_start3A_104, %dma_start3A_105] : memref<10112x64xf32, #tpu.memory_space<vmem_shared>> -> memref<10112x64xf32, #tpu.memory_space<vmem_shared>>
        tpu.enqueue_indirect_dma source(%arg9 : memref<128x64xf32, #tpu.memory_space<vmem>>) target(%dma_start3A_106 : memref<10112x64xf32, #tpu.memory_space<vmem_shared>>) offsets(%dma_start3A_103 : memref<128xi32, #tpu.memory_space<vmem>>) semaphore(%run_scoped3A : memref<!tpu.dma_semaphore, #tpu.memory_space<semaphore_mem>>) {add = true}
        %dma_wait3A_107 = arith.constant 0 : i32
        %dma_wait3A_108 = tpu.memref_slice %arg7[%add3A_100, %dma_wait3A_107] : memref<80x128xi32, #tpu.memory_space<vmem>> -> memref<1x128xi32, #tpu.memory_space<vmem>>
        %dma_wait3A_109 = tpu.memref_squeeze %dma_wait3A_108 : memref<1x128xi32, #tpu.memory_space<vmem>> -> memref<128xi32, #tpu.memory_space<vmem>>
        %dma_wait3A_110 = arith.constant 0 : i32
        %dma_wait3A_111 = arith.constant 0 : i32
        %dma_wait3A_112 = tpu.memref_slice %arg11[%dma_wait3A_110, %dma_wait3A_111] : memref<10112x64xf32, #tpu.memory_space<vmem_shared>> -> memref<10112x64xf32, #tpu.memory_space<vmem_shared>>
        tpu.wait_indirect_dma semaphore(%run_scoped3A : memref<!tpu.dma_semaphore, #tpu.memory_space<semaphore_mem>>) src(%arg9 : memref<128x64xf32, #tpu.memory_space<vmem>>) dst(%dma_wait3A_112 : memref<10112x64xf32, #tpu.memory_space<vmem_shared>>)
        tpu.yield
      }) : () -> ()
    }
    %scan3A_68 = arith.constant 40 : i32
    %barrier3A_69 = arith.constant 0 : index
    tpu.barrier barrier_id(%barrier3A_69)
    "tpu.region"() ({
      %run_scoped3A = tpu.sem_alloc : memref<!tpu.dma_semaphore, #tpu.memory_space<semaphore_mem>>
      %dma_start3A_70 = arith.constant 0 : i32
      %dma_start3A_71 = tpu.memref_slice %arg5[%arg0, %mul3A_2, %dma_start3A_70] : memref<2x10112x64xf32, #tpu.memory_space<hbm>> -> memref<1x632x64xf32, #tpu.memory_space<hbm>>
      %dma_start3A_72 = tpu.memref_squeeze %dma_start3A_71 : memref<1x632x64xf32, #tpu.memory_space<hbm>> -> memref<632x64xf32, #tpu.memory_space<hbm>>
      %dma_start3A_73 = arith.constant 0 : i32
      %dma_start3A_74 = tpu.memref_slice %arg11[%mul3A_2, %dma_start3A_73] : memref<10112x64xf32, #tpu.memory_space<vmem_shared>> -> memref<632x64xf32, #tpu.memory_space<vmem_shared>>
      tpu.enqueue_dma source(%dma_start3A_74 : memref<632x64xf32, #tpu.memory_space<vmem_shared>>) target(%dma_start3A_72 : memref<632x64xf32, #tpu.memory_space<hbm>>) target_semaphore(%run_scoped3A : memref<!tpu.dma_semaphore, #tpu.memory_space<semaphore_mem>>)
      %dma_wait3A_75 = arith.constant 0 : i32
      %dma_wait3A_76 = tpu.memref_slice %arg5[%arg0, %mul3A_2, %dma_wait3A_75] : memref<2x10112x64xf32, #tpu.memory_space<hbm>> -> memref<1x632x64xf32, #tpu.memory_space<hbm>>
      %dma_wait3A_77 = tpu.memref_squeeze %dma_wait3A_76 : memref<1x632x64xf32, #tpu.memory_space<hbm>> -> memref<632x64xf32, #tpu.memory_space<hbm>>
      %dma_wait3A_78 = arith.constant 0 : i32
      %dma_wait3A_79 = tpu.memref_slice %arg11[%mul3A_2, %dma_wait3A_78] : memref<10112x64xf32, #tpu.memory_space<vmem_shared>> -> memref<632x64xf32, #tpu.memory_space<vmem_shared>>
      tpu.wait_dma2 semaphore(%run_scoped3A : memref<!tpu.dma_semaphore, #tpu.memory_space<semaphore_mem>>) src(%dma_wait3A_79 : memref<632x64xf32, #tpu.memory_space<vmem_shared>>) dst(%dma_wait3A_77 : memref<632x64xf32, #tpu.memory_space<hbm>>)
      tpu.yield
    }) : () -> ()
    return
  }
}

#map = affine_map<(d0, d1) -> (0, 0, 0)>
module attributes {stable_mosaic.version = 14 : i64} {
  func.func @_deg_hist_body(%arg0: i32, %arg1: i32, %arg2: memref<32x80x128xi32, #tpu.memory_space<hbm>>, %arg3: memref<2x10112x64xf32, #tpu.memory_space<hbm>>, %arg4: memref<80x128xi32, #tpu.memory_space<vmem>>, %arg5: memref<128x16xf32, #tpu.memory_space<vmem>>, %arg6: memref<128x16xf32, #tpu.memory_space<vmem>>, %arg7: memref<10112x16xf32, #tpu.memory_space<vmem_shared>>, %arg8: memref<632x16xf32, #tpu.memory_space<vmem>>, %arg9: memref<632x64xf32, #tpu.memory_space<vmem>>) attributes {dimension_semantics = [#tpu.dimension_semantics<core_parallel>, #tpu.dimension_semantics<subcore_parallel>], iteration_bounds = array<i64: 2, 16>, scalar_prefetch = 0 : i64, scratch_operands = 6 : i64, tpu.core_type = #tpu.core_type<sc_vector_subcore>, window_params = [{transform_indices = #map}, {transform_indices = #map}]} {
    %mul3A = arith.constant 16 : i32
    %mul3A_0 = arith.muli %arg0, %mul3A : i32
    %add3A = arith.addi %mul3A_0, %arg1 : i32
    %scan3A = arith.constant 0 : i32
    %scan3A_1 = arith.constant 0 : i32
    %scan3A_2 = arith.constant 128 : i32
    %scan3A_3 = arith.addi %scan3A_1, %scan3A_2 : i32
    %scan3A_4 = arith.constant 1 : i32
    scf.for %scan3A_31 = %scan3A_1 to %scan3A_3 step %scan3A_4  : i32 {
      %broadcast_in_dim3A = arith.constant 0.000000e+00 : f32
      %broadcast_in_dim3A_32 = vector.broadcast %broadcast_in_dim3A : f32 to vector<16xf32>
      %swap3A = arith.index_cast %scan3A_31 : i32 to index
      %swap3A_33 = arith.constant 0 : index
      %swap3A_34 = tpu.vector_load %arg6[%swap3A, %swap3A_33] {strides = array<i32>} : memref<128x16xf32, #tpu.memory_space<vmem>>, vector<1x16xf32>,
      %swap3A_35 = vector.shape_cast %swap3A_34 : vector<1x16xf32> to vector<16xf32>
      %swap3A_36 = vector.shape_cast %broadcast_in_dim3A_32 : vector<16xf32> to vector<1x16xf32>
      tpu.vector_store %arg6[%swap3A, %swap3A_33], %swap3A_36 {strides = array<i32>} : memref<128x16xf32, #tpu.memory_space<vmem>>, vector<1x16xf32>,
      %broadcast_in_dim3A_37 = arith.constant 1.000000e+00 : f32
      %broadcast_in_dim3A_38 = vector.broadcast %broadcast_in_dim3A_37 : f32 to vector<16xf32>
      %swap3A_39 = arith.index_cast %scan3A_31 : i32 to index
      %swap3A_40 = arith.constant 0 : index
      %swap3A_41 = tpu.vector_load %arg5[%swap3A_39, %swap3A_40] {strides = array<i32>} : memref<128x16xf32, #tpu.memory_space<vmem>>, vector<1x16xf32>,
      %swap3A_42 = vector.shape_cast %swap3A_41 : vector<1x16xf32> to vector<16xf32>
      %swap3A_43 = vector.shape_cast %broadcast_in_dim3A_38 : vector<16xf32> to vector<1x16xf32>
      tpu.vector_store %arg5[%swap3A_39, %swap3A_40], %swap3A_43 {strides = array<i32>} : memref<128x16xf32, #tpu.memory_space<vmem>>, vector<1x16xf32>,
    }
    %scan3A_5 = arith.constant 128 : i32
    %mul3A_6 = arith.constant 632 : i32
    %mul3A_7 = arith.muli %arg1, %mul3A_6 : i32
    %add3A_8 = arith.constant 0 : i32
    %add3A_9 = arith.addi %mul3A_7, %add3A_8 : i32
    "tpu.region"() ({
      %run_scoped3A = tpu.sem_alloc : memref<!tpu.dma_semaphore, #tpu.memory_space<semaphore_mem>>
      %dma_start3A = arith.constant 0 : i32
      %dma_start3A_31 = tpu.memref_slice %arg7[%add3A_9, %dma_start3A] : memref<10112x16xf32, #tpu.memory_space<vmem_shared>> -> memref<128x16xf32, #tpu.memory_space<vmem_shared>>
      %dma_start3A_32 = arith.constant 0 : i32
      %dma_start3A_33 = tpu.memref_slice %arg7[%add3A_9, %dma_start3A_32] : memref<10112x16xf32, #tpu.memory_space<vmem_shared>> -> memref<128x16xf32, #tpu.memory_space<vmem_shared>>
      tpu.enqueue_dma source(%arg6 : memref<128x16xf32, #tpu.memory_space<vmem>>) target(%dma_start3A_33 : memref<128x16xf32, #tpu.memory_space<vmem_shared>>) target_semaphore(%run_scoped3A : memref<!tpu.dma_semaphore, #tpu.memory_space<semaphore_mem>>)
      %dma_wait3A = arith.constant 0 : i32
      %dma_wait3A_34 = tpu.memref_slice %arg7[%add3A_9, %dma_wait3A] : memref<10112x16xf32, #tpu.memory_space<vmem_shared>> -> memref<128x16xf32, #tpu.memory_space<vmem_shared>>
      %dma_wait3A_35 = arith.constant 0 : i32
      %dma_wait3A_36 = tpu.memref_slice %arg7[%add3A_9, %dma_wait3A_35] : memref<10112x16xf32, #tpu.memory_space<vmem_shared>> -> memref<128x16xf32, #tpu.memory_space<vmem_shared>>
      tpu.wait_dma2 semaphore(%run_scoped3A : memref<!tpu.dma_semaphore, #tpu.memory_space<semaphore_mem>>) src(%arg6 : memref<128x16xf32, #tpu.memory_space<vmem>>) dst(%dma_wait3A_36 : memref<128x16xf32, #tpu.memory_space<vmem_shared>>)
      tpu.yield
    }) : () -> ()
    %add3A_10 = arith.constant 128 : i32
    %add3A_11 = arith.addi %mul3A_7, %add3A_10 : i32
    "tpu.region"() ({
      %run_scoped3A = tpu.sem_alloc : memref<!tpu.dma_semaphore, #tpu.memory_space<semaphore_mem>>
      %dma_start3A = arith.constant 0 : i32
      %dma_start3A_31 = tpu.memref_slice %arg7[%add3A_11, %dma_start3A] : memref<10112x16xf32, #tpu.memory_space<vmem_shared>> -> memref<128x16xf32, #tpu.memory_space<vmem_shared>>
      %dma_start3A_32 = arith.constant 0 : i32
      %dma_start3A_33 = tpu.memref_slice %arg7[%add3A_11, %dma_start3A_32] : memref<10112x16xf32, #tpu.memory_space<vmem_shared>> -> memref<128x16xf32, #tpu.memory_space<vmem_shared>>
      tpu.enqueue_dma source(%arg6 : memref<128x16xf32, #tpu.memory_space<vmem>>) target(%dma_start3A_33 : memref<128x16xf32, #tpu.memory_space<vmem_shared>>) target_semaphore(%run_scoped3A : memref<!tpu.dma_semaphore, #tpu.memory_space<semaphore_mem>>)
      %dma_wait3A = arith.constant 0 : i32
      %dma_wait3A_34 = tpu.memref_slice %arg7[%add3A_11, %dma_wait3A] : memref<10112x16xf32, #tpu.memory_space<vmem_shared>> -> memref<128x16xf32, #tpu.memory_space<vmem_shared>>
      %dma_wait3A_35 = arith.constant 0 : i32
      %dma_wait3A_36 = tpu.memref_slice %arg7[%add3A_11, %dma_wait3A_35] : memref<10112x16xf32, #tpu.memory_space<vmem_shared>> -> memref<128x16xf32, #tpu.memory_space<vmem_shared>>
      tpu.wait_dma2 semaphore(%run_scoped3A : memref<!tpu.dma_semaphore, #tpu.memory_space<semaphore_mem>>) src(%arg6 : memref<128x16xf32, #tpu.memory_space<vmem>>) dst(%dma_wait3A_36 : memref<128x16xf32, #tpu.memory_space<vmem_shared>>)
      tpu.yield
    }) : () -> ()
    %add3A_12 = arith.constant 256 : i32
    %add3A_13 = arith.addi %mul3A_7, %add3A_12 : i32
    "tpu.region"() ({
      %run_scoped3A = tpu.sem_alloc : memref<!tpu.dma_semaphore, #tpu.memory_space<semaphore_mem>>
      %dma_start3A = arith.constant 0 : i32
      %dma_start3A_31 = tpu.memref_slice %arg7[%add3A_13, %dma_start3A] : memref<10112x16xf32, #tpu.memory_space<vmem_shared>> -> memref<128x16xf32, #tpu.memory_space<vmem_shared>>
      %dma_start3A_32 = arith.constant 0 : i32
      %dma_start3A_33 = tpu.memref_slice %arg7[%add3A_13, %dma_start3A_32] : memref<10112x16xf32, #tpu.memory_space<vmem_shared>> -> memref<128x16xf32, #tpu.memory_space<vmem_shared>>
      tpu.enqueue_dma source(%arg6 : memref<128x16xf32, #tpu.memory_space<vmem>>) target(%dma_start3A_33 : memref<128x16xf32, #tpu.memory_space<vmem_shared>>) target_semaphore(%run_scoped3A : memref<!tpu.dma_semaphore, #tpu.memory_space<semaphore_mem>>)
      %dma_wait3A = arith.constant 0 : i32
      %dma_wait3A_34 = tpu.memref_slice %arg7[%add3A_13, %dma_wait3A] : memref<10112x16xf32, #tpu.memory_space<vmem_shared>> -> memref<128x16xf32, #tpu.memory_space<vmem_shared>>
      %dma_wait3A_35 = arith.constant 0 : i32
      %dma_wait3A_36 = tpu.memref_slice %arg7[%add3A_13, %dma_wait3A_35] : memref<10112x16xf32, #tpu.memory_space<vmem_shared>> -> memref<128x16xf32, #tpu.memory_space<vmem_shared>>
      tpu.wait_dma2 semaphore(%run_scoped3A : memref<!tpu.dma_semaphore, #tpu.memory_space<semaphore_mem>>) src(%arg6 : memref<128x16xf32, #tpu.memory_space<vmem>>) dst(%dma_wait3A_36 : memref<128x16xf32, #tpu.memory_space<vmem_shared>>)
      tpu.yield
    }) : () -> ()
    %add3A_14 = arith.constant 384 : i32
    %add3A_15 = arith.addi %mul3A_7, %add3A_14 : i32
    "tpu.region"() ({
      %run_scoped3A = tpu.sem_alloc : memref<!tpu.dma_semaphore, #tpu.memory_space<semaphore_mem>>
      %dma_start3A = arith.constant 0 : i32
      %dma_start3A_31 = tpu.memref_slice %arg7[%add3A_15, %dma_start3A] : memref<10112x16xf32, #tpu.memory_space<vmem_shared>> -> memref<128x16xf32, #tpu.memory_space<vmem_shared>>
      %dma_start3A_32 = arith.constant 0 : i32
      %dma_start3A_33 = tpu.memref_slice %arg7[%add3A_15, %dma_start3A_32] : memref<10112x16xf32, #tpu.memory_space<vmem_shared>> -> memref<128x16xf32, #tpu.memory_space<vmem_shared>>
      tpu.enqueue_dma source(%arg6 : memref<128x16xf32, #tpu.memory_space<vmem>>) target(%dma_start3A_33 : memref<128x16xf32, #tpu.memory_space<vmem_shared>>) target_semaphore(%run_scoped3A : memref<!tpu.dma_semaphore, #tpu.memory_space<semaphore_mem>>)
      %dma_wait3A = arith.constant 0 : i32
      %dma_wait3A_34 = tpu.memref_slice %arg7[%add3A_15, %dma_wait3A] : memref<10112x16xf32, #tpu.memory_space<vmem_shared>> -> memref<128x16xf32, #tpu.memory_space<vmem_shared>>
      %dma_wait3A_35 = arith.constant 0 : i32
      %dma_wait3A_36 = tpu.memref_slice %arg7[%add3A_15, %dma_wait3A_35] : memref<10112x16xf32, #tpu.memory_space<vmem_shared>> -> memref<128x16xf32, #tpu.memory_space<vmem_shared>>
      tpu.wait_dma2 semaphore(%run_scoped3A : memref<!tpu.dma_semaphore, #tpu.memory_space<semaphore_mem>>) src(%arg6 : memref<128x16xf32, #tpu.memory_space<vmem>>) dst(%dma_wait3A_36 : memref<128x16xf32, #tpu.memory_space<vmem_shared>>)
      tpu.yield
    }) : () -> ()
    %add3A_16 = arith.constant 512 : i32
    %add3A_17 = arith.addi %mul3A_7, %add3A_16 : i32
    "tpu.region"() ({
      %run_scoped3A = tpu.sem_alloc : memref<!tpu.dma_semaphore, #tpu.memory_space<semaphore_mem>>
      %dma_start3A = arith.constant 0 : i32
      %dma_start3A_31 = arith.constant 0 : i32
      %dma_start3A_32 = tpu.memref_slice %arg6[%dma_start3A, %dma_start3A_31] : memref<128x16xf32, #tpu.memory_space<vmem>> -> memref<120x16xf32, #tpu.memory_space<vmem>>
      %dma_start3A_33 = arith.constant 0 : i32
      %dma_start3A_34 = tpu.memref_slice %arg7[%add3A_17, %dma_start3A_33] : memref<10112x16xf32, #tpu.memory_space<vmem_shared>> -> memref<120x16xf32, #tpu.memory_space<vmem_shared>>
      %dma_start3A_35 = arith.constant 0 : i32
      %dma_start3A_36 = tpu.memref_slice %arg7[%add3A_17, %dma_start3A_35] : memref<10112x16xf32, #tpu.memory_space<vmem_shared>> -> memref<120x16xf32, #tpu.memory_space<vmem_shared>>
      %dma_start3A_37 = arith.constant 0 : i32
      %dma_start3A_38 = arith.constant 0 : i32
      %dma_start3A_39 = tpu.memref_slice %arg6[%dma_start3A_37, %dma_start3A_38] : memref<128x16xf32, #tpu.memory_space<vmem>> -> memref<120x16xf32, #tpu.memory_space<vmem>>
      tpu.enqueue_dma source(%dma_start3A_39 : memref<120x16xf32, #tpu.memory_space<vmem>>) target(%dma_start3A_36 : memref<120x16xf32, #tpu.memory_space<vmem_shared>>) target_semaphore(%run_scoped3A : memref<!tpu.dma_semaphore, #tpu.memory_space<semaphore_mem>>)
      %dma_wait3A = arith.constant 0 : i32
      %dma_wait3A_40 = arith.constant 0 : i32
      %dma_wait3A_41 = tpu.memref_slice %arg6[%dma_wait3A, %dma_wait3A_40] : memref<128x16xf32, #tpu.memory_space<vmem>> -> memref<120x16xf32, #tpu.memory_space<vmem>>
      %dma_wait3A_42 = arith.constant 0 : i32
      %dma_wait3A_43 = tpu.memref_slice %arg7[%add3A_17, %dma_wait3A_42] : memref<10112x16xf32, #tpu.memory_space<vmem_shared>> -> memref<120x16xf32, #tpu.memory_space<vmem_shared>>
      %dma_wait3A_44 = arith.constant 0 : i32
      %dma_wait3A_45 = tpu.memref_slice %arg7[%add3A_17, %dma_wait3A_44] : memref<10112x16xf32, #tpu.memory_space<vmem_shared>> -> memref<120x16xf32, #tpu.memory_space<vmem_shared>>
      %dma_wait3A_46 = arith.constant 0 : i32
      %dma_wait3A_47 = arith.constant 0 : i32
      %dma_wait3A_48 = tpu.memref_slice %arg6[%dma_wait3A_46, %dma_wait3A_47] : memref<128x16xf32, #tpu.memory_space<vmem>> -> memref<120x16xf32, #tpu.memory_space<vmem>>
      tpu.wait_dma2 semaphore(%run_scoped3A : memref<!tpu.dma_semaphore, #tpu.memory_space<semaphore_mem>>) src(%dma_wait3A_48 : memref<120x16xf32, #tpu.memory_space<vmem>>) dst(%dma_wait3A_45 : memref<120x16xf32, #tpu.memory_space<vmem_shared>>)
      tpu.yield
    }) : () -> ()
    "tpu.region"() ({
      %run_scoped3A = tpu.sem_alloc : memref<!tpu.dma_semaphore, #tpu.memory_space<semaphore_mem>>
      %dma_start3A = arith.constant 0 : i32
      %dma_start3A_31 = arith.constant 0 : i32
      %dma_start3A_32 = tpu.memref_slice %arg2[%add3A, %dma_start3A, %dma_start3A_31] : memref<32x80x128xi32, #tpu.memory_space<hbm>> -> memref<1x80x128xi32, #tpu.memory_space<hbm>>
      %dma_start3A_33 = tpu.memref_squeeze %dma_start3A_32 : memref<1x80x128xi32, #tpu.memory_space<hbm>> -> memref<80x128xi32, #tpu.memory_space<hbm>>
      %dma_start3A_34 = arith.constant 0 : i32
      %dma_start3A_35 = arith.constant 0 : i32
      %dma_start3A_36 = tpu.memref_slice %arg2[%add3A, %dma_start3A_34, %dma_start3A_35] : memref<32x80x128xi32, #tpu.memory_space<hbm>> -> memref<1x80x128xi32, #tpu.memory_space<hbm>>
      %dma_start3A_37 = tpu.memref_squeeze %dma_start3A_36 : memref<1x80x128xi32, #tpu.memory_space<hbm>> -> memref<80x128xi32, #tpu.memory_space<hbm>>
      tpu.enqueue_dma source(%dma_start3A_37 : memref<80x128xi32, #tpu.memory_space<hbm>>) target(%arg4 : memref<80x128xi32, #tpu.memory_space<vmem>>) target_semaphore(%run_scoped3A : memref<!tpu.dma_semaphore, #tpu.memory_space<semaphore_mem>>)
      %dma_wait3A = arith.constant 0 : i32
      %dma_wait3A_38 = arith.constant 0 : i32
      %dma_wait3A_39 = tpu.memref_slice %arg2[%add3A, %dma_wait3A, %dma_wait3A_38] : memref<32x80x128xi32, #tpu.memory_space<hbm>> -> memref<1x80x128xi32, #tpu.memory_space<hbm>>
      %dma_wait3A_40 = tpu.memref_squeeze %dma_wait3A_39 : memref<1x80x128xi32, #tpu.memory_space<hbm>> -> memref<80x128xi32, #tpu.memory_space<hbm>>
      %dma_wait3A_41 = arith.constant 0 : i32
      %dma_wait3A_42 = arith.constant 0 : i32
      %dma_wait3A_43 = tpu.memref_slice %arg2[%add3A, %dma_wait3A_41, %dma_wait3A_42] : memref<32x80x128xi32, #tpu.memory_space<hbm>> -> memref<1x80x128xi32, #tpu.memory_space<hbm>>
      %dma_wait3A_44 = tpu.memref_squeeze %dma_wait3A_43 : memref<1x80x128xi32, #tpu.memory_space<hbm>> -> memref<80x128xi32, #tpu.memory_space<hbm>>
      tpu.wait_dma2 semaphore(%run_scoped3A : memref<!tpu.dma_semaphore, #tpu.memory_space<semaphore_mem>>) src(%dma_wait3A_44 : memref<80x128xi32, #tpu.memory_space<hbm>>) dst(%arg4 : memref<80x128xi32, #tpu.memory_space<vmem>>)
      tpu.yield
    }) : () -> ()
    %barrier3A = arith.constant 0 : index
    tpu.barrier barrier_id(%barrier3A)
    %scan3A_18 = arith.constant 0 : i32
    %scan3A_19 = arith.constant 0 : i32
    %scan3A_20 = arith.constant 80 : i32
    %scan3A_21 = arith.addi %scan3A_19, %scan3A_20 : i32
    %scan3A_22 = arith.constant 1 : i32
    scf.for %scan3A_31 = %scan3A_19 to %scan3A_21 step %scan3A_22  : i32 {
      "tpu.region"() ({
        %run_scoped3A = tpu.sem_alloc : memref<!tpu.dma_semaphore, #tpu.memory_space<semaphore_mem>>
        %dma_start3A = arith.constant 0 : i32
        %dma_start3A_32 = tpu.memref_slice %arg4[%scan3A_31, %dma_start3A] : memref<80x128xi32, #tpu.memory_space<vmem>> -> memref<1x128xi32, #tpu.memory_space<vmem>>
        %dma_start3A_33 = tpu.memref_squeeze %dma_start3A_32 : memref<1x128xi32, #tpu.memory_space<vmem>> -> memref<128xi32, #tpu.memory_space<vmem>>
        %dma_start3A_34 = arith.constant 0 : i32
        %dma_start3A_35 = arith.constant 0 : i32
        %dma_start3A_36 = tpu.memref_slice %arg7[%dma_start3A_34, %dma_start3A_35] : memref<10112x16xf32, #tpu.memory_space<vmem_shared>> -> memref<10112x16xf32, #tpu.memory_space<vmem_shared>>
        tpu.enqueue_indirect_dma source(%arg5 : memref<128x16xf32, #tpu.memory_space<vmem>>) target(%dma_start3A_36 : memref<10112x16xf32, #tpu.memory_space<vmem_shared>>) offsets(%dma_start3A_33 : memref<128xi32, #tpu.memory_space<vmem>>) semaphore(%run_scoped3A : memref<!tpu.dma_semaphore, #tpu.memory_space<semaphore_mem>>) {add = true}
        %dma_wait3A = arith.constant 0 : i32
        %dma_wait3A_37 = tpu.memref_slice %arg4[%scan3A_31, %dma_wait3A] : memref<80x128xi32, #tpu.memory_space<vmem>> -> memref<1x128xi32, #tpu.memory_space<vmem>>
        %dma_wait3A_38 = tpu.memref_squeeze %dma_wait3A_37 : memref<1x128xi32, #tpu.memory_space<vmem>> -> memref<128xi32, #tpu.memory_space<vmem>>
        %dma_wait3A_39 = arith.constant 0 : i32
        %dma_wait3A_40 = arith.constant 0 : i32
        %dma_wait3A_41 = tpu.memref_slice %arg7[%dma_wait3A_39, %dma_wait3A_40] : memref<10112x16xf32, #tpu.memory_space<vmem_shared>> -> memref<10112x16xf32, #tpu.memory_space<vmem_shared>>
        tpu.wait_indirect_dma semaphore(%run_scoped3A : memref<!tpu.dma_semaphore, #tpu.memory_space<semaphore_mem>>) src(%arg5 : memref<128x16xf32, #tpu.memory_space<vmem>>) dst(%dma_wait3A_41 : memref<10112x16xf32, #tpu.memory_space<vmem_shared>>)
        tpu.yield
      }) : () -> ()
    }
    %scan3A_23 = arith.constant 80 : i32
    %barrier3A_24 = arith.constant 0 : index
    tpu.barrier barrier_id(%barrier3A_24)
    "tpu.region"() ({
      %run_scoped3A = tpu.sem_alloc : memref<!tpu.dma_semaphore, #tpu.memory_space<semaphore_mem>>
      %dma_start3A = arith.constant 0 : i32
      %dma_start3A_31 = tpu.memref_slice %arg7[%mul3A_7, %dma_start3A] : memref<10112x16xf32, #tpu.memory_space<vmem_shared>> -> memref<632x16xf32, #tpu.memory_space<vmem_shared>>
      %dma_start3A_32 = arith.constant 0 : i32
      %dma_start3A_33 = tpu.memref_slice %arg7[%mul3A_7, %dma_start3A_32] : memref<10112x16xf32, #tpu.memory_space<vmem_shared>> -> memref<632x16xf32, #tpu.memory_space<vmem_shared>>
      tpu.enqueue_dma source(%dma_start3A_33 : memref<632x16xf32, #tpu.memory_space<vmem_shared>>) target(%arg8 : memref<632x16xf32, #tpu.memory_space<vmem>>) target_semaphore(%run_scoped3A : memref<!tpu.dma_semaphore, #tpu.memory_space<semaphore_mem>>)
      %dma_wait3A = arith.constant 0 : i32
      %dma_wait3A_34 = tpu.memref_slice %arg7[%mul3A_7, %dma_wait3A] : memref<10112x16xf32, #tpu.memory_space<vmem_shared>> -> memref<632x16xf32, #tpu.memory_space<vmem_shared>>
      %dma_wait3A_35 = arith.constant 0 : i32
      %dma_wait3A_36 = tpu.memref_slice %arg7[%mul3A_7, %dma_wait3A_35] : memref<10112x16xf32, #tpu.memory_space<vmem_shared>> -> memref<632x16xf32, #tpu.memory_space<vmem_shared>>
      tpu.wait_dma2 semaphore(%run_scoped3A : memref<!tpu.dma_semaphore, #tpu.memory_space<semaphore_mem>>) src(%dma_wait3A_36 : memref<632x16xf32, #tpu.memory_space<vmem_shared>>) dst(%arg8 : memref<632x16xf32, #tpu.memory_space<vmem>>)
      tpu.yield
    }) : () -> ()
    %scan3A_25 = arith.constant 0 : i32
    %scan3A_26 = arith.constant 0 : i32
    %scan3A_27 = arith.constant 632 : i32
    %scan3A_28 = arith.addi %scan3A_26, %scan3A_27 : i32
    %scan3A_29 = arith.constant 1 : i32
    scf.for %scan3A_31 = %scan3A_26 to %scan3A_28 step %scan3A_29  : i32 {
      %get3A = arith.index_cast %scan3A_31 : i32 to index
      %get3A_32 = arith.constant 0 : index
      %get3A_33 = tpu.vector_load %arg8[%get3A, %get3A_32] {strides = array<i32>} : memref<632x16xf32, #tpu.memory_space<vmem>>, vector<1x16xf32>,
      %get3A_34 = vector.shape_cast %get3A_33 : vector<1x16xf32> to vector<16xf32>
      %swap3A = arith.index_cast %scan3A_31 : i32 to index
      %swap3A_35 = arith.constant 0 : index
      %swap3A_36 = tpu.vector_load %arg9[%swap3A, %swap3A_35] {strides = array<i32>} : memref<632x64xf32, #tpu.memory_space<vmem>>, vector<1x16xf32>,
      %swap3A_37 = vector.shape_cast %swap3A_36 : vector<1x16xf32> to vector<16xf32>
      %swap3A_38 = vector.shape_cast %get3A_34 : vector<16xf32> to vector<1x16xf32>
      tpu.vector_store %arg9[%swap3A, %swap3A_35], %swap3A_38 {strides = array<i32>} : memref<632x64xf32, #tpu.memory_space<vmem>>, vector<1x16xf32>,
      %swap3A_39 = arith.index_cast %scan3A_31 : i32 to index
      %swap3A_40 = arith.constant 16 : index
      %swap3A_41 = tpu.vector_load %arg9[%swap3A_39, %swap3A_40] {strides = array<i32>} : memref<632x64xf32, #tpu.memory_space<vmem>>, vector<1x16xf32>,
      %swap3A_42 = vector.shape_cast %swap3A_41 : vector<1x16xf32> to vector<16xf32>
      %swap3A_43 = vector.shape_cast %get3A_34 : vector<16xf32> to vector<1x16xf32>
      tpu.vector_store %arg9[%swap3A_39, %swap3A_40], %swap3A_43 {strides = array<i32>} : memref<632x64xf32, #tpu.memory_space<vmem>>, vector<1x16xf32>,
      %swap3A_44 = arith.index_cast %scan3A_31 : i32 to index
      %swap3A_45 = arith.constant 32 : index
      %swap3A_46 = tpu.vector_load %arg9[%swap3A_44, %swap3A_45] {strides = array<i32>} : memref<632x64xf32, #tpu.memory_space<vmem>>, vector<1x16xf32>,
      %swap3A_47 = vector.shape_cast %swap3A_46 : vector<1x16xf32> to vector<16xf32>
      %swap3A_48 = vector.shape_cast %get3A_34 : vector<16xf32> to vector<1x16xf32>
      tpu.vector_store %arg9[%swap3A_44, %swap3A_45], %swap3A_48 {strides = array<i32>} : memref<632x64xf32, #tpu.memory_space<vmem>>, vector<1x16xf32>,
      %swap3A_49 = arith.index_cast %scan3A_31 : i32 to index
      %swap3A_50 = arith.constant 48 : index
      %swap3A_51 = tpu.vector_load %arg9[%swap3A_49, %swap3A_50] {strides = array<i32>} : memref<632x64xf32, #tpu.memory_space<vmem>>, vector<1x16xf32>,
      %swap3A_52 = vector.shape_cast %swap3A_51 : vector<1x16xf32> to vector<16xf32>
      %swap3A_53 = vector.shape_cast %get3A_34 : vector<16xf32> to vector<1x16xf32>
      tpu.vector_store %arg9[%swap3A_49, %swap3A_50], %swap3A_53 {strides = array<i32>} : memref<632x64xf32, #tpu.memory_space<vmem>>, vector<1x16xf32>,
    }
    %scan3A_30 = arith.constant 632 : i32
    "tpu.region"() ({
      %run_scoped3A = tpu.sem_alloc : memref<!tpu.dma_semaphore, #tpu.memory_space<semaphore_mem>>
      %dma_start3A = arith.constant 0 : i32
      %dma_start3A_31 = tpu.memref_slice %arg3[%arg0, %mul3A_7, %dma_start3A] : memref<2x10112x64xf32, #tpu.memory_space<hbm>> -> memref<1x632x64xf32, #tpu.memory_space<hbm>>
      %dma_start3A_32 = tpu.memref_squeeze %dma_start3A_31 : memref<1x632x64xf32, #tpu.memory_space<hbm>> -> memref<632x64xf32, #tpu.memory_space<hbm>>
      %dma_start3A_33 = arith.constant 0 : i32
      %dma_start3A_34 = tpu.memref_slice %arg3[%arg0, %mul3A_7, %dma_start3A_33] : memref<2x10112x64xf32, #tpu.memory_space<hbm>> -> memref<1x632x64xf32, #tpu.memory_space<hbm>>
      %dma_start3A_35 = tpu.memref_squeeze %dma_start3A_34 : memref<1x632x64xf32, #tpu.memory_space<hbm>> -> memref<632x64xf32, #tpu.memory_space<hbm>>
      tpu.enqueue_dma source(%arg9 : memref<632x64xf32, #tpu.memory_space<vmem>>) target(%dma_start3A_35 : memref<632x64xf32, #tpu.memory_space<hbm>>) target_semaphore(%run_scoped3A : memref<!tpu.dma_semaphore, #tpu.memory_space<semaphore_mem>>)
      %dma_wait3A = arith.constant 0 : i32
      %dma_wait3A_36 = tpu.memref_slice %arg3[%arg0, %mul3A_7, %dma_wait3A] : memref<2x10112x64xf32, #tpu.memory_space<hbm>> -> memref<1x632x64xf32, #tpu.memory_space<hbm>>
      %dma_wait3A_37 = tpu.memref_squeeze %dma_wait3A_36 : memref<1x632x64xf32, #tpu.memory_space<hbm>> -> memref<632x64xf32, #tpu.memory_space<hbm>>
      %dma_wait3A_38 = arith.constant 0 : i32
      %dma_wait3A_39 = tpu.memref_slice %arg3[%arg0, %mul3A_7, %dma_wait3A_38] : memref<2x10112x64xf32, #tpu.memory_space<hbm>> -> memref<1x632x64xf32, #tpu.memory_space<hbm>>
      %dma_wait3A_40 = tpu.memref_squeeze %dma_wait3A_39 : memref<1x632x64xf32, #tpu.memory_space<hbm>> -> memref<632x64xf32, #tpu.memory_space<hbm>>
      tpu.wait_dma2 semaphore(%run_scoped3A : memref<!tpu.dma_semaphore, #tpu.memory_space<semaphore_mem>>) src(%arg9 : memref<632x64xf32, #tpu.memory_space<vmem>>) dst(%dma_wait3A_40 : memref<632x64xf32, #tpu.memory_space<hbm>>)
      tpu.yield
    }) : () -> ()
    return
  }
}

#map = affine_map<(d0, d1) -> (0, 0)>
#map1 = affine_map<(d0, d1) -> (0, 0, 0)>
module attributes {stable_mosaic.version = 14 : i64} {
  func.func @_edge_scatter_body(%arg0: i32, %arg1: i32, %arg2: memref<10112x64xf32, #tpu.memory_space<hbm>>, %arg3: memref<32x80x128xi32, #tpu.memory_space<hbm>>, %arg4: memref<32x80x128xi32, #tpu.memory_space<hbm>>, %arg5: memref<2x10112x64xf32, #tpu.memory_space<hbm>>, %arg6: memref<80x128xi32, #tpu.memory_space<vmem>>, %arg7: memref<80x128xi32, #tpu.memory_space<vmem>>, %arg8: memref<128x64xf32, #tpu.memory_space<vmem>>, %arg9: memref<128x64xf32, #tpu.memory_space<vmem>>, %arg10: memref<128x64xf32, #tpu.memory_space<vmem>>, %arg11: memref<10112x64xf32, #tpu.memory_space<vmem_shared>>, %arg12: memref<10112x64xf32, #tpu.memory_space<vmem_shared>>, %arg13: memref<!tpu.dma_semaphore, #tpu.memory_space<semaphore_mem>>, %arg14: memref<!tpu.dma_semaphore, #tpu.memory_space<semaphore_mem>>) attributes {dimension_semantics = [#tpu.dimension_semantics<core_parallel>, #tpu.dimension_semantics<subcore_parallel>], iteration_bounds = array<i64: 2, 16>, scalar_prefetch = 0 : i64, scratch_operands = 9 : i64, tpu.core_type = #tpu.core_type<sc_vector_subcore>, window_params = [{transform_indices = #map}, {transform_indices = #map1}, {transform_indices = #map1}, {transform_indices = #map1}]} {
    %mul3A = arith.constant 16 : i32
    %mul3A_0 = arith.muli %arg0, %mul3A : i32
    %add3A = arith.addi %mul3A_0, %arg1 : i32
    %mul3A_1 = arith.constant 632 : i32
    %mul3A_2 = arith.muli %arg1, %mul3A_1 : i32
    %dma_start3A = arith.constant 0 : i32
    %dma_start3A_3 = arith.constant 0 : i32
    %dma_start3A_4 = tpu.memref_slice %arg3[%add3A, %dma_start3A, %dma_start3A_3] : memref<32x80x128xi32, #tpu.memory_space<hbm>> -> memref<1x80x128xi32, #tpu.memory_space<hbm>>
    %dma_start3A_5 = tpu.memref_squeeze %dma_start3A_4 : memref<1x80x128xi32, #tpu.memory_space<hbm>> -> memref<80x128xi32, #tpu.memory_space<hbm>>
    %dma_start3A_6 = arith.constant 0 : i32
    %dma_start3A_7 = arith.constant 0 : i32
    %dma_start3A_8 = tpu.memref_slice %arg3[%add3A, %dma_start3A_6, %dma_start3A_7] : memref<32x80x128xi32, #tpu.memory_space<hbm>> -> memref<1x80x128xi32, #tpu.memory_space<hbm>>
    %dma_start3A_9 = tpu.memref_squeeze %dma_start3A_8 : memref<1x80x128xi32, #tpu.memory_space<hbm>> -> memref<80x128xi32, #tpu.memory_space<hbm>>
    tpu.enqueue_dma source(%dma_start3A_9 : memref<80x128xi32, #tpu.memory_space<hbm>>) target(%arg6 : memref<80x128xi32, #tpu.memory_space<vmem>>) target_semaphore(%arg13 : memref<!tpu.dma_semaphore, #tpu.memory_space<semaphore_mem>>)
    %dma_start3A_10 = arith.constant 0 : i32
    %dma_start3A_11 = arith.constant 0 : i32
    %dma_start3A_12 = tpu.memref_slice %arg4[%add3A, %dma_start3A_10, %dma_start3A_11] : memref<32x80x128xi32, #tpu.memory_space<hbm>> -> memref<1x80x128xi32, #tpu.memory_space<hbm>>
    %dma_start3A_13 = tpu.memref_squeeze %dma_start3A_12 : memref<1x80x128xi32, #tpu.memory_space<hbm>> -> memref<80x128xi32, #tpu.memory_space<hbm>>
    %dma_start3A_14 = arith.constant 0 : i32
    %dma_start3A_15 = arith.constant 0 : i32
    %dma_start3A_16 = tpu.memref_slice %arg4[%add3A, %dma_start3A_14, %dma_start3A_15] : memref<32x80x128xi32, #tpu.memory_space<hbm>> -> memref<1x80x128xi32, #tpu.memory_space<hbm>>
    %dma_start3A_17 = tpu.memref_squeeze %dma_start3A_16 : memref<1x80x128xi32, #tpu.memory_space<hbm>> -> memref<80x128xi32, #tpu.memory_space<hbm>>
    tpu.enqueue_dma source(%dma_start3A_17 : memref<80x128xi32, #tpu.memory_space<hbm>>) target(%arg7 : memref<80x128xi32, #tpu.memory_space<vmem>>) target_semaphore(%arg13 : memref<!tpu.dma_semaphore, #tpu.memory_space<semaphore_mem>>)
    %dma_start3A_18 = arith.constant 0 : i32
    %dma_start3A_19 = tpu.memref_slice %arg12[%mul3A_2, %dma_start3A_18] : memref<10112x64xf32, #tpu.memory_space<vmem_shared>> -> memref<632x64xf32, #tpu.memory_space<vmem_shared>>
    %dma_start3A_20 = arith.constant 0 : i32
    %dma_start3A_21 = tpu.memref_slice %arg2[%mul3A_2, %dma_start3A_20] : memref<10112x64xf32, #tpu.memory_space<hbm>> -> memref<632x64xf32, #tpu.memory_space<hbm>>
    tpu.enqueue_dma source(%dma_start3A_21 : memref<632x64xf32, #tpu.memory_space<hbm>>) target(%dma_start3A_19 : memref<632x64xf32, #tpu.memory_space<vmem_shared>>) target_semaphore(%arg14 : memref<!tpu.dma_semaphore, #tpu.memory_space<semaphore_mem>>)
    %scan3A = arith.constant 0 : i32
    %scan3A_22 = arith.constant 0 : i32
    %scan3A_23 = arith.constant 128 : i32
    %scan3A_24 = arith.addi %scan3A_22, %scan3A_23 : i32
    %scan3A_25 = arith.constant 1 : i32
    scf.for %scan3A_70 = %scan3A_22 to %scan3A_24 step %scan3A_25  : i32 {
      %broadcast_in_dim3A = arith.constant 0.000000e+00 : f32
      %broadcast_in_dim3A_71 = vector.broadcast %broadcast_in_dim3A : f32 to vector<16xf32>
      %swap3A = arith.index_cast %scan3A_70 : i32 to index
      %swap3A_72 = arith.constant 0 : index
      %swap3A_73 = tpu.vector_load %arg10[%swap3A, %swap3A_72] {strides = array<i32>} : memref<128x64xf32, #tpu.memory_space<vmem>>, vector<1x16xf32>,
      %swap3A_74 = vector.shape_cast %swap3A_73 : vector<1x16xf32> to vector<16xf32>
      %swap3A_75 = vector.shape_cast %broadcast_in_dim3A_71 : vector<16xf32> to vector<1x16xf32>
      tpu.vector_store %arg10[%swap3A, %swap3A_72], %swap3A_75 {strides = array<i32>} : memref<128x64xf32, #tpu.memory_space<vmem>>, vector<1x16xf32>,
      %broadcast_in_dim3A_76 = arith.constant 0.000000e+00 : f32
      %broadcast_in_dim3A_77 = vector.broadcast %broadcast_in_dim3A_76 : f32 to vector<16xf32>
      %swap3A_78 = arith.index_cast %scan3A_70 : i32 to index
      %swap3A_79 = arith.constant 16 : index
      %swap3A_80 = tpu.vector_load %arg10[%swap3A_78, %swap3A_79] {strides = array<i32>} : memref<128x64xf32, #tpu.memory_space<vmem>>, vector<1x16xf32>,
      %swap3A_81 = vector.shape_cast %swap3A_80 : vector<1x16xf32> to vector<16xf32>
      %swap3A_82 = vector.shape_cast %broadcast_in_dim3A_77 : vector<16xf32> to vector<1x16xf32>
      tpu.vector_store %arg10[%swap3A_78, %swap3A_79], %swap3A_82 {strides = array<i32>} : memref<128x64xf32, #tpu.memory_space<vmem>>, vector<1x16xf32>,
      %broadcast_in_dim3A_83 = arith.constant 0.000000e+00 : f32
      %broadcast_in_dim3A_84 = vector.broadcast %broadcast_in_dim3A_83 : f32 to vector<16xf32>
      %swap3A_85 = arith.index_cast %scan3A_70 : i32 to index
      %swap3A_86 = arith.constant 32 : index
      %swap3A_87 = tpu.vector_load %arg10[%swap3A_85, %swap3A_86] {strides = array<i32>} : memref<128x64xf32, #tpu.memory_space<vmem>>, vector<1x16xf32>,
      %swap3A_88 = vector.shape_cast %swap3A_87 : vector<1x16xf32> to vector<16xf32>
      %swap3A_89 = vector.shape_cast %broadcast_in_dim3A_84 : vector<16xf32> to vector<1x16xf32>
      tpu.vector_store %arg10[%swap3A_85, %swap3A_86], %swap3A_89 {strides = array<i32>} : memref<128x64xf32, #tpu.memory_space<vmem>>, vector<1x16xf32>,
      %broadcast_in_dim3A_90 = arith.constant 0.000000e+00 : f32
      %broadcast_in_dim3A_91 = vector.broadcast %broadcast_in_dim3A_90 : f32 to vector<16xf32>
      %swap3A_92 = arith.index_cast %scan3A_70 : i32 to index
      %swap3A_93 = arith.constant 48 : index
      %swap3A_94 = tpu.vector_load %arg10[%swap3A_92, %swap3A_93] {strides = array<i32>} : memref<128x64xf32, #tpu.memory_space<vmem>>, vector<1x16xf32>,
      %swap3A_95 = vector.shape_cast %swap3A_94 : vector<1x16xf32> to vector<16xf32>
      %swap3A_96 = vector.shape_cast %broadcast_in_dim3A_91 : vector<16xf32> to vector<1x16xf32>
      tpu.vector_store %arg10[%swap3A_92, %swap3A_93], %swap3A_96 {strides = array<i32>} : memref<128x64xf32, #tpu.memory_space<vmem>>, vector<1x16xf32>,
    }
    %scan3A_26 = arith.constant 128 : i32
    %add3A_27 = arith.constant 0 : i32
    %add3A_28 = arith.addi %mul3A_2, %add3A_27 : i32
    "tpu.region"() ({
      %run_scoped3A = tpu.sem_alloc : memref<!tpu.dma_semaphore, #tpu.memory_space<semaphore_mem>>
      %dma_start3A_70 = arith.constant 0 : i32
      %dma_start3A_71 = tpu.memref_slice %arg11[%add3A_28, %dma_start3A_70] : memref<10112x64xf32, #tpu.memory_space<vmem_shared>> -> memref<128x64xf32, #tpu.memory_space<vmem_shared>>
      %dma_start3A_72 = arith.constant 0 : i32
      %dma_start3A_73 = tpu.memref_slice %arg11[%add3A_28, %dma_start3A_72] : memref<10112x64xf32, #tpu.memory_space<vmem_shared>> -> memref<128x64xf32, #tpu.memory_space<vmem_shared>>
      tpu.enqueue_dma source(%arg10 : memref<128x64xf32, #tpu.memory_space<vmem>>) target(%dma_start3A_73 : memref<128x64xf32, #tpu.memory_space<vmem_shared>>) target_semaphore(%run_scoped3A : memref<!tpu.dma_semaphore, #tpu.memory_space<semaphore_mem>>)
      %dma_wait3A_74 = arith.constant 0 : i32
      %dma_wait3A_75 = tpu.memref_slice %arg11[%add3A_28, %dma_wait3A_74] : memref<10112x64xf32, #tpu.memory_space<vmem_shared>> -> memref<128x64xf32, #tpu.memory_space<vmem_shared>>
      %dma_wait3A_76 = arith.constant 0 : i32
      %dma_wait3A_77 = tpu.memref_slice %arg11[%add3A_28, %dma_wait3A_76] : memref<10112x64xf32, #tpu.memory_space<vmem_shared>> -> memref<128x64xf32, #tpu.memory_space<vmem_shared>>
      tpu.wait_dma2 semaphore(%run_scoped3A : memref<!tpu.dma_semaphore, #tpu.memory_space<semaphore_mem>>) src(%arg10 : memref<128x64xf32, #tpu.memory_space<vmem>>) dst(%dma_wait3A_77 : memref<128x64xf32, #tpu.memory_space<vmem_shared>>)
      tpu.yield
    }) : () -> ()
    %add3A_29 = arith.constant 128 : i32
    %add3A_30 = arith.addi %mul3A_2, %add3A_29 : i32
    "tpu.region"() ({
      %run_scoped3A = tpu.sem_alloc : memref<!tpu.dma_semaphore, #tpu.memory_space<semaphore_mem>>
      %dma_start3A_70 = arith.constant 0 : i32
      %dma_start3A_71 = tpu.memref_slice %arg11[%add3A_30, %dma_start3A_70] : memref<10112x64xf32, #tpu.memory_space<vmem_shared>> -> memref<128x64xf32, #tpu.memory_space<vmem_shared>>
      %dma_start3A_72 = arith.constant 0 : i32
      %dma_start3A_73 = tpu.memref_slice %arg11[%add3A_30, %dma_start3A_72] : memref<10112x64xf32, #tpu.memory_space<vmem_shared>> -> memref<128x64xf32, #tpu.memory_space<vmem_shared>>
      tpu.enqueue_dma source(%arg10 : memref<128x64xf32, #tpu.memory_space<vmem>>) target(%dma_start3A_73 : memref<128x64xf32, #tpu.memory_space<vmem_shared>>) target_semaphore(%run_scoped3A : memref<!tpu.dma_semaphore, #tpu.memory_space<semaphore_mem>>)
      %dma_wait3A_74 = arith.constant 0 : i32
      %dma_wait3A_75 = tpu.memref_slice %arg11[%add3A_30, %dma_wait3A_74] : memref<10112x64xf32, #tpu.memory_space<vmem_shared>> -> memref<128x64xf32, #tpu.memory_space<vmem_shared>>
      %dma_wait3A_76 = arith.constant 0 : i32
      %dma_wait3A_77 = tpu.memref_slice %arg11[%add3A_30, %dma_wait3A_76] : memref<10112x64xf32, #tpu.memory_space<vmem_shared>> -> memref<128x64xf32, #tpu.memory_space<vmem_shared>>
      tpu.wait_dma2 semaphore(%run_scoped3A : memref<!tpu.dma_semaphore, #tpu.memory_space<semaphore_mem>>) src(%arg10 : memref<128x64xf32, #tpu.memory_space<vmem>>) dst(%dma_wait3A_77 : memref<128x64xf32, #tpu.memory_space<vmem_shared>>)
      tpu.yield
    }) : () -> ()
    %add3A_31 = arith.constant 256 : i32
    %add3A_32 = arith.addi %mul3A_2, %add3A_31 : i32
    "tpu.region"() ({
      %run_scoped3A = tpu.sem_alloc : memref<!tpu.dma_semaphore, #tpu.memory_space<semaphore_mem>>
      %dma_start3A_70 = arith.constant 0 : i32
      %dma_start3A_71 = tpu.memref_slice %arg11[%add3A_32, %dma_start3A_70] : memref<10112x64xf32, #tpu.memory_space<vmem_shared>> -> memref<128x64xf32, #tpu.memory_space<vmem_shared>>
      %dma_start3A_72 = arith.constant 0 : i32
      %dma_start3A_73 = tpu.memref_slice %arg11[%add3A_32, %dma_start3A_72] : memref<10112x64xf32, #tpu.memory_space<vmem_shared>> -> memref<128x64xf32, #tpu.memory_space<vmem_shared>>
      tpu.enqueue_dma source(%arg10 : memref<128x64xf32, #tpu.memory_space<vmem>>) target(%dma_start3A_73 : memref<128x64xf32, #tpu.memory_space<vmem_shared>>) target_semaphore(%run_scoped3A : memref<!tpu.dma_semaphore, #tpu.memory_space<semaphore_mem>>)
      %dma_wait3A_74 = arith.constant 0 : i32
      %dma_wait3A_75 = tpu.memref_slice %arg11[%add3A_32, %dma_wait3A_74] : memref<10112x64xf32, #tpu.memory_space<vmem_shared>> -> memref<128x64xf32, #tpu.memory_space<vmem_shared>>
      %dma_wait3A_76 = arith.constant 0 : i32
      %dma_wait3A_77 = tpu.memref_slice %arg11[%add3A_32, %dma_wait3A_76] : memref<10112x64xf32, #tpu.memory_space<vmem_shared>> -> memref<128x64xf32, #tpu.memory_space<vmem_shared>>
      tpu.wait_dma2 semaphore(%run_scoped3A : memref<!tpu.dma_semaphore, #tpu.memory_space<semaphore_mem>>) src(%arg10 : memref<128x64xf32, #tpu.memory_space<vmem>>) dst(%dma_wait3A_77 : memref<128x64xf32, #tpu.memory_space<vmem_shared>>)
      tpu.yield
    }) : () -> ()
    %add3A_33 = arith.constant 384 : i32
    %add3A_34 = arith.addi %mul3A_2, %add3A_33 : i32
    "tpu.region"() ({
      %run_scoped3A = tpu.sem_alloc : memref<!tpu.dma_semaphore, #tpu.memory_space<semaphore_mem>>
      %dma_start3A_70 = arith.constant 0 : i32
      %dma_start3A_71 = tpu.memref_slice %arg11[%add3A_34, %dma_start3A_70] : memref<10112x64xf32, #tpu.memory_space<vmem_shared>> -> memref<128x64xf32, #tpu.memory_space<vmem_shared>>
      %dma_start3A_72 = arith.constant 0 : i32
      %dma_start3A_73 = tpu.memref_slice %arg11[%add3A_34, %dma_start3A_72] : memref<10112x64xf32, #tpu.memory_space<vmem_shared>> -> memref<128x64xf32, #tpu.memory_space<vmem_shared>>
      tpu.enqueue_dma source(%arg10 : memref<128x64xf32, #tpu.memory_space<vmem>>) target(%dma_start3A_73 : memref<128x64xf32, #tpu.memory_space<vmem_shared>>) target_semaphore(%run_scoped3A : memref<!tpu.dma_semaphore, #tpu.memory_space<semaphore_mem>>)
      %dma_wait3A_74 = arith.constant 0 : i32
      %dma_wait3A_75 = tpu.memref_slice %arg11[%add3A_34, %dma_wait3A_74] : memref<10112x64xf32, #tpu.memory_space<vmem_shared>> -> memref<128x64xf32, #tpu.memory_space<vmem_shared>>
      %dma_wait3A_76 = arith.constant 0 : i32
      %dma_wait3A_77 = tpu.memref_slice %arg11[%add3A_34, %dma_wait3A_76] : memref<10112x64xf32, #tpu.memory_space<vmem_shared>> -> memref<128x64xf32, #tpu.memory_space<vmem_shared>>
      tpu.wait_dma2 semaphore(%run_scoped3A : memref<!tpu.dma_semaphore, #tpu.memory_space<semaphore_mem>>) src(%arg10 : memref<128x64xf32, #tpu.memory_space<vmem>>) dst(%dma_wait3A_77 : memref<128x64xf32, #tpu.memory_space<vmem_shared>>)
      tpu.yield
    }) : () -> ()
    %add3A_35 = arith.constant 512 : i32
    %add3A_36 = arith.addi %mul3A_2, %add3A_35 : i32
    "tpu.region"() ({
      %run_scoped3A = tpu.sem_alloc : memref<!tpu.dma_semaphore, #tpu.memory_space<semaphore_mem>>
      %dma_start3A_70 = arith.constant 0 : i32
      %dma_start3A_71 = arith.constant 0 : i32
      %dma_start3A_72 = tpu.memref_slice %arg10[%dma_start3A_70, %dma_start3A_71] : memref<128x64xf32, #tpu.memory_space<vmem>> -> memref<120x64xf32, #tpu.memory_space<vmem>>
      %dma_start3A_73 = arith.constant 0 : i32
      %dma_start3A_74 = tpu.memref_slice %arg11[%add3A_36, %dma_start3A_73] : memref<10112x64xf32, #tpu.memory_space<vmem_shared>> -> memref<120x64xf32, #tpu.memory_space<vmem_shared>>
      %dma_start3A_75 = arith.constant 0 : i32
      %dma_start3A_76 = tpu.memref_slice %arg11[%add3A_36, %dma_start3A_75] : memref<10112x64xf32, #tpu.memory_space<vmem_shared>> -> memref<120x64xf32, #tpu.memory_space<vmem_shared>>
      %dma_start3A_77 = arith.constant 0 : i32
      %dma_start3A_78 = arith.constant 0 : i32
      %dma_start3A_79 = tpu.memref_slice %arg10[%dma_start3A_77, %dma_start3A_78] : memref<128x64xf32, #tpu.memory_space<vmem>> -> memref<120x64xf32, #tpu.memory_space<vmem>>
      tpu.enqueue_dma source(%dma_start3A_79 : memref<120x64xf32, #tpu.memory_space<vmem>>) target(%dma_start3A_76 : memref<120x64xf32, #tpu.memory_space<vmem_shared>>) target_semaphore(%run_scoped3A : memref<!tpu.dma_semaphore, #tpu.memory_space<semaphore_mem>>)
      %dma_wait3A_80 = arith.constant 0 : i32
      %dma_wait3A_81 = arith.constant 0 : i32
      %dma_wait3A_82 = tpu.memref_slice %arg10[%dma_wait3A_80, %dma_wait3A_81] : memref<128x64xf32, #tpu.memory_space<vmem>> -> memref<120x64xf32, #tpu.memory_space<vmem>>
      %dma_wait3A_83 = arith.constant 0 : i32
      %dma_wait3A_84 = tpu.memref_slice %arg11[%add3A_36, %dma_wait3A_83] : memref<10112x64xf32, #tpu.memory_space<vmem_shared>> -> memref<120x64xf32, #tpu.memory_space<vmem_shared>>
      %dma_wait3A_85 = arith.constant 0 : i32
      %dma_wait3A_86 = tpu.memref_slice %arg11[%add3A_36, %dma_wait3A_85] : memref<10112x64xf32, #tpu.memory_space<vmem_shared>> -> memref<120x64xf32, #tpu.memory_space<vmem_shared>>
      %dma_wait3A_87 = arith.constant 0 : i32
      %dma_wait3A_88 = arith.constant 0 : i32
      %dma_wait3A_89 = tpu.memref_slice %arg10[%dma_wait3A_87, %dma_wait3A_88] : memref<128x64xf32, #tpu.memory_space<vmem>> -> memref<120x64xf32, #tpu.memory_space<vmem>>
      tpu.wait_dma2 semaphore(%run_scoped3A : memref<!tpu.dma_semaphore, #tpu.memory_space<semaphore_mem>>) src(%dma_wait3A_89 : memref<120x64xf32, #tpu.memory_space<vmem>>) dst(%dma_wait3A_86 : memref<120x64xf32, #tpu.memory_space<vmem_shared>>)
      tpu.yield
    }) : () -> ()
    %dma_wait3A = arith.constant 0 : i32
    %dma_wait3A_37 = arith.constant 0 : i32
    %dma_wait3A_38 = tpu.memref_slice %arg3[%add3A, %dma_wait3A, %dma_wait3A_37] : memref<32x80x128xi32, #tpu.memory_space<hbm>> -> memref<1x80x128xi32, #tpu.memory_space<hbm>>
    %dma_wait3A_39 = tpu.memref_squeeze %dma_wait3A_38 : memref<1x80x128xi32, #tpu.memory_space<hbm>> -> memref<80x128xi32, #tpu.memory_space<hbm>>
    %dma_wait3A_40 = arith.constant 0 : i32
    %dma_wait3A_41 = arith.constant 0 : i32
    %dma_wait3A_42 = tpu.memref_slice %arg3[%add3A, %dma_wait3A_40, %dma_wait3A_41] : memref<32x80x128xi32, #tpu.memory_space<hbm>> -> memref<1x80x128xi32, #tpu.memory_space<hbm>>
    %dma_wait3A_43 = tpu.memref_squeeze %dma_wait3A_42 : memref<1x80x128xi32, #tpu.memory_space<hbm>> -> memref<80x128xi32, #tpu.memory_space<hbm>>
    tpu.wait_dma2 semaphore(%arg13 : memref<!tpu.dma_semaphore, #tpu.memory_space<semaphore_mem>>) src(%dma_wait3A_43 : memref<80x128xi32, #tpu.memory_space<hbm>>) dst(%arg6 : memref<80x128xi32, #tpu.memory_space<vmem>>)
    %dma_wait3A_44 = arith.constant 0 : i32
    %dma_wait3A_45 = arith.constant 0 : i32
    %dma_wait3A_46 = tpu.memref_slice %arg4[%add3A, %dma_wait3A_44, %dma_wait3A_45] : memref<32x80x128xi32, #tpu.memory_space<hbm>> -> memref<1x80x128xi32, #tpu.memory_space<hbm>>
    %dma_wait3A_47 = tpu.memref_squeeze %dma_wait3A_46 : memref<1x80x128xi32, #tpu.memory_space<hbm>> -> memref<80x128xi32, #tpu.memory_space<hbm>>
    %dma_wait3A_48 = arith.constant 0 : i32
    %dma_wait3A_49 = arith.constant 0 : i32
    %dma_wait3A_50 = tpu.memref_slice %arg4[%add3A, %dma_wait3A_48, %dma_wait3A_49] : memref<32x80x128xi32, #tpu.memory_space<hbm>> -> memref<1x80x128xi32, #tpu.memory_space<hbm>>
    %dma_wait3A_51 = tpu.memref_squeeze %dma_wait3A_50 : memref<1x80x128xi32, #tpu.memory_space<hbm>> -> memref<80x128xi32, #tpu.memory_space<hbm>>
    tpu.wait_dma2 semaphore(%arg13 : memref<!tpu.dma_semaphore, #tpu.memory_space<semaphore_mem>>) src(%dma_wait3A_51 : memref<80x128xi32, #tpu.memory_space<hbm>>) dst(%arg7 : memref<80x128xi32, #tpu.memory_space<vmem>>)
    %dma_wait3A_52 = arith.constant 0 : i32
    %dma_wait3A_53 = tpu.memref_slice %arg12[%mul3A_2, %dma_wait3A_52] : memref<10112x64xf32, #tpu.memory_space<vmem_shared>> -> memref<632x64xf32, #tpu.memory_space<vmem_shared>>
    %dma_wait3A_54 = arith.constant 0 : i32
    %dma_wait3A_55 = tpu.memref_slice %arg2[%mul3A_2, %dma_wait3A_54] : memref<10112x64xf32, #tpu.memory_space<hbm>> -> memref<632x64xf32, #tpu.memory_space<hbm>>
    tpu.wait_dma2 semaphore(%arg14 : memref<!tpu.dma_semaphore, #tpu.memory_space<semaphore_mem>>) src(%dma_wait3A_55 : memref<632x64xf32, #tpu.memory_space<hbm>>) dst(%dma_wait3A_53 : memref<632x64xf32, #tpu.memory_space<vmem_shared>>)
    %barrier3A = arith.constant 0 : index
    tpu.barrier barrier_id(%barrier3A)
    %dma_start3A_56 = arith.constant 0 : i32
    %dma_start3A_57 = arith.constant 0 : i32
    %dma_start3A_58 = tpu.memref_slice %arg6[%dma_start3A_56, %dma_start3A_57] : memref<80x128xi32, #tpu.memory_space<vmem>> -> memref<1x128xi32, #tpu.memory_space<vmem>>
    %dma_start3A_59 = tpu.memref_squeeze %dma_start3A_58 : memref<1x128xi32, #tpu.memory_space<vmem>> -> memref<128xi32, #tpu.memory_space<vmem>>
    %dma_start3A_60 = arith.constant 0 : i32
    %dma_start3A_61 = arith.constant 0 : i32
    %dma_start3A_62 = tpu.memref_slice %arg12[%dma_start3A_60, %dma_start3A_61] : memref<10112x64xf32, #tpu.memory_space<vmem_shared>> -> memref<10112x64xf32, #tpu.memory_space<vmem_shared>>
    tpu.enqueue_indirect_dma source(%dma_start3A_62 : memref<10112x64xf32, #tpu.memory_space<vmem_shared>>) target(%arg8 : memref<128x64xf32, #tpu.memory_space<vmem>>) offsets(%dma_start3A_59 : memref<128xi32, #tpu.memory_space<vmem>>) semaphore(%arg13 : memref<!tpu.dma_semaphore, #tpu.memory_space<semaphore_mem>>)
    %scan3A_63 = arith.constant 0 : i32
    %scan3A_64 = arith.constant 0 : i32
    %scan3A_65 = arith.constant 40 : i32
    %scan3A_66 = arith.addi %scan3A_64, %scan3A_65 : i32
    %scan3A_67 = arith.constant 1 : i32
    scf.for %scan3A_70 = %scan3A_64 to %scan3A_66 step %scan3A_67  : i32 {
      %mul3A_71 = arith.constant 2 : i32
      %mul3A_72 = arith.muli %scan3A_70, %mul3A_71 : i32
      %dma_wait3A_73 = arith.constant 0 : i32
      %dma_wait3A_74 = tpu.memref_slice %arg6[%mul3A_72, %dma_wait3A_73] : memref<80x128xi32, #tpu.memory_space<vmem>> -> memref<1x128xi32, #tpu.memory_space<vmem>>
      %dma_wait3A_75 = tpu.memref_squeeze %dma_wait3A_74 : memref<1x128xi32, #tpu.memory_space<vmem>> -> memref<128xi32, #tpu.memory_space<vmem>>
      %dma_wait3A_76 = arith.constant 0 : i32
      %dma_wait3A_77 = arith.constant 0 : i32
      %dma_wait3A_78 = tpu.memref_slice %arg12[%dma_wait3A_76, %dma_wait3A_77] : memref<10112x64xf32, #tpu.memory_space<vmem_shared>> -> memref<10112x64xf32, #tpu.memory_space<vmem_shared>>
      tpu.wait_indirect_dma semaphore(%arg13 : memref<!tpu.dma_semaphore, #tpu.memory_space<semaphore_mem>>) src(%dma_wait3A_78 : memref<10112x64xf32, #tpu.memory_space<vmem_shared>>) dst(%arg8 : memref<128x64xf32, #tpu.memory_space<vmem>>)
      %add3A_79 = arith.constant 1 : i32
      %add3A_80 = arith.addi %mul3A_72, %add3A_79 : i32
      %dma_start3A_81 = arith.constant 0 : i32
      %dma_start3A_82 = tpu.memref_slice %arg6[%add3A_80, %dma_start3A_81] : memref<80x128xi32, #tpu.memory_space<vmem>> -> memref<1x128xi32, #tpu.memory_space<vmem>>
      %dma_start3A_83 = tpu.memref_squeeze %dma_start3A_82 : memref<1x128xi32, #tpu.memory_space<vmem>> -> memref<128xi32, #tpu.memory_space<vmem>>
      %dma_start3A_84 = arith.constant 0 : i32
      %dma_start3A_85 = arith.constant 0 : i32
      %dma_start3A_86 = tpu.memref_slice %arg12[%dma_start3A_84, %dma_start3A_85] : memref<10112x64xf32, #tpu.memory_space<vmem_shared>> -> memref<10112x64xf32, #tpu.memory_space<vmem_shared>>
      tpu.enqueue_indirect_dma source(%dma_start3A_86 : memref<10112x64xf32, #tpu.memory_space<vmem_shared>>) target(%arg9 : memref<128x64xf32, #tpu.memory_space<vmem>>) offsets(%dma_start3A_83 : memref<128xi32, #tpu.memory_space<vmem>>) semaphore(%arg14 : memref<!tpu.dma_semaphore, #tpu.memory_space<semaphore_mem>>)
      "tpu.region"() ({
        %run_scoped3A = tpu.sem_alloc : memref<!tpu.dma_semaphore, #tpu.memory_space<semaphore_mem>>
        %dma_start3A_101 = arith.constant 0 : i32
        %dma_start3A_102 = tpu.memref_slice %arg7[%mul3A_72, %dma_start3A_101] : memref<80x128xi32, #tpu.memory_space<vmem>> -> memref<1x128xi32, #tpu.memory_space<vmem>>
        %dma_start3A_103 = tpu.memref_squeeze %dma_start3A_102 : memref<1x128xi32, #tpu.memory_space<vmem>> -> memref<128xi32, #tpu.memory_space<vmem>>
        %dma_start3A_104 = arith.constant 0 : i32
        %dma_start3A_105 = arith.constant 0 : i32
        %dma_start3A_106 = tpu.memref_slice %arg11[%dma_start3A_104, %dma_start3A_105] : memref<10112x64xf32, #tpu.memory_space<vmem_shared>> -> memref<10112x64xf32, #tpu.memory_space<vmem_shared>>
        tpu.enqueue_indirect_dma source(%arg8 : memref<128x64xf32, #tpu.memory_space<vmem>>) target(%dma_start3A_106 : memref<10112x64xf32, #tpu.memory_space<vmem_shared>>) offsets(%dma_start3A_103 : memref<128xi32, #tpu.memory_space<vmem>>) semaphore(%run_scoped3A : memref<!tpu.dma_semaphore, #tpu.memory_space<semaphore_mem>>) {add = true}
        %dma_wait3A_107 = arith.constant 0 : i32
        %dma_wait3A_108 = tpu.memref_slice %arg7[%mul3A_72, %dma_wait3A_107] : memref<80x128xi32, #tpu.memory_space<vmem>> -> memref<1x128xi32, #tpu.memory_space<vmem>>
        %dma_wait3A_109 = tpu.memref_squeeze %dma_wait3A_108 : memref<1x128xi32, #tpu.memory_space<vmem>> -> memref<128xi32, #tpu.memory_space<vmem>>
        %dma_wait3A_110 = arith.constant 0 : i32
        %dma_wait3A_111 = arith.constant 0 : i32
        %dma_wait3A_112 = tpu.memref_slice %arg11[%dma_wait3A_110, %dma_wait3A_111] : memref<10112x64xf32, #tpu.memory_space<vmem_shared>> -> memref<10112x64xf32, #tpu.memory_space<vmem_shared>>
        tpu.wait_indirect_dma semaphore(%run_scoped3A : memref<!tpu.dma_semaphore, #tpu.memory_space<semaphore_mem>>) src(%arg8 : memref<128x64xf32, #tpu.memory_space<vmem>>) dst(%dma_wait3A_112 : memref<10112x64xf32, #tpu.memory_space<vmem_shared>>)
        tpu.yield
      }) : () -> ()
      %add3A_87 = arith.constant 1 : i32
      %add3A_88 = arith.addi %mul3A_72, %add3A_87 : i32
      %dma_wait3A_89 = arith.constant 0 : i32
      %dma_wait3A_90 = tpu.memref_slice %arg6[%add3A_88, %dma_wait3A_89] : memref<80x128xi32, #tpu.memory_space<vmem>> -> memref<1x128xi32, #tpu.memory_space<vmem>>
      %dma_wait3A_91 = tpu.memref_squeeze %dma_wait3A_90 : memref<1x128xi32, #tpu.memory_space<vmem>> -> memref<128xi32, #tpu.memory_space<vmem>>
      %dma_wait3A_92 = arith.constant 0 : i32
      %dma_wait3A_93 = arith.constant 0 : i32
      %dma_wait3A_94 = tpu.memref_slice %arg12[%dma_wait3A_92, %dma_wait3A_93] : memref<10112x64xf32, #tpu.memory_space<vmem_shared>> -> memref<10112x64xf32, #tpu.memory_space<vmem_shared>>
      tpu.wait_indirect_dma semaphore(%arg14 : memref<!tpu.dma_semaphore, #tpu.memory_space<semaphore_mem>>) src(%dma_wait3A_94 : memref<10112x64xf32, #tpu.memory_space<vmem_shared>>) dst(%arg9 : memref<128x64xf32, #tpu.memory_space<vmem>>)
      %add3A_95 = arith.constant 2 : i32
      %add3A_96 = arith.addi %mul3A_72, %add3A_95 : i32
      %lt3A = arith.constant 80 : i32
      %lt3A_97 = arith.cmpi slt, %add3A_96, %lt3A : i32
      %convert_element_type3A = arith.extui %lt3A_97 : i1 to i32
      %cond3A = arith.constant 0 : i32
      %cond3A_98 = arith.cmpi ne, %convert_element_type3A, %cond3A : i32
      scf.if %cond3A_98 {
        %add3A_101 = arith.constant 2 : i32
        %add3A_102 = arith.addi %mul3A_72, %add3A_101 : i32
        %dma_start3A_103 = arith.constant 0 : i32
        %dma_start3A_104 = tpu.memref_slice %arg6[%add3A_102, %dma_start3A_103] : memref<80x128xi32, #tpu.memory_space<vmem>> -> memref<1x128xi32, #tpu.memory_space<vmem>>
        %dma_start3A_105 = tpu.memref_squeeze %dma_start3A_104 : memref<1x128xi32, #tpu.memory_space<vmem>> -> memref<128xi32, #tpu.memory_space<vmem>>
        %dma_start3A_106 = arith.constant 0 : i32
        %dma_start3A_107 = arith.constant 0 : i32
        %dma_start3A_108 = tpu.memref_slice %arg12[%dma_start3A_106, %dma_start3A_107] : memref<10112x64xf32, #tpu.memory_space<vmem_shared>> -> memref<10112x64xf32, #tpu.memory_space<vmem_shared>>
        tpu.enqueue_indirect_dma source(%dma_start3A_108 : memref<10112x64xf32, #tpu.memory_space<vmem_shared>>) target(%arg8 : memref<128x64xf32, #tpu.memory_space<vmem>>) offsets(%dma_start3A_105 : memref<128xi32, #tpu.memory_space<vmem>>) semaphore(%arg13 : memref<!tpu.dma_semaphore, #tpu.memory_space<semaphore_mem>>)
      } else {
      }
      %add3A_99 = arith.constant 1 : i32
      %add3A_100 = arith.addi %mul3A_72, %add3A_99 : i32
      "tpu.region"() ({
        %run_scoped3A = tpu.sem_alloc : memref<!tpu.dma_semaphore, #tpu.memory_space<semaphore_mem>>
        %dma_start3A_101 = arith.constant 0 : i32
        %dma_start3A_102 = tpu.memref_slice %arg7[%add3A_100, %dma_start3A_101] : memref<80x128xi32, #tpu.memory_space<vmem>> -> memref<1x128xi32, #tpu.memory_space<vmem>>
        %dma_start3A_103 = tpu.memref_squeeze %dma_start3A_102 : memref<1x128xi32, #tpu.memory_space<vmem>> -> memref<128xi32, #tpu.memory_space<vmem>>
        %dma_start3A_104 = arith.constant 0 : i32
        %dma_start3A_105 = arith.constant 0 : i32
        %dma_start3A_106 = tpu.memref_slice %arg11[%dma_start3A_104, %dma_start3A_105] : memref<10112x64xf32, #tpu.memory_space<vmem_shared>> -> memref<10112x64xf32, #tpu.memory_space<vmem_shared>>
        tpu.enqueue_indirect_dma source(%arg9 : memref<128x64xf32, #tpu.memory_space<vmem>>) target(%dma_start3A_106 : memref<10112x64xf32, #tpu.memory_space<vmem_shared>>) offsets(%dma_start3A_103 : memref<128xi32, #tpu.memory_space<vmem>>) semaphore(%run_scoped3A : memref<!tpu.dma_semaphore, #tpu.memory_space<semaphore_mem>>) {add = true}
        %dma_wait3A_107 = arith.constant 0 : i32
        %dma_wait3A_108 = tpu.memref_slice %arg7[%add3A_100, %dma_wait3A_107] : memref<80x128xi32, #tpu.memory_space<vmem>> -> memref<1x128xi32, #tpu.memory_space<vmem>>
        %dma_wait3A_109 = tpu.memref_squeeze %dma_wait3A_108 : memref<1x128xi32, #tpu.memory_space<vmem>> -> memref<128xi32, #tpu.memory_space<vmem>>
        %dma_wait3A_110 = arith.constant 0 : i32
        %dma_wait3A_111 = arith.constant 0 : i32
        %dma_wait3A_112 = tpu.memref_slice %arg11[%dma_wait3A_110, %dma_wait3A_111] : memref<10112x64xf32, #tpu.memory_space<vmem_shared>> -> memref<10112x64xf32, #tpu.memory_space<vmem_shared>>
        tpu.wait_indirect_dma semaphore(%run_scoped3A : memref<!tpu.dma_semaphore, #tpu.memory_space<semaphore_mem>>) src(%arg9 : memref<128x64xf32, #tpu.memory_space<vmem>>) dst(%dma_wait3A_112 : memref<10112x64xf32, #tpu.memory_space<vmem_shared>>)
        tpu.yield
      }) : () -> ()
    }
    %scan3A_68 = arith.constant 40 : i32
    %barrier3A_69 = arith.constant 0 : index
    tpu.barrier barrier_id(%barrier3A_69)
    "tpu.region"() ({
      %run_scoped3A = tpu.sem_alloc : memref<!tpu.dma_semaphore, #tpu.memory_space<semaphore_mem>>
      %dma_start3A_70 = arith.constant 0 : i32
      %dma_start3A_71 = tpu.memref_slice %arg5[%arg0, %mul3A_2, %dma_start3A_70] : memref<2x10112x64xf32, #tpu.memory_space<hbm>> -> memref<1x632x64xf32, #tpu.memory_space<hbm>>
      %dma_start3A_72 = tpu.memref_squeeze %dma_start3A_71 : memref<1x632x64xf32, #tpu.memory_space<hbm>> -> memref<632x64xf32, #tpu.memory_space<hbm>>
      %dma_start3A_73 = arith.constant 0 : i32
      %dma_start3A_74 = tpu.memref_slice %arg11[%mul3A_2, %dma_start3A_73] : memref<10112x64xf32, #tpu.memory_space<vmem_shared>> -> memref<632x64xf32, #tpu.memory_space<vmem_shared>>
      tpu.enqueue_dma source(%dma_start3A_74 : memref<632x64xf32, #tpu.memory_space<vmem_shared>>) target(%dma_start3A_72 : memref<632x64xf32, #tpu.memory_space<hbm>>) target_semaphore(%run_scoped3A : memref<!tpu.dma_semaphore, #tpu.memory_space<semaphore_mem>>)
      %dma_wait3A_75 = arith.constant 0 : i32
      %dma_wait3A_76 = tpu.memref_slice %arg5[%arg0, %mul3A_2, %dma_wait3A_75] : memref<2x10112x64xf32, #tpu.memory_space<hbm>> -> memref<1x632x64xf32, #tpu.memory_space<hbm>>
      %dma_wait3A_77 = tpu.memref_squeeze %dma_wait3A_76 : memref<1x632x64xf32, #tpu.memory_space<hbm>> -> memref<632x64xf32, #tpu.memory_space<hbm>>
      %dma_wait3A_78 = arith.constant 0 : i32
      %dma_wait3A_79 = tpu.memref_slice %arg11[%mul3A_2, %dma_wait3A_78] : memref<10112x64xf32, #tpu.memory_space<vmem_shared>> -> memref<632x64xf32, #tpu.memory_space<vmem_shared>>
      tpu.wait_dma2 semaphore(%run_scoped3A : memref<!tpu.dma_semaphore, #tpu.memory_space<semaphore_mem>>) src(%dma_wait3A_79 : memref<632x64xf32, #tpu.memory_space<vmem_shared>>) dst(%dma_wait3A_77 : memref<632x64xf32, #tpu.memory_space<hbm>>)
      tpu.yield
    }) : () -> ()
    return
  }
}

#map = affine_map<(d0, d1) -> (0, 0)>
#map1 = affine_map<(d0, d1) -> (0, 0, 0)>
module attributes {stable_mosaic.version = 14 : i64} {
  func.func @_edge_scatter_body(%arg0: i32, %arg1: i32, %arg2: memref<10112x64xf32, #tpu.memory_space<hbm>>, %arg3: memref<32x80x128xi32, #tpu.memory_space<hbm>>, %arg4: memref<32x80x128xi32, #tpu.memory_space<hbm>>, %arg5: memref<2x10112x64xf32, #tpu.memory_space<hbm>>, %arg6: memref<80x128xi32, #tpu.memory_space<vmem>>, %arg7: memref<80x128xi32, #tpu.memory_space<vmem>>, %arg8: memref<128x64xf32, #tpu.memory_space<vmem>>, %arg9: memref<128x64xf32, #tpu.memory_space<vmem>>, %arg10: memref<128x64xf32, #tpu.memory_space<vmem>>, %arg11: memref<10112x64xf32, #tpu.memory_space<vmem_shared>>, %arg12: memref<10112x64xf32, #tpu.memory_space<vmem_shared>>, %arg13: memref<!tpu.dma_semaphore, #tpu.memory_space<semaphore_mem>>, %arg14: memref<!tpu.dma_semaphore, #tpu.memory_space<semaphore_mem>>) attributes {dimension_semantics = [#tpu.dimension_semantics<core_parallel>, #tpu.dimension_semantics<subcore_parallel>], iteration_bounds = array<i64: 2, 16>, scalar_prefetch = 0 : i64, scratch_operands = 9 : i64, tpu.core_type = #tpu.core_type<sc_vector_subcore>, window_params = [{transform_indices = #map}, {transform_indices = #map1}, {transform_indices = #map1}, {transform_indices = #map1}]} {
    %mul3A = arith.constant 16 : i32
    %mul3A_0 = arith.muli %arg0, %mul3A : i32
    %add3A = arith.addi %mul3A_0, %arg1 : i32
    %mul3A_1 = arith.constant 632 : i32
    %mul3A_2 = arith.muli %arg1, %mul3A_1 : i32
    %dma_start3A = arith.constant 0 : i32
    %dma_start3A_3 = arith.constant 0 : i32
    %dma_start3A_4 = tpu.memref_slice %arg3[%add3A, %dma_start3A, %dma_start3A_3] : memref<32x80x128xi32, #tpu.memory_space<hbm>> -> memref<1x80x128xi32, #tpu.memory_space<hbm>>
    %dma_start3A_5 = tpu.memref_squeeze %dma_start3A_4 : memref<1x80x128xi32, #tpu.memory_space<hbm>> -> memref<80x128xi32, #tpu.memory_space<hbm>>
    %dma_start3A_6 = arith.constant 0 : i32
    %dma_start3A_7 = arith.constant 0 : i32
    %dma_start3A_8 = tpu.memref_slice %arg3[%add3A, %dma_start3A_6, %dma_start3A_7] : memref<32x80x128xi32, #tpu.memory_space<hbm>> -> memref<1x80x128xi32, #tpu.memory_space<hbm>>
    %dma_start3A_9 = tpu.memref_squeeze %dma_start3A_8 : memref<1x80x128xi32, #tpu.memory_space<hbm>> -> memref<80x128xi32, #tpu.memory_space<hbm>>
    tpu.enqueue_dma source(%dma_start3A_9 : memref<80x128xi32, #tpu.memory_space<hbm>>) target(%arg6 : memref<80x128xi32, #tpu.memory_space<vmem>>) target_semaphore(%arg13 : memref<!tpu.dma_semaphore, #tpu.memory_space<semaphore_mem>>)
    %dma_start3A_10 = arith.constant 0 : i32
    %dma_start3A_11 = arith.constant 0 : i32
    %dma_start3A_12 = tpu.memref_slice %arg4[%add3A, %dma_start3A_10, %dma_start3A_11] : memref<32x80x128xi32, #tpu.memory_space<hbm>> -> memref<1x80x128xi32, #tpu.memory_space<hbm>>
    %dma_start3A_13 = tpu.memref_squeeze %dma_start3A_12 : memref<1x80x128xi32, #tpu.memory_space<hbm>> -> memref<80x128xi32, #tpu.memory_space<hbm>>
    %dma_start3A_14 = arith.constant 0 : i32
    %dma_start3A_15 = arith.constant 0 : i32
    %dma_start3A_16 = tpu.memref_slice %arg4[%add3A, %dma_start3A_14, %dma_start3A_15] : memref<32x80x128xi32, #tpu.memory_space<hbm>> -> memref<1x80x128xi32, #tpu.memory_space<hbm>>
    %dma_start3A_17 = tpu.memref_squeeze %dma_start3A_16 : memref<1x80x128xi32, #tpu.memory_space<hbm>> -> memref<80x128xi32, #tpu.memory_space<hbm>>
    tpu.enqueue_dma source(%dma_start3A_17 : memref<80x128xi32, #tpu.memory_space<hbm>>) target(%arg7 : memref<80x128xi32, #tpu.memory_space<vmem>>) target_semaphore(%arg13 : memref<!tpu.dma_semaphore, #tpu.memory_space<semaphore_mem>>)
    %dma_start3A_18 = arith.constant 0 : i32
    %dma_start3A_19 = tpu.memref_slice %arg12[%mul3A_2, %dma_start3A_18] : memref<10112x64xf32, #tpu.memory_space<vmem_shared>> -> memref<632x64xf32, #tpu.memory_space<vmem_shared>>
    %dma_start3A_20 = arith.constant 0 : i32
    %dma_start3A_21 = tpu.memref_slice %arg2[%mul3A_2, %dma_start3A_20] : memref<10112x64xf32, #tpu.memory_space<hbm>> -> memref<632x64xf32, #tpu.memory_space<hbm>>
    tpu.enqueue_dma source(%dma_start3A_21 : memref<632x64xf32, #tpu.memory_space<hbm>>) target(%dma_start3A_19 : memref<632x64xf32, #tpu.memory_space<vmem_shared>>) target_semaphore(%arg14 : memref<!tpu.dma_semaphore, #tpu.memory_space<semaphore_mem>>)
    %scan3A = arith.constant 0 : i32
    %scan3A_22 = arith.constant 0 : i32
    %scan3A_23 = arith.constant 128 : i32
    %scan3A_24 = arith.addi %scan3A_22, %scan3A_23 : i32
    %scan3A_25 = arith.constant 1 : i32
    scf.for %scan3A_70 = %scan3A_22 to %scan3A_24 step %scan3A_25  : i32 {
      %broadcast_in_dim3A = arith.constant 0.000000e+00 : f32
      %broadcast_in_dim3A_71 = vector.broadcast %broadcast_in_dim3A : f32 to vector<16xf32>
      %swap3A = arith.index_cast %scan3A_70 : i32 to index
      %swap3A_72 = arith.constant 0 : index
      %swap3A_73 = tpu.vector_load %arg10[%swap3A, %swap3A_72] {strides = array<i32>} : memref<128x64xf32, #tpu.memory_space<vmem>>, vector<1x16xf32>,
      %swap3A_74 = vector.shape_cast %swap3A_73 : vector<1x16xf32> to vector<16xf32>
      %swap3A_75 = vector.shape_cast %broadcast_in_dim3A_71 : vector<16xf32> to vector<1x16xf32>
      tpu.vector_store %arg10[%swap3A, %swap3A_72], %swap3A_75 {strides = array<i32>} : memref<128x64xf32, #tpu.memory_space<vmem>>, vector<1x16xf32>,
      %broadcast_in_dim3A_76 = arith.constant 0.000000e+00 : f32
      %broadcast_in_dim3A_77 = vector.broadcast %broadcast_in_dim3A_76 : f32 to vector<16xf32>
      %swap3A_78 = arith.index_cast %scan3A_70 : i32 to index
      %swap3A_79 = arith.constant 16 : index
      %swap3A_80 = tpu.vector_load %arg10[%swap3A_78, %swap3A_79] {strides = array<i32>} : memref<128x64xf32, #tpu.memory_space<vmem>>, vector<1x16xf32>,
      %swap3A_81 = vector.shape_cast %swap3A_80 : vector<1x16xf32> to vector<16xf32>
      %swap3A_82 = vector.shape_cast %broadcast_in_dim3A_77 : vector<16xf32> to vector<1x16xf32>
      tpu.vector_store %arg10[%swap3A_78, %swap3A_79], %swap3A_82 {strides = array<i32>} : memref<128x64xf32, #tpu.memory_space<vmem>>, vector<1x16xf32>,
      %broadcast_in_dim3A_83 = arith.constant 0.000000e+00 : f32
      %broadcast_in_dim3A_84 = vector.broadcast %broadcast_in_dim3A_83 : f32 to vector<16xf32>
      %swap3A_85 = arith.index_cast %scan3A_70 : i32 to index
      %swap3A_86 = arith.constant 32 : index
      %swap3A_87 = tpu.vector_load %arg10[%swap3A_85, %swap3A_86] {strides = array<i32>} : memref<128x64xf32, #tpu.memory_space<vmem>>, vector<1x16xf32>,
      %swap3A_88 = vector.shape_cast %swap3A_87 : vector<1x16xf32> to vector<16xf32>
      %swap3A_89 = vector.shape_cast %broadcast_in_dim3A_84 : vector<16xf32> to vector<1x16xf32>
      tpu.vector_store %arg10[%swap3A_85, %swap3A_86], %swap3A_89 {strides = array<i32>} : memref<128x64xf32, #tpu.memory_space<vmem>>, vector<1x16xf32>,
      %broadcast_in_dim3A_90 = arith.constant 0.000000e+00 : f32
      %broadcast_in_dim3A_91 = vector.broadcast %broadcast_in_dim3A_90 : f32 to vector<16xf32>
      %swap3A_92 = arith.index_cast %scan3A_70 : i32 to index
      %swap3A_93 = arith.constant 48 : index
      %swap3A_94 = tpu.vector_load %arg10[%swap3A_92, %swap3A_93] {strides = array<i32>} : memref<128x64xf32, #tpu.memory_space<vmem>>, vector<1x16xf32>,
      %swap3A_95 = vector.shape_cast %swap3A_94 : vector<1x16xf32> to vector<16xf32>
      %swap3A_96 = vector.shape_cast %broadcast_in_dim3A_91 : vector<16xf32> to vector<1x16xf32>
      tpu.vector_store %arg10[%swap3A_92, %swap3A_93], %swap3A_96 {strides = array<i32>} : memref<128x64xf32, #tpu.memory_space<vmem>>, vector<1x16xf32>,
    }
    %scan3A_26 = arith.constant 128 : i32
    %add3A_27 = arith.constant 0 : i32
    %add3A_28 = arith.addi %mul3A_2, %add3A_27 : i32
    "tpu.region"() ({
      %run_scoped3A = tpu.sem_alloc : memref<!tpu.dma_semaphore, #tpu.memory_space<semaphore_mem>>
      %dma_start3A_70 = arith.constant 0 : i32
      %dma_start3A_71 = tpu.memref_slice %arg11[%add3A_28, %dma_start3A_70] : memref<10112x64xf32, #tpu.memory_space<vmem_shared>> -> memref<128x64xf32, #tpu.memory_space<vmem_shared>>
      %dma_start3A_72 = arith.constant 0 : i32
      %dma_start3A_73 = tpu.memref_slice %arg11[%add3A_28, %dma_start3A_72] : memref<10112x64xf32, #tpu.memory_space<vmem_shared>> -> memref<128x64xf32, #tpu.memory_space<vmem_shared>>
      tpu.enqueue_dma source(%arg10 : memref<128x64xf32, #tpu.memory_space<vmem>>) target(%dma_start3A_73 : memref<128x64xf32, #tpu.memory_space<vmem_shared>>) target_semaphore(%run_scoped3A : memref<!tpu.dma_semaphore, #tpu.memory_space<semaphore_mem>>)
      %dma_wait3A_74 = arith.constant 0 : i32
      %dma_wait3A_75 = tpu.memref_slice %arg11[%add3A_28, %dma_wait3A_74] : memref<10112x64xf32, #tpu.memory_space<vmem_shared>> -> memref<128x64xf32, #tpu.memory_space<vmem_shared>>
      %dma_wait3A_76 = arith.constant 0 : i32
      %dma_wait3A_77 = tpu.memref_slice %arg11[%add3A_28, %dma_wait3A_76] : memref<10112x64xf32, #tpu.memory_space<vmem_shared>> -> memref<128x64xf32, #tpu.memory_space<vmem_shared>>
      tpu.wait_dma2 semaphore(%run_scoped3A : memref<!tpu.dma_semaphore, #tpu.memory_space<semaphore_mem>>) src(%arg10 : memref<128x64xf32, #tpu.memory_space<vmem>>) dst(%dma_wait3A_77 : memref<128x64xf32, #tpu.memory_space<vmem_shared>>)
      tpu.yield
    }) : () -> ()
    %add3A_29 = arith.constant 128 : i32
    %add3A_30 = arith.addi %mul3A_2, %add3A_29 : i32
    "tpu.region"() ({
      %run_scoped3A = tpu.sem_alloc : memref<!tpu.dma_semaphore, #tpu.memory_space<semaphore_mem>>
      %dma_start3A_70 = arith.constant 0 : i32
      %dma_start3A_71 = tpu.memref_slice %arg11[%add3A_30, %dma_start3A_70] : memref<10112x64xf32, #tpu.memory_space<vmem_shared>> -> memref<128x64xf32, #tpu.memory_space<vmem_shared>>
      %dma_start3A_72 = arith.constant 0 : i32
      %dma_start3A_73 = tpu.memref_slice %arg11[%add3A_30, %dma_start3A_72] : memref<10112x64xf32, #tpu.memory_space<vmem_shared>> -> memref<128x64xf32, #tpu.memory_space<vmem_shared>>
      tpu.enqueue_dma source(%arg10 : memref<128x64xf32, #tpu.memory_space<vmem>>) target(%dma_start3A_73 : memref<128x64xf32, #tpu.memory_space<vmem_shared>>) target_semaphore(%run_scoped3A : memref<!tpu.dma_semaphore, #tpu.memory_space<semaphore_mem>>)
      %dma_wait3A_74 = arith.constant 0 : i32
      %dma_wait3A_75 = tpu.memref_slice %arg11[%add3A_30, %dma_wait3A_74] : memref<10112x64xf32, #tpu.memory_space<vmem_shared>> -> memref<128x64xf32, #tpu.memory_space<vmem_shared>>
      %dma_wait3A_76 = arith.constant 0 : i32
      %dma_wait3A_77 = tpu.memref_slice %arg11[%add3A_30, %dma_wait3A_76] : memref<10112x64xf32, #tpu.memory_space<vmem_shared>> -> memref<128x64xf32, #tpu.memory_space<vmem_shared>>
      tpu.wait_dma2 semaphore(%run_scoped3A : memref<!tpu.dma_semaphore, #tpu.memory_space<semaphore_mem>>) src(%arg10 : memref<128x64xf32, #tpu.memory_space<vmem>>) dst(%dma_wait3A_77 : memref<128x64xf32, #tpu.memory_space<vmem_shared>>)
      tpu.yield
    }) : () -> ()
    %add3A_31 = arith.constant 256 : i32
    %add3A_32 = arith.addi %mul3A_2, %add3A_31 : i32
    "tpu.region"() ({
      %run_scoped3A = tpu.sem_alloc : memref<!tpu.dma_semaphore, #tpu.memory_space<semaphore_mem>>
      %dma_start3A_70 = arith.constant 0 : i32
      %dma_start3A_71 = tpu.memref_slice %arg11[%add3A_32, %dma_start3A_70] : memref<10112x64xf32, #tpu.memory_space<vmem_shared>> -> memref<128x64xf32, #tpu.memory_space<vmem_shared>>
      %dma_start3A_72 = arith.constant 0 : i32
      %dma_start3A_73 = tpu.memref_slice %arg11[%add3A_32, %dma_start3A_72] : memref<10112x64xf32, #tpu.memory_space<vmem_shared>> -> memref<128x64xf32, #tpu.memory_space<vmem_shared>>
      tpu.enqueue_dma source(%arg10 : memref<128x64xf32, #tpu.memory_space<vmem>>) target(%dma_start3A_73 : memref<128x64xf32, #tpu.memory_space<vmem_shared>>) target_semaphore(%run_scoped3A : memref<!tpu.dma_semaphore, #tpu.memory_space<semaphore_mem>>)
      %dma_wait3A_74 = arith.constant 0 : i32
      %dma_wait3A_75 = tpu.memref_slice %arg11[%add3A_32, %dma_wait3A_74] : memref<10112x64xf32, #tpu.memory_space<vmem_shared>> -> memref<128x64xf32, #tpu.memory_space<vmem_shared>>
      %dma_wait3A_76 = arith.constant 0 : i32
      %dma_wait3A_77 = tpu.memref_slice %arg11[%add3A_32, %dma_wait3A_76] : memref<10112x64xf32, #tpu.memory_space<vmem_shared>> -> memref<128x64xf32, #tpu.memory_space<vmem_shared>>
      tpu.wait_dma2 semaphore(%run_scoped3A : memref<!tpu.dma_semaphore, #tpu.memory_space<semaphore_mem>>) src(%arg10 : memref<128x64xf32, #tpu.memory_space<vmem>>) dst(%dma_wait3A_77 : memref<128x64xf32, #tpu.memory_space<vmem_shared>>)
      tpu.yield
    }) : () -> ()
    %add3A_33 = arith.constant 384 : i32
    %add3A_34 = arith.addi %mul3A_2, %add3A_33 : i32
    "tpu.region"() ({
      %run_scoped3A = tpu.sem_alloc : memref<!tpu.dma_semaphore, #tpu.memory_space<semaphore_mem>>
      %dma_start3A_70 = arith.constant 0 : i32
      %dma_start3A_71 = tpu.memref_slice %arg11[%add3A_34, %dma_start3A_70] : memref<10112x64xf32, #tpu.memory_space<vmem_shared>> -> memref<128x64xf32, #tpu.memory_space<vmem_shared>>
      %dma_start3A_72 = arith.constant 0 : i32
      %dma_start3A_73 = tpu.memref_slice %arg11[%add3A_34, %dma_start3A_72] : memref<10112x64xf32, #tpu.memory_space<vmem_shared>> -> memref<128x64xf32, #tpu.memory_space<vmem_shared>>
      tpu.enqueue_dma source(%arg10 : memref<128x64xf32, #tpu.memory_space<vmem>>) target(%dma_start3A_73 : memref<128x64xf32, #tpu.memory_space<vmem_shared>>) target_semaphore(%run_scoped3A : memref<!tpu.dma_semaphore, #tpu.memory_space<semaphore_mem>>)
      %dma_wait3A_74 = arith.constant 0 : i32
      %dma_wait3A_75 = tpu.memref_slice %arg11[%add3A_34, %dma_wait3A_74] : memref<10112x64xf32, #tpu.memory_space<vmem_shared>> -> memref<128x64xf32, #tpu.memory_space<vmem_shared>>
      %dma_wait3A_76 = arith.constant 0 : i32
      %dma_wait3A_77 = tpu.memref_slice %arg11[%add3A_34, %dma_wait3A_76] : memref<10112x64xf32, #tpu.memory_space<vmem_shared>> -> memref<128x64xf32, #tpu.memory_space<vmem_shared>>
      tpu.wait_dma2 semaphore(%run_scoped3A : memref<!tpu.dma_semaphore, #tpu.memory_space<semaphore_mem>>) src(%arg10 : memref<128x64xf32, #tpu.memory_space<vmem>>) dst(%dma_wait3A_77 : memref<128x64xf32, #tpu.memory_space<vmem_shared>>)
      tpu.yield
    }) : () -> ()
    %add3A_35 = arith.constant 512 : i32
    %add3A_36 = arith.addi %mul3A_2, %add3A_35 : i32
    "tpu.region"() ({
      %run_scoped3A = tpu.sem_alloc : memref<!tpu.dma_semaphore, #tpu.memory_space<semaphore_mem>>
      %dma_start3A_70 = arith.constant 0 : i32
      %dma_start3A_71 = arith.constant 0 : i32
      %dma_start3A_72 = tpu.memref_slice %arg10[%dma_start3A_70, %dma_start3A_71] : memref<128x64xf32, #tpu.memory_space<vmem>> -> memref<120x64xf32, #tpu.memory_space<vmem>>
      %dma_start3A_73 = arith.constant 0 : i32
      %dma_start3A_74 = tpu.memref_slice %arg11[%add3A_36, %dma_start3A_73] : memref<10112x64xf32, #tpu.memory_space<vmem_shared>> -> memref<120x64xf32, #tpu.memory_space<vmem_shared>>
      %dma_start3A_75 = arith.constant 0 : i32
      %dma_start3A_76 = tpu.memref_slice %arg11[%add3A_36, %dma_start3A_75] : memref<10112x64xf32, #tpu.memory_space<vmem_shared>> -> memref<120x64xf32, #tpu.memory_space<vmem_shared>>
      %dma_start3A_77 = arith.constant 0 : i32
      %dma_start3A_78 = arith.constant 0 : i32
      %dma_start3A_79 = tpu.memref_slice %arg10[%dma_start3A_77, %dma_start3A_78] : memref<128x64xf32, #tpu.memory_space<vmem>> -> memref<120x64xf32, #tpu.memory_space<vmem>>
      tpu.enqueue_dma source(%dma_start3A_79 : memref<120x64xf32, #tpu.memory_space<vmem>>) target(%dma_start3A_76 : memref<120x64xf32, #tpu.memory_space<vmem_shared>>) target_semaphore(%run_scoped3A : memref<!tpu.dma_semaphore, #tpu.memory_space<semaphore_mem>>)
      %dma_wait3A_80 = arith.constant 0 : i32
      %dma_wait3A_81 = arith.constant 0 : i32
      %dma_wait3A_82 = tpu.memref_slice %arg10[%dma_wait3A_80, %dma_wait3A_81] : memref<128x64xf32, #tpu.memory_space<vmem>> -> memref<120x64xf32, #tpu.memory_space<vmem>>
      %dma_wait3A_83 = arith.constant 0 : i32
      %dma_wait3A_84 = tpu.memref_slice %arg11[%add3A_36, %dma_wait3A_83] : memref<10112x64xf32, #tpu.memory_space<vmem_shared>> -> memref<120x64xf32, #tpu.memory_space<vmem_shared>>
      %dma_wait3A_85 = arith.constant 0 : i32
      %dma_wait3A_86 = tpu.memref_slice %arg11[%add3A_36, %dma_wait3A_85] : memref<10112x64xf32, #tpu.memory_space<vmem_shared>> -> memref<120x64xf32, #tpu.memory_space<vmem_shared>>
      %dma_wait3A_87 = arith.constant 0 : i32
      %dma_wait3A_88 = arith.constant 0 : i32
      %dma_wait3A_89 = tpu.memref_slice %arg10[%dma_wait3A_87, %dma_wait3A_88] : memref<128x64xf32, #tpu.memory_space<vmem>> -> memref<120x64xf32, #tpu.memory_space<vmem>>
      tpu.wait_dma2 semaphore(%run_scoped3A : memref<!tpu.dma_semaphore, #tpu.memory_space<semaphore_mem>>) src(%dma_wait3A_89 : memref<120x64xf32, #tpu.memory_space<vmem>>) dst(%dma_wait3A_86 : memref<120x64xf32, #tpu.memory_space<vmem_shared>>)
      tpu.yield
    }) : () -> ()
    %dma_wait3A = arith.constant 0 : i32
    %dma_wait3A_37 = arith.constant 0 : i32
    %dma_wait3A_38 = tpu.memref_slice %arg3[%add3A, %dma_wait3A, %dma_wait3A_37] : memref<32x80x128xi32, #tpu.memory_space<hbm>> -> memref<1x80x128xi32, #tpu.memory_space<hbm>>
    %dma_wait3A_39 = tpu.memref_squeeze %dma_wait3A_38 : memref<1x80x128xi32, #tpu.memory_space<hbm>> -> memref<80x128xi32, #tpu.memory_space<hbm>>
    %dma_wait3A_40 = arith.constant 0 : i32
    %dma_wait3A_41 = arith.constant 0 : i32
    %dma_wait3A_42 = tpu.memref_slice %arg3[%add3A, %dma_wait3A_40, %dma_wait3A_41] : memref<32x80x128xi32, #tpu.memory_space<hbm>> -> memref<1x80x128xi32, #tpu.memory_space<hbm>>
    %dma_wait3A_43 = tpu.memref_squeeze %dma_wait3A_42 : memref<1x80x128xi32, #tpu.memory_space<hbm>> -> memref<80x128xi32, #tpu.memory_space<hbm>>
    tpu.wait_dma2 semaphore(%arg13 : memref<!tpu.dma_semaphore, #tpu.memory_space<semaphore_mem>>) src(%dma_wait3A_43 : memref<80x128xi32, #tpu.memory_space<hbm>>) dst(%arg6 : memref<80x128xi32, #tpu.memory_space<vmem>>)
    %dma_wait3A_44 = arith.constant 0 : i32
    %dma_wait3A_45 = arith.constant 0 : i32
    %dma_wait3A_46 = tpu.memref_slice %arg4[%add3A, %dma_wait3A_44, %dma_wait3A_45] : memref<32x80x128xi32, #tpu.memory_space<hbm>> -> memref<1x80x128xi32, #tpu.memory_space<hbm>>
    %dma_wait3A_47 = tpu.memref_squeeze %dma_wait3A_46 : memref<1x80x128xi32, #tpu.memory_space<hbm>> -> memref<80x128xi32, #tpu.memory_space<hbm>>
    %dma_wait3A_48 = arith.constant 0 : i32
    %dma_wait3A_49 = arith.constant 0 : i32
    %dma_wait3A_50 = tpu.memref_slice %arg4[%add3A, %dma_wait3A_48, %dma_wait3A_49] : memref<32x80x128xi32, #tpu.memory_space<hbm>> -> memref<1x80x128xi32, #tpu.memory_space<hbm>>
    %dma_wait3A_51 = tpu.memref_squeeze %dma_wait3A_50 : memref<1x80x128xi32, #tpu.memory_space<hbm>> -> memref<80x128xi32, #tpu.memory_space<hbm>>
    tpu.wait_dma2 semaphore(%arg13 : memref<!tpu.dma_semaphore, #tpu.memory_space<semaphore_mem>>) src(%dma_wait3A_51 : memref<80x128xi32, #tpu.memory_space<hbm>>) dst(%arg7 : memref<80x128xi32, #tpu.memory_space<vmem>>)
    %dma_wait3A_52 = arith.constant 0 : i32
    %dma_wait3A_53 = tpu.memref_slice %arg12[%mul3A_2, %dma_wait3A_52] : memref<10112x64xf32, #tpu.memory_space<vmem_shared>> -> memref<632x64xf32, #tpu.memory_space<vmem_shared>>
    %dma_wait3A_54 = arith.constant 0 : i32
    %dma_wait3A_55 = tpu.memref_slice %arg2[%mul3A_2, %dma_wait3A_54] : memref<10112x64xf32, #tpu.memory_space<hbm>> -> memref<632x64xf32, #tpu.memory_space<hbm>>
    tpu.wait_dma2 semaphore(%arg14 : memref<!tpu.dma_semaphore, #tpu.memory_space<semaphore_mem>>) src(%dma_wait3A_55 : memref<632x64xf32, #tpu.memory_space<hbm>>) dst(%dma_wait3A_53 : memref<632x64xf32, #tpu.memory_space<vmem_shared>>)
    %barrier3A = arith.constant 0 : index
    tpu.barrier barrier_id(%barrier3A)
    %dma_start3A_56 = arith.constant 0 : i32
    %dma_start3A_57 = arith.constant 0 : i32
    %dma_start3A_58 = tpu.memref_slice %arg6[%dma_start3A_56, %dma_start3A_57] : memref<80x128xi32, #tpu.memory_space<vmem>> -> memref<1x128xi32, #tpu.memory_space<vmem>>
    %dma_start3A_59 = tpu.memref_squeeze %dma_start3A_58 : memref<1x128xi32, #tpu.memory_space<vmem>> -> memref<128xi32, #tpu.memory_space<vmem>>
    %dma_start3A_60 = arith.constant 0 : i32
    %dma_start3A_61 = arith.constant 0 : i32
    %dma_start3A_62 = tpu.memref_slice %arg12[%dma_start3A_60, %dma_start3A_61] : memref<10112x64xf32, #tpu.memory_space<vmem_shared>> -> memref<10112x64xf32, #tpu.memory_space<vmem_shared>>
    tpu.enqueue_indirect_dma source(%dma_start3A_62 : memref<10112x64xf32, #tpu.memory_space<vmem_shared>>) target(%arg8 : memref<128x64xf32, #tpu.memory_space<vmem>>) offsets(%dma_start3A_59 : memref<128xi32, #tpu.memory_space<vmem>>) semaphore(%arg13 : memref<!tpu.dma_semaphore, #tpu.memory_space<semaphore_mem>>)
    %scan3A_63 = arith.constant 0 : i32
    %scan3A_64 = arith.constant 0 : i32
    %scan3A_65 = arith.constant 40 : i32
    %scan3A_66 = arith.addi %scan3A_64, %scan3A_65 : i32
    %scan3A_67 = arith.constant 1 : i32
    scf.for %scan3A_70 = %scan3A_64 to %scan3A_66 step %scan3A_67  : i32 {
      %mul3A_71 = arith.constant 2 : i32
      %mul3A_72 = arith.muli %scan3A_70, %mul3A_71 : i32
      %dma_wait3A_73 = arith.constant 0 : i32
      %dma_wait3A_74 = tpu.memref_slice %arg6[%mul3A_72, %dma_wait3A_73] : memref<80x128xi32, #tpu.memory_space<vmem>> -> memref<1x128xi32, #tpu.memory_space<vmem>>
      %dma_wait3A_75 = tpu.memref_squeeze %dma_wait3A_74 : memref<1x128xi32, #tpu.memory_space<vmem>> -> memref<128xi32, #tpu.memory_space<vmem>>
      %dma_wait3A_76 = arith.constant 0 : i32
      %dma_wait3A_77 = arith.constant 0 : i32
      %dma_wait3A_78 = tpu.memref_slice %arg12[%dma_wait3A_76, %dma_wait3A_77] : memref<10112x64xf32, #tpu.memory_space<vmem_shared>> -> memref<10112x64xf32, #tpu.memory_space<vmem_shared>>
      tpu.wait_indirect_dma semaphore(%arg13 : memref<!tpu.dma_semaphore, #tpu.memory_space<semaphore_mem>>) src(%dma_wait3A_78 : memref<10112x64xf32, #tpu.memory_space<vmem_shared>>) dst(%arg8 : memref<128x64xf32, #tpu.memory_space<vmem>>)
      %add3A_79 = arith.constant 1 : i32
      %add3A_80 = arith.addi %mul3A_72, %add3A_79 : i32
      %dma_start3A_81 = arith.constant 0 : i32
      %dma_start3A_82 = tpu.memref_slice %arg6[%add3A_80, %dma_start3A_81] : memref<80x128xi32, #tpu.memory_space<vmem>> -> memref<1x128xi32, #tpu.memory_space<vmem>>
      %dma_start3A_83 = tpu.memref_squeeze %dma_start3A_82 : memref<1x128xi32, #tpu.memory_space<vmem>> -> memref<128xi32, #tpu.memory_space<vmem>>
      %dma_start3A_84 = arith.constant 0 : i32
      %dma_start3A_85 = arith.constant 0 : i32
      %dma_start3A_86 = tpu.memref_slice %arg12[%dma_start3A_84, %dma_start3A_85] : memref<10112x64xf32, #tpu.memory_space<vmem_shared>> -> memref<10112x64xf32, #tpu.memory_space<vmem_shared>>
      tpu.enqueue_indirect_dma source(%dma_start3A_86 : memref<10112x64xf32, #tpu.memory_space<vmem_shared>>) target(%arg9 : memref<128x64xf32, #tpu.memory_space<vmem>>) offsets(%dma_start3A_83 : memref<128xi32, #tpu.memory_space<vmem>>) semaphore(%arg14 : memref<!tpu.dma_semaphore, #tpu.memory_space<semaphore_mem>>)
      "tpu.region"() ({
        %run_scoped3A = tpu.sem_alloc : memref<!tpu.dma_semaphore, #tpu.memory_space<semaphore_mem>>
        %dma_start3A_101 = arith.constant 0 : i32
        %dma_start3A_102 = tpu.memref_slice %arg7[%mul3A_72, %dma_start3A_101] : memref<80x128xi32, #tpu.memory_space<vmem>> -> memref<1x128xi32, #tpu.memory_space<vmem>>
        %dma_start3A_103 = tpu.memref_squeeze %dma_start3A_102 : memref<1x128xi32, #tpu.memory_space<vmem>> -> memref<128xi32, #tpu.memory_space<vmem>>
        %dma_start3A_104 = arith.constant 0 : i32
        %dma_start3A_105 = arith.constant 0 : i32
        %dma_start3A_106 = tpu.memref_slice %arg11[%dma_start3A_104, %dma_start3A_105] : memref<10112x64xf32, #tpu.memory_space<vmem_shared>> -> memref<10112x64xf32, #tpu.memory_space<vmem_shared>>
        tpu.enqueue_indirect_dma source(%arg8 : memref<128x64xf32, #tpu.memory_space<vmem>>) target(%dma_start3A_106 : memref<10112x64xf32, #tpu.memory_space<vmem_shared>>) offsets(%dma_start3A_103 : memref<128xi32, #tpu.memory_space<vmem>>) semaphore(%run_scoped3A : memref<!tpu.dma_semaphore, #tpu.memory_space<semaphore_mem>>) {add = true}
        %dma_wait3A_107 = arith.constant 0 : i32
        %dma_wait3A_108 = tpu.memref_slice %arg7[%mul3A_72, %dma_wait3A_107] : memref<80x128xi32, #tpu.memory_space<vmem>> -> memref<1x128xi32, #tpu.memory_space<vmem>>
        %dma_wait3A_109 = tpu.memref_squeeze %dma_wait3A_108 : memref<1x128xi32, #tpu.memory_space<vmem>> -> memref<128xi32, #tpu.memory_space<vmem>>
        %dma_wait3A_110 = arith.constant 0 : i32
        %dma_wait3A_111 = arith.constant 0 : i32
        %dma_wait3A_112 = tpu.memref_slice %arg11[%dma_wait3A_110, %dma_wait3A_111] : memref<10112x64xf32, #tpu.memory_space<vmem_shared>> -> memref<10112x64xf32, #tpu.memory_space<vmem_shared>>
        tpu.wait_indirect_dma semaphore(%run_scoped3A : memref<!tpu.dma_semaphore, #tpu.memory_space<semaphore_mem>>) src(%arg8 : memref<128x64xf32, #tpu.memory_space<vmem>>) dst(%dma_wait3A_112 : memref<10112x64xf32, #tpu.memory_space<vmem_shared>>)
        tpu.yield
      }) : () -> ()
      %add3A_87 = arith.constant 1 : i32
      %add3A_88 = arith.addi %mul3A_72, %add3A_87 : i32
      %dma_wait3A_89 = arith.constant 0 : i32
      %dma_wait3A_90 = tpu.memref_slice %arg6[%add3A_88, %dma_wait3A_89] : memref<80x128xi32, #tpu.memory_space<vmem>> -> memref<1x128xi32, #tpu.memory_space<vmem>>
      %dma_wait3A_91 = tpu.memref_squeeze %dma_wait3A_90 : memref<1x128xi32, #tpu.memory_space<vmem>> -> memref<128xi32, #tpu.memory_space<vmem>>
      %dma_wait3A_92 = arith.constant 0 : i32
      %dma_wait3A_93 = arith.constant 0 : i32
      %dma_wait3A_94 = tpu.memref_slice %arg12[%dma_wait3A_92, %dma_wait3A_93] : memref<10112x64xf32, #tpu.memory_space<vmem_shared>> -> memref<10112x64xf32, #tpu.memory_space<vmem_shared>>
      tpu.wait_indirect_dma semaphore(%arg14 : memref<!tpu.dma_semaphore, #tpu.memory_space<semaphore_mem>>) src(%dma_wait3A_94 : memref<10112x64xf32, #tpu.memory_space<vmem_shared>>) dst(%arg9 : memref<128x64xf32, #tpu.memory_space<vmem>>)
      %add3A_95 = arith.constant 2 : i32
      %add3A_96 = arith.addi %mul3A_72, %add3A_95 : i32
      %lt3A = arith.constant 80 : i32
      %lt3A_97 = arith.cmpi slt, %add3A_96, %lt3A : i32
      %convert_element_type3A = arith.extui %lt3A_97 : i1 to i32
      %cond3A = arith.constant 0 : i32
      %cond3A_98 = arith.cmpi ne, %convert_element_type3A, %cond3A : i32
      scf.if %cond3A_98 {
        %add3A_101 = arith.constant 2 : i32
        %add3A_102 = arith.addi %mul3A_72, %add3A_101 : i32
        %dma_start3A_103 = arith.constant 0 : i32
        %dma_start3A_104 = tpu.memref_slice %arg6[%add3A_102, %dma_start3A_103] : memref<80x128xi32, #tpu.memory_space<vmem>> -> memref<1x128xi32, #tpu.memory_space<vmem>>
        %dma_start3A_105 = tpu.memref_squeeze %dma_start3A_104 : memref<1x128xi32, #tpu.memory_space<vmem>> -> memref<128xi32, #tpu.memory_space<vmem>>
        %dma_start3A_106 = arith.constant 0 : i32
        %dma_start3A_107 = arith.constant 0 : i32
        %dma_start3A_108 = tpu.memref_slice %arg12[%dma_start3A_106, %dma_start3A_107] : memref<10112x64xf32, #tpu.memory_space<vmem_shared>> -> memref<10112x64xf32, #tpu.memory_space<vmem_shared>>
        tpu.enqueue_indirect_dma source(%dma_start3A_108 : memref<10112x64xf32, #tpu.memory_space<vmem_shared>>) target(%arg8 : memref<128x64xf32, #tpu.memory_space<vmem>>) offsets(%dma_start3A_105 : memref<128xi32, #tpu.memory_space<vmem>>) semaphore(%arg13 : memref<!tpu.dma_semaphore, #tpu.memory_space<semaphore_mem>>)
      } else {
      }
      %add3A_99 = arith.constant 1 : i32
      %add3A_100 = arith.addi %mul3A_72, %add3A_99 : i32
      "tpu.region"() ({
        %run_scoped3A = tpu.sem_alloc : memref<!tpu.dma_semaphore, #tpu.memory_space<semaphore_mem>>
        %dma_start3A_101 = arith.constant 0 : i32
        %dma_start3A_102 = tpu.memref_slice %arg7[%add3A_100, %dma_start3A_101] : memref<80x128xi32, #tpu.memory_space<vmem>> -> memref<1x128xi32, #tpu.memory_space<vmem>>
        %dma_start3A_103 = tpu.memref_squeeze %dma_start3A_102 : memref<1x128xi32, #tpu.memory_space<vmem>> -> memref<128xi32, #tpu.memory_space<vmem>>
        %dma_start3A_104 = arith.constant 0 : i32
        %dma_start3A_105 = arith.constant 0 : i32
        %dma_start3A_106 = tpu.memref_slice %arg11[%dma_start3A_104, %dma_start3A_105] : memref<10112x64xf32, #tpu.memory_space<vmem_shared>> -> memref<10112x64xf32, #tpu.memory_space<vmem_shared>>
        tpu.enqueue_indirect_dma source(%arg9 : memref<128x64xf32, #tpu.memory_space<vmem>>) target(%dma_start3A_106 : memref<10112x64xf32, #tpu.memory_space<vmem_shared>>) offsets(%dma_start3A_103 : memref<128xi32, #tpu.memory_space<vmem>>) semaphore(%run_scoped3A : memref<!tpu.dma_semaphore, #tpu.memory_space<semaphore_mem>>) {add = true}
        %dma_wait3A_107 = arith.constant 0 : i32
        %dma_wait3A_108 = tpu.memref_slice %arg7[%add3A_100, %dma_wait3A_107] : memref<80x128xi32, #tpu.memory_space<vmem>> -> memref<1x128xi32, #tpu.memory_space<vmem>>
        %dma_wait3A_109 = tpu.memref_squeeze %dma_wait3A_108 : memref<1x128xi32, #tpu.memory_space<vmem>> -> memref<128xi32, #tpu.memory_space<vmem>>
        %dma_wait3A_110 = arith.constant 0 : i32
        %dma_wait3A_111 = arith.constant 0 : i32
        %dma_wait3A_112 = tpu.memref_slice %arg11[%dma_wait3A_110, %dma_wait3A_111] : memref<10112x64xf32, #tpu.memory_space<vmem_shared>> -> memref<10112x64xf32, #tpu.memory_space<vmem_shared>>
        tpu.wait_indirect_dma semaphore(%run_scoped3A : memref<!tpu.dma_semaphore, #tpu.memory_space<semaphore_mem>>) src(%arg9 : memref<128x64xf32, #tpu.memory_space<vmem>>) dst(%dma_wait3A_112 : memref<10112x64xf32, #tpu.memory_space<vmem_shared>>)
        tpu.yield
      }) : () -> ()
    }
    %scan3A_68 = arith.constant 40 : i32
    %barrier3A_69 = arith.constant 0 : index
    tpu.barrier barrier_id(%barrier3A_69)
    "tpu.region"() ({
      %run_scoped3A = tpu.sem_alloc : memref<!tpu.dma_semaphore, #tpu.memory_space<semaphore_mem>>
      %dma_start3A_70 = arith.constant 0 : i32
      %dma_start3A_71 = tpu.memref_slice %arg5[%arg0, %mul3A_2, %dma_start3A_70] : memref<2x10112x64xf32, #tpu.memory_space<hbm>> -> memref<1x632x64xf32, #tpu.memory_space<hbm>>
      %dma_start3A_72 = tpu.memref_squeeze %dma_start3A_71 : memref<1x632x64xf32, #tpu.memory_space<hbm>> -> memref<632x64xf32, #tpu.memory_space<hbm>>
      %dma_start3A_73 = arith.constant 0 : i32
      %dma_start3A_74 = tpu.memref_slice %arg11[%mul3A_2, %dma_start3A_73] : memref<10112x64xf32, #tpu.memory_space<vmem_shared>> -> memref<632x64xf32, #tpu.memory_space<vmem_shared>>
      tpu.enqueue_dma source(%dma_start3A_74 : memref<632x64xf32, #tpu.memory_space<vmem_shared>>) target(%dma_start3A_72 : memref<632x64xf32, #tpu.memory_space<hbm>>) target_semaphore(%run_scoped3A : memref<!tpu.dma_semaphore, #tpu.memory_space<semaphore_mem>>)
      %dma_wait3A_75 = arith.constant 0 : i32
      %dma_wait3A_76 = tpu.memref_slice %arg5[%arg0, %mul3A_2, %dma_wait3A_75] : memref<2x10112x64xf32, #tpu.memory_space<hbm>> -> memref<1x632x64xf32, #tpu.memory_space<hbm>>
      %dma_wait3A_77 = tpu.memref_squeeze %dma_wait3A_76 : memref<1x632x64xf32, #tpu.memory_space<hbm>> -> memref<632x64xf32, #tpu.memory_space<hbm>>
      %dma_wait3A_78 = arith.constant 0 : i32
      %dma_wait3A_79 = tpu.memref_slice %arg11[%mul3A_2, %dma_wait3A_78] : memref<10112x64xf32, #tpu.memory_space<vmem_shared>> -> memref<632x64xf32, #tpu.memory_space<vmem_shared>>
      tpu.wait_dma2 semaphore(%run_scoped3A : memref<!tpu.dma_semaphore, #tpu.memory_space<semaphore_mem>>) src(%dma_wait3A_79 : memref<632x64xf32, #tpu.memory_space<vmem_shared>>) dst(%dma_wait3A_77 : memref<632x64xf32, #tpu.memory_space<hbm>>)
      tpu.yield
    }) : () -> ()
    return
  }
}

module attributes {stable_mosaic.version = 14 : i64} {
  func.func @_mm_scale_body(%arg0: i32, %arg1: memref<632x128xf32, #tpu.memory_space<vmem>>, %arg2: memref<632x128xf32, #tpu.memory_space<vmem>>, %arg3: memref<128x64xf32, #tpu.memory_space<vmem>>, %arg4: memref<2x632x128xf32, #tpu.memory_space<vmem>>, %arg5: memref<632x128xf32, #tpu.memory_space<vmem>>) attributes {dimension_semantics = [#tpu.dimension_semantics<arbitrary>], iteration_bounds = array<i64: 8>, scalar_prefetch = 0 : i64, scratch_operands = 0 : i64, tpu.core_type = #tpu.core_type<tc>, window_params = [{transform_indices = @transform_0, window_bounds = array<i64: 632, 128>}, {transform_indices = @transform_1, window_bounds = array<i64: 632, 128>}, {pipeline_mode = #tpu.pipeline_mode<synchronous>, transform_indices = @transform_2, window_bounds = array<i64: 128, 64>}, {transform_indices = @transform_3, window_bounds = array<i64: 2, 632, 128>}, {transform_indices = @transform_4, window_bounds = array<i64: 632, 128>}]} {
    %get3A = arith.constant 0 : index
    %get3A_0 = arith.constant 0 : index
    %get3A_1 = vector.load %arg3[%get3A, %get3A_0] : memref<128x64xf32, #tpu.memory_space<vmem>>, vector<128x64xf32>
    %get3A_2 = arith.constant 0 : index
    %get3A_3 = arith.constant 0 : index
    %get3A_4 = arith.constant 0 : index
    %get3A_5 = vector.load %arg4[%get3A_2, %get3A_3, %get3A_4] : memref<2x632x128xf32, #tpu.memory_space<vmem>>, vector<1x632x128xf32>
    %get3A_6 = vector.shape_cast %get3A_5 : vector<1x632x128xf32> to vector<632x128xf32>
    %add3A = arith.constant 1.000000e+00 : f32
    %add3A_7 = vector.broadcast %add3A : f32 to vector<632x128xf32>
    %add3A_8 = arith.addf %add3A_7, %get3A_6 : vector<632x128xf32>
    %get3A_9 = arith.constant 1 : index
    %get3A_10 = arith.constant 0 : index
    %get3A_11 = arith.constant 0 : index
    %get3A_12 = vector.load %arg4[%get3A_9, %get3A_10, %get3A_11] : memref<2x632x128xf32, #tpu.memory_space<vmem>>, vector<1x632x128xf32>
    %get3A_13 = vector.shape_cast %get3A_12 : vector<1x632x128xf32> to vector<632x128xf32>
    %add3A_14 = arith.addf %add3A_8, %get3A_13 : vector<632x128xf32>
    %rsqrt3A = math.rsqrt %add3A_14 : vector<632x128xf32>
    %get3A_15 = arith.constant 0 : index
    %get3A_16 = arith.constant 0 : index
    %get3A_17 = vector.load %arg1[%get3A_15, %get3A_16] : memref<632x128xf32, #tpu.memory_space<vmem>>, vector<632x128xf32>
    %dot_general3A = arith.constant dense<0.000000e+00> : vector<632x64xf32>
    %dot_general3A_18 = tpu.matmul %get3A_17, %get3A_1, %dot_general3A {dimension_numbers = #tpu.dot_dimension_numbers<[1], [0], [0], [1], [0, 0, 1, 1], [], []>, transpose_lhs_hint = false} : vector<632x128xf32>, vector<128x64xf32>, vector<632x64xf32> -> vector<632x64xf32>
    %get3A_19 = arith.constant 0 : index
    %get3A_20 = arith.constant 0 : index
    %get3A_21 = vector.load %arg2[%get3A_19, %get3A_20] : memref<632x128xf32, #tpu.memory_space<vmem>>, vector<632x128xf32>
    %dot_general3A_22 = arith.constant dense<0.000000e+00> : vector<632x64xf32>
    %dot_general3A_23 = tpu.matmul %get3A_21, %get3A_1, %dot_general3A_22 {dimension_numbers = #tpu.dot_dimension_numbers<[1], [0], [0], [1], [0, 0, 1, 1], [], []>, transpose_lhs_hint = false} : vector<632x128xf32>, vector<128x64xf32>, vector<632x64xf32> -> vector<632x64xf32>
    %mul3A = arith.constant 632 : i32
    %mul3A_24 = arith.muli %arg0, %mul3A : i32
    %add3A_25 = arith.constant 5056 : i32
    %add3A_26 = arith.addi %add3A_25, %mul3A_24 : i32
    %iota3A = tpu.iota {dimensions = array<i32: 0>} : vector<632x64xi32>
    %add3A_27 = vector.broadcast %add3A_26 : i32 to vector<632x64xi32>
    %add3A_28 = arith.addi %add3A_27, %iota3A : vector<632x64xi32>
    %lt3A = arith.constant 10000 : i32
    %lt3A_29 = vector.broadcast %lt3A : i32 to vector<632x64xi32>
    %lt3A_30 = arith.cmpi slt, %add3A_28, %lt3A_29 : vector<632x64xi32>
    %jit3A = arith.constant 0.000000e+00 : f32
    %broadcast_in_dim3A = vector.broadcast %jit3A : f32 to vector<632x64xf32>
    %select_n3A = arith.select %lt3A_30, %dot_general3A_23, %broadcast_in_dim3A : vector<632x64xi1>, vector<632x64xf32>
    %concatenate3A = tpu.concatenate %dot_general3A_18, %select_n3A in 1 : vector<632x64xf32>, vector<632x64xf32> -> vector<632x128xf32>
    %mul3A_31 = arith.mulf %concatenate3A, %rsqrt3A : vector<632x128xf32>
    %swap3A = arith.constant 0 : index
    %swap3A_32 = arith.constant 0 : index
    %swap3A_33 = vector.load %arg5[%swap3A, %swap3A_32] : memref<632x128xf32, #tpu.memory_space<vmem>>, vector<632x128xf32>
    tpu.vector_store %arg5[%swap3A, %swap3A_32], %mul3A_31 {strides = array<i32>} : memref<632x128xf32, #tpu.memory_space<vmem>>, vector<632x128xf32>,
    return
  }
  func.func @transform_0(%arg0: i32) -> (i32, i32) {
    %c0_i32 = arith.constant 0 : i32
    %c0_i32_0 = arith.constant 0 : i32
    return %arg0, %c0_i32 : i32, i32
  }
  func.func @transform_1(%arg0: i32) -> (i32, i32) {
    %add3A = arith.constant 8 : i32
    %add3A_0 = arith.addi %arg0, %add3A : i32
    %c0_i32 = arith.constant 0 : i32
    %c0_i32_1 = arith.constant 0 : i32
    return %add3A_0, %c0_i32 : i32, i32
  }
  func.func @transform_2(%arg0: i32) -> (i32, i32) {
    %c0_i32 = arith.constant 0 : i32
    %c0_i32_0 = arith.constant 0 : i32
    %c0_i32_1 = arith.constant 0 : i32
    return %c0_i32, %c0_i32_0 : i32, i32
  }
  func.func @transform_3(%arg0: i32) -> (i32, i32, i32) {
    %c0_i32 = arith.constant 0 : i32
    %c0_i32_0 = arith.constant 0 : i32
    %c0_i32_1 = arith.constant 0 : i32
    return %c0_i32, %arg0, %c0_i32_0 : i32, i32, i32
  }
  func.func @transform_4(%arg0: i32) -> (i32, i32) {
    %c0_i32 = arith.constant 0 : i32
    %c0_i32_0 = arith.constant 0 : i32
    return %arg0, %c0_i32 : i32, i32
  }
}

module attributes {stable_mosaic.version = 14 : i64} {
  func.func @_combine_mm_body(%arg0: i32, %arg1: memref<2x632x128xf32, #tpu.memory_space<vmem>>, %arg2: memref<632x128xf32, #tpu.memory_space<vmem>>, %arg3: memref<2x632x128xf32, #tpu.memory_space<vmem>>, %arg4: memref<1x128xf32, #tpu.memory_space<vmem>>, %arg5: memref<128x128xf32, #tpu.memory_space<vmem>>, %arg6: memref<632x128xf32, #tpu.memory_space<vmem>>) attributes {dimension_semantics = [#tpu.dimension_semantics<arbitrary>], iteration_bounds = array<i64: 8>, scalar_prefetch = 0 : i64, scratch_operands = 0 : i64, tpu.core_type = #tpu.core_type<tc>, window_params = [{transform_indices = @transform_0, window_bounds = array<i64: 2, 632, 128>}, {transform_indices = @transform_1, window_bounds = array<i64: 632, 128>}, {transform_indices = @transform_2, window_bounds = array<i64: 2, 632, 128>}, {pipeline_mode = #tpu.pipeline_mode<synchronous>, transform_indices = @transform_3, window_bounds = array<i64: 1, 128>}, {pipeline_mode = #tpu.pipeline_mode<synchronous>, transform_indices = @transform_4, window_bounds = array<i64: 128, 128>}, {transform_indices = @transform_5, window_bounds = array<i64: 632, 128>}]} {
    %get3A = arith.constant 0 : index
    %get3A_0 = arith.constant 0 : index
    %get3A_1 = arith.constant 0 : index
    %get3A_2 = vector.load %arg3[%get3A, %get3A_0, %get3A_1] : memref<2x632x128xf32, #tpu.memory_space<vmem>>, vector<1x632x128xf32>
    %get3A_3 = vector.shape_cast %get3A_2 : vector<1x632x128xf32> to vector<632x128xf32>
    %add3A = arith.constant 1.000000e+00 : f32
    %add3A_4 = vector.broadcast %add3A : f32 to vector<632x128xf32>
    %add3A_5 = arith.addf %add3A_4, %get3A_3 : vector<632x128xf32>
    %get3A_6 = arith.constant 1 : index
    %get3A_7 = arith.constant 0 : index
    %get3A_8 = arith.constant 0 : index
    %get3A_9 = vector.load %arg3[%get3A_6, %get3A_7, %get3A_8] : memref<2x632x128xf32, #tpu.memory_space<vmem>>, vector<1x632x128xf32>
    %get3A_10 = vector.shape_cast %get3A_9 : vector<1x632x128xf32> to vector<632x128xf32>
    %add3A_11 = arith.addf %add3A_5, %get3A_10 : vector<632x128xf32>
    %rsqrt3A = math.rsqrt %add3A_11 : vector<632x128xf32>
    %get3A_12 = arith.constant 0 : index
    %get3A_13 = arith.constant 0 : index
    %get3A_14 = arith.constant 0 : index
    %get3A_15 = vector.load %arg1[%get3A_12, %get3A_13, %get3A_14] : memref<2x632x128xf32, #tpu.memory_space<vmem>>, vector<1x632x128xf32>
    %get3A_16 = vector.shape_cast %get3A_15 : vector<1x632x128xf32> to vector<632x128xf32>
    %get3A_17 = arith.constant 1 : index
    %get3A_18 = arith.constant 0 : index
    %get3A_19 = arith.constant 0 : index
    %get3A_20 = vector.load %arg1[%get3A_17, %get3A_18, %get3A_19] : memref<2x632x128xf32, #tpu.memory_space<vmem>>, vector<1x632x128xf32>
    %get3A_21 = vector.shape_cast %get3A_20 : vector<1x632x128xf32> to vector<632x128xf32>
    %add3A_22 = arith.addf %get3A_16, %get3A_21 : vector<632x128xf32>
    %get3A_23 = arith.constant 0 : index
    %get3A_24 = arith.constant 0 : index
    %get3A_25 = vector.load %arg2[%get3A_23, %get3A_24] : memref<632x128xf32, #tpu.memory_space<vmem>>, vector<632x128xf32>
    %add3A_26 = arith.addf %add3A_22, %get3A_25 : vector<632x128xf32>
    %mul3A = arith.mulf %add3A_26, %rsqrt3A : vector<632x128xf32>
    %get3A_27 = arith.constant 0 : index
    %get3A_28 = arith.constant 0 : index
    %get3A_29 = vector.load %arg4[%get3A_27, %get3A_28] : memref<1x128xf32, #tpu.memory_space<vmem>>, vector<1x128xf32>
    %add3A_30 = vector.broadcast %get3A_29 : vector<1x128xf32> to vector<632x128xf32>
    %add3A_31 = arith.addf %mul3A, %add3A_30 : vector<632x128xf32>
    %max3A = arith.constant 0.000000e+00 : f32
    %max3A_32 = vector.broadcast %max3A : f32 to vector<632x128xf32>
    %max3A_33 = arith.maximumf %add3A_31, %max3A_32 : vector<632x128xf32>
    %get3A_34 = arith.constant 0 : index
    %get3A_35 = arith.constant 0 : index
    %get3A_36 = vector.load %arg5[%get3A_34, %get3A_35] : memref<128x128xf32, #tpu.memory_space<vmem>>, vector<128x128xf32>
    %dot_general3A = arith.constant dense<0.000000e+00> : vector<632x128xf32>
    %dot_general3A_37 = tpu.matmul %max3A_33, %get3A_36, %dot_general3A {dimension_numbers = #tpu.dot_dimension_numbers<[1], [0], [0], [1], [0, 0, 1, 1], [], []>, transpose_lhs_hint = false} : vector<632x128xf32>, vector<128x128xf32>, vector<632x128xf32> -> vector<632x128xf32>
    %mul3A_38 = arith.mulf %dot_general3A_37, %rsqrt3A : vector<632x128xf32>
    %swap3A = arith.constant 0 : index
    %swap3A_39 = arith.constant 0 : index
    %swap3A_40 = vector.load %arg6[%swap3A, %swap3A_39] : memref<632x128xf32, #tpu.memory_space<vmem>>, vector<632x128xf32>
    tpu.vector_store %arg6[%swap3A, %swap3A_39], %mul3A_38 {strides = array<i32>} : memref<632x128xf32, #tpu.memory_space<vmem>>, vector<632x128xf32>,
    return
  }
  func.func @transform_0(%arg0: i32) -> (i32, i32, i32) {
    %c0_i32 = arith.constant 0 : i32
    %c0_i32_0 = arith.constant 0 : i32
    %c0_i32_1 = arith.constant 0 : i32
    return %c0_i32, %arg0, %c0_i32_0 : i32, i32, i32
  }
  func.func @transform_1(%arg0: i32) -> (i32, i32) {
    %c0_i32 = arith.constant 0 : i32
    %c0_i32_0 = arith.constant 0 : i32
    return %arg0, %c0_i32 : i32, i32
  }
  func.func @transform_2(%arg0: i32) -> (i32, i32, i32) {
    %c0_i32 = arith.constant 0 : i32
    %c0_i32_0 = arith.constant 0 : i32
    %c0_i32_1 = arith.constant 0 : i32
    return %c0_i32, %arg0, %c0_i32_0 : i32, i32, i32
  }
  func.func @transform_3(%arg0: i32) -> (i32, i32) {
    %c0_i32 = arith.constant 0 : i32
    %c0_i32_0 = arith.constant 0 : i32
    %c0_i32_1 = arith.constant 0 : i32
    return %c0_i32, %c0_i32_0 : i32, i32
  }
  func.func @transform_4(%arg0: i32) -> (i32, i32) {
    %c0_i32 = arith.constant 0 : i32
    %c0_i32_0 = arith.constant 0 : i32
    %c0_i32_1 = arith.constant 0 : i32
    return %c0_i32, %c0_i32_0 : i32, i32
  }
  func.func @transform_5(%arg0: i32) -> (i32, i32) {
    %c0_i32 = arith.constant 0 : i32
    %c0_i32_0 = arith.constant 0 : i32
    return %arg0, %c0_i32 : i32, i32
  }
}

module attributes {stable_mosaic.version = 14 : i64} {
  func.func @_final_body(%arg0: i32, %arg1: memref<2x632x128xf32, #tpu.memory_space<vmem>>, %arg2: memref<632x128xf32, #tpu.memory_space<vmem>>, %arg3: memref<2x632x128xf32, #tpu.memory_space<vmem>>, %arg4: memref<1x128xf32, #tpu.memory_space<vmem>>, %arg5: memref<1x1x632xi32, #tpu.memory_space<vmem>>, %arg6: memref<1x1x632xi32, #tpu.memory_space<vmem>>, %arg7: memref<64x2xf32, #tpu.memory_space<vmem>>, %arg8: memref<1x2xf32, #tpu.memory_space<vmem>>, %arg9: memref<16x2xf32, #tpu.memory_space<vmem>>, %arg10: memref<16x64xf32, #tpu.memory_space<vmem>>, %arg11: memref<1x16xf32, #tpu.memory_space<vmem>>) attributes {dimension_semantics = [#tpu.dimension_semantics<arbitrary>], iteration_bounds = array<i64: 8>, scalar_prefetch = 0 : i64, scratch_operands = 2 : i64, tpu.core_type = #tpu.core_type<tc>, window_params = [{transform_indices = @transform_0, window_bounds = array<i64: 2, 632, 128>}, {transform_indices = @transform_1, window_bounds = array<i64: 632, 128>}, {transform_indices = @transform_2, window_bounds = array<i64: 2, 632, 128>}, {pipeline_mode = #tpu.pipeline_mode<synchronous>, transform_indices = @transform_3, window_bounds = array<i64: 1, 128>}, {transform_indices = @transform_4, window_bounds = array<i64: 1, 1, 632>}, {transform_indices = @transform_5, window_bounds = array<i64: 1, 1, 632>}, {pipeline_mode = #tpu.pipeline_mode<synchronous>, transform_indices = @transform_6, window_bounds = array<i64: 64, 2>}, {pipeline_mode = #tpu.pipeline_mode<synchronous>, transform_indices = @transform_7, window_bounds = array<i64: 1, 2>}, {pipeline_mode = #tpu.pipeline_mode<synchronous>, transform_indices = @transform_8, window_bounds = array<i64: 16, 2>}]} {
    %get3A = arith.constant 0 : index
    %get3A_0 = arith.constant 0 : index
    %get3A_1 = arith.constant 0 : index
    %get3A_2 = vector.load %arg3[%get3A, %get3A_0, %get3A_1] : memref<2x632x128xf32, #tpu.memory_space<vmem>>, vector<1x632x128xf32>
    %get3A_3 = vector.shape_cast %get3A_2 : vector<1x632x128xf32> to vector<632x128xf32>
    %add3A = arith.constant 1.000000e+00 : f32
    %add3A_4 = vector.broadcast %add3A : f32 to vector<632x128xf32>
    %add3A_5 = arith.addf %add3A_4, %get3A_3 : vector<632x128xf32>
    %get3A_6 = arith.constant 1 : index
    %get3A_7 = arith.constant 0 : index
    %get3A_8 = arith.constant 0 : index
    %get3A_9 = vector.load %arg3[%get3A_6, %get3A_7, %get3A_8] : memref<2x632x128xf32, #tpu.memory_space<vmem>>, vector<1x632x128xf32>
    %get3A_10 = vector.shape_cast %get3A_9 : vector<1x632x128xf32> to vector<632x128xf32>
    %add3A_11 = arith.addf %add3A_5, %get3A_10 : vector<632x128xf32>
    %rsqrt3A = math.rsqrt %add3A_11 : vector<632x128xf32>
    %get3A_12 = arith.constant 0 : index
    %get3A_13 = arith.constant 0 : index
    %get3A_14 = arith.constant 0 : index
    %get3A_15 = vector.load %arg1[%get3A_12, %get3A_13, %get3A_14] : memref<2x632x128xf32, #tpu.memory_space<vmem>>, vector<1x632x128xf32>
    %get3A_16 = vector.shape_cast %get3A_15 : vector<1x632x128xf32> to vector<632x128xf32>
    %get3A_17 = arith.constant 1 : index
    %get3A_18 = arith.constant 0 : index
    %get3A_19 = arith.constant 0 : index
    %get3A_20 = vector.load %arg1[%get3A_17, %get3A_18, %get3A_19] : memref<2x632x128xf32, #tpu.memory_space<vmem>>, vector<1x632x128xf32>
    %get3A_21 = vector.shape_cast %get3A_20 : vector<1x632x128xf32> to vector<632x128xf32>
    %add3A_22 = arith.addf %get3A_16, %get3A_21 : vector<632x128xf32>
    %get3A_23 = arith.constant 0 : index
    %get3A_24 = arith.constant 0 : index
    %get3A_25 = vector.load %arg2[%get3A_23, %get3A_24] : memref<632x128xf32, #tpu.memory_space<vmem>>, vector<632x128xf32>
    %add3A_26 = arith.addf %add3A_22, %get3A_25 : vector<632x128xf32>
    %mul3A = arith.mulf %add3A_26, %rsqrt3A : vector<632x128xf32>
    %get3A_27 = arith.constant 0 : index
    %get3A_28 = arith.constant 0 : index
    %get3A_29 = vector.load %arg4[%get3A_27, %get3A_28] : memref<1x128xf32, #tpu.memory_space<vmem>>, vector<1x128xf32>
    %add3A_30 = vector.broadcast %get3A_29 : vector<1x128xf32> to vector<632x128xf32>
    %add3A_31 = arith.addf %mul3A, %add3A_30 : vector<632x128xf32>
    %max3A = arith.constant 0.000000e+00 : f32
    %max3A_32 = vector.broadcast %max3A : f32 to vector<632x128xf32>
    %max3A_33 = arith.maximumf %add3A_31, %max3A_32 : vector<632x128xf32>
    %iota3A = tpu.iota {dimensions = array<i32: 0>} : vector<16x632xi32>
    %get3A_34 = arith.constant 0 : index
    %get3A_35 = arith.constant 0 : index
    %get3A_36 = arith.constant 0 : index
    %get3A_37 = vector.load %arg5[%get3A_34, %get3A_35, %get3A_36] : memref<1x1x632xi32, #tpu.memory_space<vmem>>, vector<1x1x632xi32>
    %get3A_38 = vector.shape_cast %get3A_37 : vector<1x1x632xi32> to vector<632xi32>
    %broadcast_in_dim3A = vector.shape_cast %get3A_38 : vector<632xi32> to vector<1x632xi32>
    %eq3A = vector.broadcast %broadcast_in_dim3A : vector<1x632xi32> to vector<16x632xi32>
    %eq3A_39 = arith.cmpi eq, %iota3A, %eq3A : vector<16x632xi32>
    %convert_element_type3A = arith.extui %eq3A_39 : vector<16x632xi1> to vector<16x632xi32>
    %convert_element_type3A_40 = arith.sitofp %convert_element_type3A : vector<16x632xi32> to vector<16x632xf32>
    %get3A_41 = arith.constant 0 : index
    %get3A_42 = arith.constant 0 : index
    %get3A_43 = arith.constant 0 : index
    %get3A_44 = vector.load %arg6[%get3A_41, %get3A_42, %get3A_43] : memref<1x1x632xi32, #tpu.memory_space<vmem>>, vector<1x1x632xi32>
    %get3A_45 = vector.shape_cast %get3A_44 : vector<1x1x632xi32> to vector<632xi32>
    %broadcast_in_dim3A_46 = vector.shape_cast %get3A_45 : vector<632xi32> to vector<1x632xi32>
    %eq3A_47 = vector.broadcast %broadcast_in_dim3A_46 : vector<1x632xi32> to vector<16x632xi32>
    %eq3A_48 = arith.cmpi eq, %iota3A, %eq3A_47 : vector<16x632xi32>
    %convert_element_type3A_49 = arith.extui %eq3A_48 : vector<16x632xi1> to vector<16x632xi32>
    %convert_element_type3A_50 = arith.sitofp %convert_element_type3A_49 : vector<16x632xi32> to vector<16x632xf32>
    %slice3A = vector.extract_strided_slice %max3A_33 {offsets = [0, 0], sizes = [632, 64], strides = [1, 1]} : vector<632x128xf32> to vector<632x64xf32>
    %dot_general3A = arith.constant dense<0.000000e+00> : vector<16x64xf32>
    %dot_general3A_51 = tpu.matmul %convert_element_type3A_40, %slice3A, %dot_general3A {dimension_numbers = #tpu.dot_dimension_numbers<[1], [0], [0], [1], [0, 0, 1, 1], [], []>, transpose_lhs_hint = false} : vector<16x632xf32>, vector<632x64xf32>, vector<16x64xf32> -> vector<16x64xf32>
    %slice3A_52 = vector.extract_strided_slice %max3A_33 {offsets = [0, 64], sizes = [632, 64], strides = [1, 1]} : vector<632x128xf32> to vector<632x64xf32>
    %dot_general3A_53 = arith.constant dense<0.000000e+00> : vector<16x64xf32>
    %dot_general3A_54 = tpu.matmul %convert_element_type3A_50, %slice3A_52, %dot_general3A_53 {dimension_numbers = #tpu.dot_dimension_numbers<[1], [0], [0], [1], [0, 0, 1, 1], [], []>, transpose_lhs_hint = false} : vector<16x632xf32>, vector<632x64xf32>, vector<16x64xf32> -> vector<16x64xf32>
    %add3A_55 = arith.addf %dot_general3A_51, %dot_general3A_54 : vector<16x64xf32>
    %reduce_sum3A = arith.constant dense<0.000000e+00> : vector<16xf32>
    %reduce_sum3A_56 = vector.multi_reduction <add>, %convert_element_type3A_40, %reduce_sum3A [1] : vector<16x632xf32> to vector<16xf32>
    %reduce_sum3A_57 = arith.constant dense<0.000000e+00> : vector<16xf32>
    %reduce_sum3A_58 = vector.multi_reduction <add>, %convert_element_type3A_50, %reduce_sum3A_57 [1] : vector<16x632xf32> to vector<16xf32>
    %add3A_59 = arith.addf %reduce_sum3A_56, %reduce_sum3A_58 : vector<16xf32>
    %eq3A_60 = arith.constant 0 : i32
    %eq3A_61 = arith.cmpi eq, %arg0, %eq3A_60 : i32
    %convert_element_type3A_62 = arith.extui %eq3A_61 : i1 to i32
    %cond3A = arith.constant 0 : i32
    %cond3A_63 = arith.cmpi ne, %convert_element_type3A_62, %cond3A : i32
    scf.if %cond3A_63 {
      %swap3A = arith.constant 0 : index
      %swap3A_73 = arith.constant 0 : index
      %swap3A_74 = vector.load %arg10[%swap3A, %swap3A_73] : memref<16x64xf32, #tpu.memory_space<vmem>>, vector<16x64xf32>
      tpu.vector_store %arg10[%swap3A, %swap3A_73], %add3A_55 {strides = array<i32>} : memref<16x64xf32, #tpu.memory_space<vmem>>, vector<16x64xf32>,
      %broadcast_in_dim3A_75 = vector.shape_cast %add3A_59 : vector<16xf32> to vector<1x16xf32>
      %swap3A_76 = arith.constant 0 : index
      %swap3A_77 = arith.constant 0 : index
      %swap3A_78 = vector.load %arg11[%swap3A_76, %swap3A_77] : memref<1x16xf32, #tpu.memory_space<vmem>>, vector<1x16xf32>
      tpu.vector_store %arg11[%swap3A_76, %swap3A_77], %broadcast_in_dim3A_75 {strides = array<i32>} : memref<1x16xf32, #tpu.memory_space<vmem>>, vector<1x16xf32>,
    } else {
    }
    %gt3A = arith.constant 0 : i32
    %gt3A_64 = arith.cmpi sgt, %arg0, %gt3A : i32
    %convert_element_type3A_65 = arith.extui %gt3A_64 : i1 to i32
    %cond3A_66 = arith.constant 0 : i32
    %cond3A_67 = arith.cmpi ne, %convert_element_type3A_65, %cond3A_66 : i32
    scf.if %cond3A_67 {
      %get3A_73 = arith.constant 0 : index
      %get3A_74 = arith.constant 0 : index
      %get3A_75 = vector.load %arg10[%get3A_73, %get3A_74] : memref<16x64xf32, #tpu.memory_space<vmem>>, vector<16x64xf32>
      %add3A_76 = arith.addf %get3A_75, %add3A_55 : vector<16x64xf32>
      %swap3A = arith.constant 0 : index
      %swap3A_77 = arith.constant 0 : index
      %swap3A_78 = vector.load %arg10[%swap3A, %swap3A_77] : memref<16x64xf32, #tpu.memory_space<vmem>>, vector<16x64xf32>
      tpu.vector_store %arg10[%swap3A, %swap3A_77], %add3A_76 {strides = array<i32>} : memref<16x64xf32, #tpu.memory_space<vmem>>, vector<16x64xf32>,
      %get3A_79 = arith.constant 0 : index
      %get3A_80 = arith.constant 0 : index
      %get3A_81 = vector.load %arg11[%get3A_79, %get3A_80] : memref<1x16xf32, #tpu.memory_space<vmem>>, vector<1x16xf32>
      %broadcast_in_dim3A_82 = vector.shape_cast %add3A_59 : vector<16xf32> to vector<1x16xf32>
      %add3A_83 = arith.addf %get3A_81, %broadcast_in_dim3A_82 : vector<1x16xf32>
      %swap3A_84 = arith.constant 0 : index
      %swap3A_85 = arith.constant 0 : index
      %swap3A_86 = vector.load %arg11[%swap3A_84, %swap3A_85] : memref<1x16xf32, #tpu.memory_space<vmem>>, vector<1x16xf32>
      tpu.vector_store %arg11[%swap3A_84, %swap3A_85], %add3A_83 {strides = array<i32>} : memref<1x16xf32, #tpu.memory_space<vmem>>, vector<1x16xf32>,
    } else {
    }
    %eq3A_68 = arith.constant 7 : i32
    %eq3A_69 = arith.cmpi eq, %arg0, %eq3A_68 : i32
    %convert_element_type3A_70 = arith.extui %eq3A_69 : i1 to i32
    %cond3A_71 = arith.constant 0 : i32
    %cond3A_72 = arith.cmpi ne, %convert_element_type3A_70, %cond3A_71 : i32
    scf.if %cond3A_72 {
      %get3A_73 = arith.constant 0 : index
      %get3A_74 = arith.constant 0 : index
      %get3A_75 = vector.load %arg11[%get3A_73, %get3A_74] : memref<1x16xf32, #tpu.memory_space<vmem>>, vector<1x16xf32>
      %get3A_76 = vector.shape_cast %get3A_75 : vector<1x16xf32> to vector<16xf32>
      %max3A_77 = arith.constant 1.000000e+00 : f32
      %max3A_78 = vector.broadcast %max3A_77 : f32 to vector<16xf32>
      %max3A_79 = arith.maximumf %get3A_76, %max3A_78 : vector<16xf32>
      %get3A_80 = arith.constant 0 : index
      %get3A_81 = arith.constant 0 : index
      %get3A_82 = vector.load %arg10[%get3A_80, %get3A_81] : memref<16x64xf32, #tpu.memory_space<vmem>>, vector<16x64xf32>
      %broadcast_in_dim3A_83 = vector.shape_cast %max3A_79 : vector<16xf32> to vector<16x1xf32>
      %div3A = vector.broadcast %broadcast_in_dim3A_83 : vector<16x1xf32> to vector<16x64xf32>
      %div3A_84 = arith.divf %get3A_82, %div3A : vector<16x64xf32>
      %get3A_85 = arith.constant 0 : index
      %get3A_86 = arith.constant 0 : index
      %get3A_87 = vector.load %arg7[%get3A_85, %get3A_86] : memref<64x2xf32, #tpu.memory_space<vmem>>, vector<64x2xf32>
      %dot_general3A_88 = arith.constant dense<0.000000e+00> : vector<16x2xf32>
      %dot_general3A_89 = tpu.matmul %div3A_84, %get3A_87, %dot_general3A_88 {dimension_numbers = #tpu.dot_dimension_numbers<[1], [0], [0], [1], [0, 0, 1, 1], [], []>, transpose_lhs_hint = false} : vector<16x64xf32>, vector<64x2xf32>, vector<16x2xf32> -> vector<16x2xf32>
      %get3A_90 = arith.constant 0 : index
      %get3A_91 = arith.constant 0 : index
      %get3A_92 = vector.load %arg8[%get3A_90, %get3A_91] : memref<1x2xf32, #tpu.memory_space<vmem>>, vector<1x2xf32>
      %add3A_93 = vector.broadcast %get3A_92 : vector<1x2xf32> to vector<16x2xf32>
      %add3A_94 = arith.addf %dot_general3A_89, %add3A_93 : vector<16x2xf32>
      %swap3A = arith.constant 0 : index
      %swap3A_95 = arith.constant 0 : index
      %swap3A_96 = vector.load %arg9[%swap3A, %swap3A_95] : memref<16x2xf32, #tpu.memory_space<vmem>>, vector<16x2xf32>
      tpu.vector_store %arg9[%swap3A, %swap3A_95], %add3A_94 {strides = array<i32>} : memref<16x2xf32, #tpu.memory_space<vmem>>, vector<16x2xf32>,
    } else {
    }
    return
  }
  func.func @transform_0(%arg0: i32) -> (i32, i32, i32) {
    %c0_i32 = arith.constant 0 : i32
    %c0_i32_0 = arith.constant 0 : i32
    %c0_i32_1 = arith.constant 0 : i32
    return %c0_i32, %arg0, %c0_i32_0 : i32, i32, i32
  }
  func.func @transform_1(%arg0: i32) -> (i32, i32) {
    %c0_i32 = arith.constant 0 : i32
    %c0_i32_0 = arith.constant 0 : i32
    return %arg0, %c0_i32 : i32, i32
  }
  func.func @transform_2(%arg0: i32) -> (i32, i32, i32) {
    %c0_i32 = arith.constant 0 : i32
    %c0_i32_0 = arith.constant 0 : i32
    %c0_i32_1 = arith.constant 0 : i32
    return %c0_i32, %arg0, %c0_i32_0 : i32, i32, i32
  }
  func.func @transform_3(%arg0: i32) -> (i32, i32) {
    %c0_i32 = arith.constant 0 : i32
    %c0_i32_0 = arith.constant 0 : i32
    %c0_i32_1 = arith.constant 0 : i32
    return %c0_i32, %c0_i32_0 : i32, i32
  }
  func.func @transform_4(%arg0: i32) -> (i32, i32, i32) {
    %c0_i32 = arith.constant 0 : i32
    %c0_i32_0 = arith.constant 0 : i32
    %c0_i32_1 = arith.constant 0 : i32
    return %arg0, %c0_i32, %c0_i32_0 : i32, i32, i32
  }
  func.func @transform_5(%arg0: i32) -> (i32, i32, i32) {
    %c0_i32 = arith.constant 0 : i32
    %c0_i32_0 = arith.constant 0 : i32
    %c0_i32_1 = arith.constant 0 : i32
    return %arg0, %c0_i32, %c0_i32_0 : i32, i32, i32
  }
  func.func @transform_6(%arg0: i32) -> (i32, i32) {
    %c0_i32 = arith.constant 0 : i32
    %c0_i32_0 = arith.constant 0 : i32
    %c0_i32_1 = arith.constant 0 : i32
    return %c0_i32, %c0_i32_0 : i32, i32
  }
  func.func @transform_7(%arg0: i32) -> (i32, i32) {
    %c0_i32 = arith.constant 0 : i32
    %c0_i32_0 = arith.constant 0 : i32
    %c0_i32_1 = arith.constant 0 : i32
    return %c0_i32, %c0_i32_0 : i32, i32
  }
  func.func @transform_8(%arg0: i32) -> (i32, i32) {
    %c0_i32 = arith.constant 0 : i32
    %c0_i32_0 = arith.constant 0 : i32
    %c0_i32_1 = arith.constant 0 : i32
    return %c0_i32, %c0_i32_0 : i32, i32
  }
}

</mosaic_0001>

<sc_bundles>
// kernel: kernel.10.cloned.1.call-start
scs
__scs_entry_jumppad:
0x0: {  	(pc) =	sbr.rel $0x88, $3  }
0x1: {  	(tag) =	ssettag $0x0;
	lr =	simm.s32 $0x1  }
0x2: {  	[smem:$0x3F96] =	sst lr;
	_ =	strace $0xD0000000  }
0x3: {  	_ = 	snop  }
0x4: {  	_ = 	snop  }
0x5: {  	_ = 	snop  }
0x6: {  	_ = 	snop  }
0x7: {  	_ = 	snop  }
__scs_overlays_trampoline_lowered:
0x8: {  	[smem:$0x3FA5] =	sst s0  }
0x9: {  	[smem:$0x3FA6] =	sst s1  }
0xa: {  	[smem:$0x3FA7] =	sst s2  }
0xb: {  	[smem:$0x3FA8] =	sst s3  }
0xc: {  	[smem:$0x3FA9] =	sst s4  }
0xd: {  	[smem:$0x3FAA] =	sst s5  }
0xe: {  	[smem:$0x3FAB] =	sst s6  }
0xf: {  	[smem:$0x3FAC] =	sst s7  }
0x10: {  	[smem:$0x3FAD] =	sst s8  }
0x11: {  	[smem:$0x3FAE] =	sst s9;
	s0 =	simm.s32 @!p0 $0x0  }
0x12: {  	s1 =	sld [smem:$0x3F94];
	s0 =	simm.s32 @p0 $0x1  }
0x13: {  	[smem:$0x3FAF] =	sst s0;
	s0 =	simm.s32 @!p1 $0x0  }
0x14: {  	s2 =	sld [smem:$0x3F93];
	s0 =	simm.s32 @p1 $0x1  }
0x15: {  	[smem:$0x3FB0] =	sst s0;
	s0 =	simm.s32 @!p2 $0x0  }
0x16: {  	s3 =	sld [smem:$0x3FDB];
	s0 =	simm.s32 @p2 $0x1  }
0x17: {  	s4 =	simm.s32 $0x1BF5;
	[smem:$0x3FB2] =	sst s0  }
0x18: {  	s0 =	sld [smem:$0x3F95];
	_ =	swait.ge [sflag:s4], $0x0  }
0x19: {  	s7 =	sld [smem:$0x3F96]  }
0x1a: {  	s8 =	sadd.s32 $0xFFFFE003, lr  }
0x1b: {  	s9 =	sadd.s32 $0xFFFFFEF7, lr;
	s5 =	simm.s32 $0xFFFFFFFF;
	p2 =	slt.u32 s8, $0xFFFFF086  }
0x1c: {  	p1 =	slt.u32 s9, $0xF7A;
	s5 =	simm.s32 @!p2 $0x0  }
0x1d: {  	s5 =	simm.s32 @p1 $0x1;
	p0 =	seq.s32 s7, s2  }
0x1e: {  	s7 =	smul.u32 @!p0 $0xF7A, s2;
	p2 =	seq.s32 @!p0 s5, $0x0  }
0x1f: {  	s9 =	smul.u32 $0xF7A, s1;
	s8 =	simm.s32 @!p0 $0x1BF5;
	p2 =	por !p2, p0  }
0x20: {  	[sflag:s8] =	ssyncset.s32 @!p0 $0xFFFFF086;
	s6 =	sadd.s32 @!p0 s3, s7;
	s7 =	simm.s32 @!p0 $0x108  }
0x21: {  	s3 =	sadd.s32 s3, s9;
	s6 =	sadd.s32 @!p0 $0x88, s6;
	s7 =	simm.s32 @p2 $0x1082  }
0x22: {  	[simem:s7], [sflag:s8] =	dma.local @!p0 [hbm:s6], $0xF7A  }
0x23: {  	s9 =	sor.u32 $0xD0000000, s2;
	s6 =	simm.s32 $0x108;
	_ =	swait.ge @!p0 [sflag:s8], $0x0  }
0x24: {  	s3 =	sadd.s32 $0x88, s3;
	s6 =	simm.s32 @!p1 $0x1082;
	[sflag:s4] =	ssyncset.s32 $0xFFFFF086  }
0x25: {  	[simem:s6], [sflag:s4] =	dma.local [hbm:s3], $0xF7A  }
0x26: {  	[smem:$0x3F96] =	sst s1;
	(tag) =	ssettag s2;
	_ =	strace s9  }
0x27: {  	s1 =	sld [smem:$0x3FA6]  }
0x28: {  	s2 =	sld [smem:$0x3FA7]  }
0x29: {  	s4 =	sld [smem:$0x3FA9]  }
0x2a: {  	p0 =	seq.s32 s5, $0x0;
	s5 =	sld [smem:$0x3FAA]  }
0x2b: {  	s6 =	sld [smem:$0x3FAB]  }
0x2c: {  	s7 =	sld [smem:$0x3FAC]  }
0x2d: {  	s3 =	simm.s32 $0x108;
	s8 =	sld [smem:$0x3FAD]  }
0x2e: {  	s3 =	simm.s32 @!p0 $0x1082;
	s9 =	sld [smem:$0x3FAE]  }
0x2f: {  	lr =	sadd.s32 s0, s3;
	s0 =	sld [smem:$0x3FA5]  }
0x30: {  	s3 =	sld [smem:$0x3FA8]  }
0x31: {  	[smem:$0x3FB1] =	sst s10  }
0x32: {  	s10 =	sld [smem:$0x3FAF];
	_ =	sdelay $0x3  }
0x33: {  	p0 =	seq.s32 s10, $0x1;
	s10 =	sld [smem:$0x3FB1];
	_ =	sdelay $0x3  }
0x34: {  	[smem:$0x3FB1] =	sst s10  }
0x35: {  	s10 =	sld [smem:$0x3FB0];
	_ =	sdelay $0x3  }
0x36: {  	p1 =	seq.s32 s10, $0x1;
	s10 =	sld [smem:$0x3FB1];
	_ =	sdelay $0x3  }
0x37: {  	[smem:$0x3FB1] =	sst s10  }
0x38: {  	s10 =	sld [smem:$0x3FB2]  }
0x39: {  	_ = 	snop;
	(pc) =	sbr.ind lr, $3  }
0x3a: {  	_ = 	snop  }
0x3b: {  	_ = 	snop  }
0x3c: {  	p2 =	seq.s32 s10, $0x1;
	s10 =	sld [smem:$0x3FB1]  }
0x3d: {  	_ =	shalt  }
0x3e: {  	_ =	shalt  }
0x3f: {  	_ =	shalt  }
0x40: {  	_ =	shalt  }
0x41: {  	_ =	shalt  }
0x42: {  	_ =	shalt  }
0x43: {  	_ =	shalt  }
0x44: {  	_ =	shalt  }
0x45: {  	_ =	shalt  }
0x46: {  	_ =	shalt  }
0x47: {  	_ =	shalt  }
0x48: {  	_ =	shalt  }
0x49: {  	_ =	shalt  }
0x4a: {  	_ =	shalt  }
0x4b: {  	_ =	shalt  }
0x4c: {  	_ =	shalt  }
0x4d: {  	_ =	shalt  }
0x4e: {  	_ =	shalt  }
0x4f: {  	_ =	shalt  }
0x50: {  	_ =	shalt  }
0x51: {  	_ =	shalt  }
0x52: {  	_ =	shalt  }
0x53: {  	_ =	shalt  }
0x54: {  	_ =	shalt  }
0x55: {  	_ =	shalt  }
0x56: {  	_ =	shalt  }
0x57: {  	_ =	shalt  }
0x58: {  	_ =	shalt  }
0x59: {  	_ =	shalt  }
0x5a: {  	_ =	shalt  }
0x5b: {  	_ =	shalt  }
0x5c: {  	_ =	shalt  }
0x5d: {  	_ =	shalt  }
0x5e: {  	_ =	shalt  }
0x5f: {  	_ =	shalt  }
0x60: {  	_ =	shalt  }
0x61: {  	_ =	shalt  }
0x62: {  	_ =	shalt  }
0x63: {  	_ =	shalt  }
0x64: {  	_ =	shalt  }
0x65: {  	_ =	shalt  }
0x66: {  	_ =	shalt  }
0x67: {  	_ =	shalt  }
0x68: {  	_ =	shalt  }
0x69: {  	_ =	shalt  }
0x6a: {  	_ =	shalt  }
0x6b: {  	_ =	shalt  }
0x6c: {  	_ =	shalt  }
0x6d: {  	_ =	shalt  }
0x6e: {  	_ =	shalt  }
0x6f: {  	_ =	shalt  }
0x70: {  	_ =	shalt  }
0x71: {  	_ =	shalt  }
0x72: {  	_ =	shalt  }
0x73: {  	_ =	shalt  }
0x74: {  	_ =	shalt  }
0x75: {  	_ =	shalt  }
0x76: {  	_ =	shalt  }
0x77: {  	_ =	shalt  }
0x78: {  	_ =	shalt  }
0x79: {  	_ =	shalt  }
0x7a: {  	_ =	shalt  }
0x7b: {  	_ =	shalt  }
0x7c: {  	_ =	shalt  }
0x7d: {  	_ =	shalt  }
0x7e: {  	_ =	shalt  }
0x7f: {  	_ =	shalt  }
0x80: {  	_ =	shalt  }
0x81: {  	_ =	shalt  }
0x82: {  	_ =	shalt  }
0x83: {  	_ =	shalt  }
0x84: {  	_ =	shalt  }
0x85: {  	_ =	shalt  }
0x86: {  	_ =	shalt  }
0x87: {  	_ =	shalt  }
.Lfunc_end0:
.L_simem_size_0:
called_computation_lowered:
.L_overlay_start_0:
0x88: {  	s2 =	sld [smem:$0x3FD9]  }
0x89: {  	s3 =	sld [smem:$0x3FFE];
	_ =	sdelay $0x1  }
0x8a: {  	s1 =	srdreg.scid  }
0x8b: {  	s0 =	sand.u32 $0x1, s1  }
0x8c: {  	s16 =	sshll.u32 s0, $0xA;
	s2 =	sadd.s32 s3, s2  }
0x8d: {  	s2 =	sadd.s32 s2, s16  }
0x8e: {  	[smem:$0x3FBD] =	sst s2  }
0x8f: {  	_ = 	snop  }
0x90: {  	(tm) =	ssettm $0x1  }
0x91: {  	s17 =	sld [smem:$0x3FFB];
	_ =	sdelay $0x3  }
0x92: {  	_ =	strace s17  }
0x93: {  	s2 =	sld [smem:$0x3FFC];
	_ =	sdelay $0x3  }
0x94: {  	_ =	strace s2  }
0x95: {  	s2 =	sld [smem:$0x3FFD];
	_ =	sdelay $0x3  }
0x96: {  	_ =	strace s2  }
0x97: {  	_ =	strace $0x8FFFFFFF  }
0x98: {  	s18 =	sld [smem:$0x3FDB];
	_ =	sdelay $0x1  }
0x99: {  	s19 =	simm.s32 $_scs_section_size  }
0x9a: {  	s4 =	simm.s32 $_size__tile_overlayer_lowered;
	s5 =	simm.s32 $_tile_overlayer_lowered  }
0x9b: {  	s22 =	simm.s32 $0x1BFF;
	s21 =	sshll.u32 s5, $0x1;
	s2 =	sadd.s32 s19, s18  }
0x9c: {  	s6 =	simm.s32 $0x0;
	s20 =	sshll.u32 s4, $0x1;
	s4 =	sadd.s32 s21, s2  }
0x9d: {  	[timem:s6], [sflag:s22] =	dma.local [hbm:s4], s20  }
0x9e: {  	_ =	swait.ge [sflag:s22], s20  }
0x9f: {  	s3 =	ssub.s32 $0x0, s20;
	[sflag:s22] =	ssyncset.done $0x0  }
0xa0: {  	[sflag:s22] =	ssyncadd.s32 s3;
	_ =	sdelay $0x1  }
0xa1: {  	s23 =	simm.s32 $0x1B8B  }
0xa2: {  	_ =	swait.ge [sflag:s23], $0x1  }
0xa3: {  	[sflag:s23] =	ssyncset.done $0x0  }
0xa4: {  	s25 =	simm.s32 $0x1B8E;
	s24 =	sld [smem:$0x3FFE];
	[sflag:s23] =	ssyncadd.s32 $0xFFFFFFFF  }
0xa5: {  	s26 =	simm.s32 $execute0_lowered;
	[smem:$0x3FD2] =	sst s25  }
0xa6: {  	s4 =	sshll.u32 s26, $0x1;
	_ =	strace $0x80000046;
	[dreg:$0x1] =	wrdreg $0xFFFFFFFF  }
0xa7: {  	s28 =	simm.s32 $_size_execute0_lowered;
	s2 =	sadd.s32 s2, s4;
	[dreg:$0x0] =	wrdreg $0x0  }
0xa8: {  	s4 =	sshll.u32 s28, $0x1;
	[dreg:$0x2] =	wrdreg s2  }
0xa9: {  	[dreg:$0x3] =	wrdreg s4  }
0xaa: {  	[dreg:$0x4] =	wrdreg $0xC0  }
0xab: {  	_ =	task [dreg:s6], $0x5FFFF  }
0xac: {  	[dreg:$0x1] =	wrdreg $0xFFFFFFFF  }
0xad: {  	[dreg:$0x0] =	wrdreg $0x60  }
0xae: {  	[dreg:$0x2] =	wrdreg s24  }
0xaf: {  	[dreg:$0x3] =	wrdreg $0x38000  }
0xb0: {  	[dreg:$0x4] =	wrdreg $0x9  }
0xb1: {  	_ =	task.clear_ibuf [dreg:s6], $0x5FFFF;
	_ =	strace $0x90000046  }
0xb2: {  	s29 =	simm.s32 $0x9;
	_ =	strace $0x80000048  }
0xb3: {  	_ =	swait.ge [sflag:s29], $0x1  }
0xb4: {  	[sflag:s29] =	ssyncadd.s32 $0xFFFFFFFF  }
0xb5: {  	_ =	strace $0x90000048  }
0xb6: {  	_ =	sfence  }
0xb7: {  	s30 =	sld [smem:$0x0];
	_ =	sdelay $0x2  }
0xb8: {  	s31 =	sshll.u32 s1, $0xD;
	s1 =	sshrl.u32 s1, $0x2  }
0xb9: {  	s3 =	sand.u32 $0x4000, s31;
	s1 =	sadd.s32 s1, s30  }
0xba: {  	s0 =	sor.u32 s3, s0;
	s1 =	sshll.u32 s1, $0x11  }
0xbb: {  	s0 =	sor.u32 s1, s0  }
0xbc: {  	s0 =	sadd.s32 $0x8F2B, s0  }
0xbd: {  	[sflag:s0] =	ssyncadd.remote.s32 $0x1  }
0xbe: {  	_ =	sfence.sel $0xFFFF  }
0xbf: {  	[dreg:$0x0] =	wrdreg $0xFFFFFFFF;
	(pc) =	sbr.abs _section_cstart, $3  }
0xc0: {  	[dreg:$0x1] =	wrdreg $0xFFFFFFFF  }
0xc1: {  	_ =	task.clear_ibuf [dreg:s6], $0x2FFFF;
	_ =	strace $0x9FFFFFFF  }
0xc2: {  	(tm) =	ssettm $0x7FFFFFFF  }
0xc3: {  	_ =	shalt  }
tec
execute0_lowered:
.L_overlay_start_1:
0x0: {  	(tag) =	ssettag $0x1  }
0x1: {  	s5 =	rddreg [dreg:$0x0]  }
0x2: {  	s0 =	srdreg.scid;
	s2 =	rddreg [dreg:$0x1];
	s3 =	simm.s32 $0x0  }
0x3: {  	s12 =	simm.s32 $0x3000;
	s13 =	simm.s32 $0x1;
	s14 =	simm.s32 $0x80  }
0x4: {  	s15 =	simm.s32 $0x2800;
	s16 =	simm.s32 $0x5F80;
	s17 =	simm.s32 $0x8700  }
0x5: {  	s18 =	simm.s32 $0x0;
	s4 =	sand.u32 $0x1, s0;
	s0 =	stileid.u32  }
0x6: {  	[smem:$0x7FF] =	sst s3;
	s1 =	sshll.u32 s4, $0x4;
	s7 =	smul.u32 $0x9E00, s0  }
0x7: {  	s8 =	smul.u32 $0x9E000, s4;
	s29 =	ssub.s32 $0x2, s4;
	s1 =	sor.u32 s0, s1  }
0x8: {  	s31 =	sshrl.u32 s29, $0x1;
	s6 =	smul.u32 $0x500, s1;
	s1 =	rddreg [dreg:$0x2]  }
0x9: {  	_ =	strace $0x80000047;
	s30 =	sshrl.u32 s7, $0x2;
	s11 =	ssub.s32 s29, s31  }
0xa: {  	s28 =	sadd.s32 s7, s8;
	s4 =	sadd.s32 s30, s2;
	s11 =	smax.u32 s11, $0x1  }
0xb: {  	s9 =	sadd.s32 s6, s5;
	s6 =	sshrl.u32 s28, $0x3;
	s7 =	sadd.s32 $0x1800, s4  }
0xc: {  	s8 =	sadd.s32 $0x2000, s4;
	s10 =	sadd.s32 s6, s5;
	s5 =	sadd.s32 $0x800, s4  }
0xd: {  	v0 =	vimm.f32 $0.0e+00;
	v1 =	vimm.f32 $1.000000000e+00;
	s6 =	sadd.s32 $0x1000, s4;
	s9 =	sadd.s32 $0x3800, s9;
	s10 =	sadd.s32 $0xD800, s10  }
.LBB2_1:
0xe: {  	s19 =	simm.s32 $0x40;
	s20 =	simm.s32 $0x0  }
.LBB2_2:
0xf: {  	p0 =	sne.s32 s19, $0x1FC0;
	[tilespmem:s20+$0x3000] =	vst v0;
	s21 =	smov.u32 s19;
	s19 =	sadd.s32 $0x40, s19  }
.Ltmp0:
0x10: {  	[tilespmem:s20+$0x2800] =	vst v1;
	(pc) =	sbr.rel @p0 .LBB2_2-.Ltmp0, $2  }
0x11: {  	_ =	sdelay $0x2  }
0x12: {  	s20 =	sshra.s32 s21, $0x2  }
0x13: {  	[tilespmem:s20+$0x3000] =	vst v0  }
0x14: {  	[tilespmem:s20+$0x2800] =	vst v1  }
0x15: {  	[spmem:s4] =	stream.linear.scatter [tilespmem:s12], [sflag:$0x1], $0x800, $0x38;
	[tilespmem:$0x12500] =	vst v63  }
0x16: {  	_ =	swait.ge [sflag:s13], $0x800  }
0x17: {  	[sflag:s13] =	ssyncset.done $0x0  }
0x18: {  	[sflag:s13] =	ssyncadd.s32 $0xFFFFF800  }
0x19: {  	[spmem:s5] =	stream.linear.scatter [tilespmem:s12], [sflag:$0x1], $0x800, $0x38;
	[tilespmem:$0x12500] =	vst v63  }
0x1a: {  	_ =	swait.ge [sflag:s13], $0x800  }
0x1b: {  	[sflag:s13] =	ssyncset.done $0x0  }
0x1c: {  	[sflag:s13] =	ssyncadd.s32 $0xFFFFF800  }
0x1d: {  	[spmem:s6] =	stream.linear.scatter [tilespmem:s12], [sflag:$0x1], $0x800, $0x38;
	[tilespmem:$0x12500] =	vst v63  }
0x1e: {  	_ =	swait.ge [sflag:s13], $0x800  }
0x1f: {  	[sflag:s13] =	ssyncset.done $0x0  }
0x20: {  	[sflag:s13] =	ssyncadd.s32 $0xFFFFF800  }
0x21: {  	[spmem:s7] =	stream.linear.scatter [tilespmem:s12], [sflag:$0x1], $0x800, $0x38;
	[tilespmem:$0x12500] =	vst v63  }
0x22: {  	_ =	swait.ge [sflag:s13], $0x800  }
0x23: {  	[sflag:s13] =	ssyncset.done $0x0  }
0x24: {  	[sflag:s13] =	ssyncadd.s32 $0xFFFFF800  }
0x25: {  	[spmem:s8] =	stream.linear.scatter [tilespmem:s12], [sflag:$0x1], $0x780, $0x38;
	[tilespmem:$0x12500] =	vst v63  }
0x26: {  	_ =	swait.ge [sflag:s13], $0x780  }
0x27: {  	[sflag:s13] =	ssyncset.done $0x0  }
0x28: {  	s19 =	simm.s32 $0x0;
	[sflag:s13] =	ssyncadd.s32 $0xFFFFF880  }
0x29: {  	[tilespmem:s19], [sflag:$0x1] =	stream.linear.gather [hbm4b:s9+s19], $0x2800, $0x38;
	[tilespmem:$0x12500] =	vst v63  }
0x2a: {  	_ =	swait.ge [sflag:s13], $0x2800  }
0x2b: {  	[sflag:s13] =	ssyncset.done $0x0  }
0x2c: {  	[sflag:s13] =	ssyncadd.s32 $0xFFFFD800  }
0x2d: {  	s31 =	simm.s32 $0x0;
	[bflag:$0x0] =	sbarrier.arrive $0xFFFF  }
0x2e: {  	[spmem:s2] =	stream.indirect.scatter.add.f32 [tilespmem:s15], [sflag:$0x1], $0x10, s31, s14, $0xb8;
	[tilespmem:$0x12500] =	vst v63  }
0x2f: {  	_ =	swait.ge [sflag:s13], $0x800  }
0x30: {  	s19 =	simm.s32 $0x200;
	[sflag:s13] =	ssyncset.done $0x0  }
.LBB2_4:
0x31: {  	s20 =	sshra.s32 s19, $0x2;
	[sflag:s13] =	ssyncadd.s32 $0xFFFFF800;
	p0 =	sne.s32 s19, $0x9E00  }
0x32: {  	[spmem:s2] =	stream.indirect.scatter.add.f32 [tilespmem:s15], [sflag:$0x1], $0x10, s20, s14, $0xb8;
	[tilespmem:$0x12500] =	vst v63  }
.Ltmp1:
0x33: {  	_ = 	snop;
	(pc) =	sbr.rel @p0 .LBB2_4-.Ltmp1, $4  }
0x34: {  	_ = 	snop  }
0x35: {  	s19 =	sadd.s32 $0x200, s19  }
0x36: {  	_ =	swait.ge [sflag:s13], $0x800  }
0x37: {  	[sflag:s13] =	ssyncset.done $0x0  }
0x38: {  	[sflag:s13] =	ssyncadd.s32 $0xFFFFF800  }
0x39: {  	[bflag:$0x0] =	sbarrier.arrive $0xFFFF  }
0x3a: {  	[tilespmem:s16], [sflag:$0x1] =	stream.linear.gather [spmem:s4], $0x2780, $0x38;
	[tilespmem:$0x12500] =	vst v63  }
0x3b: {  	_ =	swait.ge [sflag:s13], $0x2780  }
0x3c: {  	[sflag:s13] =	ssyncset.done $0x0  }
0x3d: {  	s19 =	simm.s32 $0x0;
	[sflag:s13] =	ssyncadd.s32 $0xFFFFD880  }
0x3e: {  	v2 =	vld [tilespmem:s19+$0x5F80];
	_ =	sdelay $0x3  }
0x3f: {  	s19 =	simm.s32 $0x8720  }
0x40: {  	[tilespmem:s19+$0xFFFFFFE0] =	vst v2  }
0x41: {  	[tilespmem:s19+$0xFFFFFFF0] =	vst v2  }
0x42: {  	[tilespmem:s19+$0x0] =	vst v2  }
0x43: {  	s21 =	simm.s32 $0x10;
	s20 =	simm.s32 $0x80;
	[tilespmem:s19+$0x10] =	vst v2  }
.LBB2_6:
0x44: {  	p0 =	sne.s32 s20, $0x9DC0;
	v2 =	vld [tilespmem:s21+$0x5F80];
	_ =	sdelay $0x3  }
.Ltmp2:
0x45: {  	s19 =	sadd.s32 $0x40, s19;
	(pc) =	sbr.rel @p0 .LBB2_6-.Ltmp2, $4  }
0x46: {  	[tilespmem:s19+$0xFFFFFFE0] =	vst v2  }
0x47: {  	[tilespmem:s19+$0xFFFFFFF0] =	vst v2  }
0x48: {  	[tilespmem:s19+$0x0] =	vst v2  }
0x49: {  	s21 =	sshra.s32 s20, $0x2;
	s20 =	sadd.s32 $0x40, s20;
	[tilespmem:s19+$0x10] =	vst v2  }
0x4a: {  	v2 =	vld [tilespmem:s21+$0x5F80];
	_ =	sdelay $0x3  }
0x4b: {  	s19 =	sadd.s32 $0x40, s19  }
0x4c: {  	[tilespmem:s19+$0xFFFFFFE0] =	vst v2  }
0x4d: {  	s18 =	sadd.s32 $0x1, s18;
	[tilespmem:s19+$0xFFFFFFF0] =	vst v2  }
0x4e: {  	p0 =	sne.s32 s18, s11;
	[tilespmem:s19+$0x0] =	vst v2  }
.Ltmp3:
0x4f: {  	[tilespmem:s19+$0x10] =	vst v2;
	(pc) =	sbr.rel @p0 .LBB2_1-.Ltmp3, $4  }
0x50: {  	[hbm4b:s10+s3] =	stream.linear.scatter [tilespmem:s17], [sflag:$0x1], $0x9E00, $0x38;
	[tilespmem:$0x12500] =	vst v63  }
0x51: {  	_ =	swait.ge [sflag:s13], $0x9E00  }
0x52: {  	[sflag:s13] =	ssyncset.done $0x0  }
0x53: {  	[sflag:s13] =	ssyncadd.s32 $0xFFFF6200  }
0x54: {  	_ =	sfence.sel $0x180000  }
0x55: {  	[bflag:$0x0] =	sbarrier.arrive $0xFFFF  }
0x56: {  	p0 =	sne.s32 s0, $0x0;
	_ =	strace $0x90000047  }
0x57: {  	s0 =	sadd.s32 @!p0 $0x100000, s1;
	[bflag:$0x2] =	sbarrier.arrive $0xFFFF  }
0x58: {  	[sflag:s0] =	ssyncadd.tile.s32 @!p0 $0x1;
	_ =	shalt  }
.Lfunc_end2:
_tile_overlayer_lowered:
.L_overlay_start_2:
0x59: {  	(tag) =	ssettag $0x2  }
0x5a: {  	s0 =	rddreg [dreg:$0x0];
	s2 =	stileid.u32  }
0x5b: {  	s1 =	rddreg [dreg:$0x1];
	p0 =	sne.s32 s2, $0x0  }
0x5c: {  	s3 =	rddreg [dreg:$0x2];
	[bflag:$0x3] =	sbarrier.arrive $0xFFFF;
	s2 =	simm.s32 @!p0 $0x1C01  }
0x5d: {  	[timem:s3], [sflag:s2] =	dma.local @!p0 [hbm:s0], s1  }
0x5e: {  	s0 =	simm.s32 @!p0 $0x1  }
0x5f: {  	_ =	swait.ge @!p0 [sflag:s0], s1  }
0x60: {  	s1 =	ssub.s32 @!p0 $0x0, s1;
	[sflag:s0] =	ssyncset.done @!p0 $0x0  }
0x61: {  	[sflag:s0] =	ssyncadd.s32 @!p0 s1  }
0x62: {  	[bflag:$0x3] =	sbarrier.arrive $0xFFFF  }
0x63: {  	_ =	shalt  }

// kernel: kernel.13.cloned.1.call-start
scs
__scs_entry_jumppad:
0x0: {  	(pc) =	sbr.rel $0x88, $3  }
0x1: {  	(tag) =	ssettag $0x0;
	lr =	simm.s32 $0x1  }
0x2: {  	[smem:$0x3F96] =	sst lr;
	_ =	strace $0xD0000000  }
0x3: {  	_ = 	snop  }
0x4: {  	_ = 	snop  }
0x5: {  	_ = 	snop  }
0x6: {  	_ = 	snop  }
0x7: {  	_ = 	snop  }
__scs_overlays_trampoline_lowered:
0x8: {  	[smem:$0x3FA5] =	sst s0  }
0x9: {  	[smem:$0x3FA6] =	sst s1  }
0xa: {  	[smem:$0x3FA7] =	sst s2  }
0xb: {  	[smem:$0x3FA8] =	sst s3  }
0xc: {  	[smem:$0x3FA9] =	sst s4  }
0xd: {  	[smem:$0x3FAA] =	sst s5  }
0xe: {  	[smem:$0x3FAB] =	sst s6  }
0xf: {  	[smem:$0x3FAC] =	sst s7  }
0x10: {  	[smem:$0x3FAD] =	sst s8  }
0x11: {  	[smem:$0x3FAE] =	sst s9;
	s0 =	simm.s32 @!p0 $0x0  }
0x12: {  	s1 =	sld [smem:$0x3F94];
	s0 =	simm.s32 @p0 $0x1  }
0x13: {  	[smem:$0x3FAF] =	sst s0;
	s0 =	simm.s32 @!p1 $0x0  }
0x14: {  	s2 =	sld [smem:$0x3F93];
	s0 =	simm.s32 @p1 $0x1  }
0x15: {  	[smem:$0x3FB0] =	sst s0;
	s0 =	simm.s32 @!p2 $0x0  }
0x16: {  	s3 =	sld [smem:$0x3FDB];
	s0 =	simm.s32 @p2 $0x1  }
0x17: {  	s4 =	simm.s32 $0x1BF5;
	[smem:$0x3FB2] =	sst s0  }
0x18: {  	s0 =	sld [smem:$0x3F95];
	_ =	swait.ge [sflag:s4], $0x0  }
0x19: {  	s7 =	sld [smem:$0x3F96]  }
0x1a: {  	s8 =	sadd.s32 $0xFFFFE003, lr  }
0x1b: {  	s9 =	sadd.s32 $0xFFFFFEF7, lr;
	s5 =	simm.s32 $0xFFFFFFFF;
	p2 =	slt.u32 s8, $0xFFFFF086  }
0x1c: {  	p1 =	slt.u32 s9, $0xF7A;
	s5 =	simm.s32 @!p2 $0x0  }
0x1d: {  	s5 =	simm.s32 @p1 $0x1;
	p0 =	seq.s32 s7, s2  }
0x1e: {  	s7 =	smul.u32 @!p0 $0xF7A, s2;
	p2 =	seq.s32 @!p0 s5, $0x0  }
0x1f: {  	s9 =	smul.u32 $0xF7A, s1;
	s8 =	simm.s32 @!p0 $0x1BF5;
	p2 =	por !p2, p0  }
0x20: {  	[sflag:s8] =	ssyncset.s32 @!p0 $0xFFFFF086;
	s6 =	sadd.s32 @!p0 s3, s7;
	s7 =	simm.s32 @!p0 $0x108  }
0x21: {  	s3 =	sadd.s32 s3, s9;
	s6 =	sadd.s32 @!p0 $0x88, s6;
	s7 =	simm.s32 @p2 $0x1082  }
0x22: {  	[simem:s7], [sflag:s8] =	dma.local @!p0 [hbm:s6], $0xF7A  }
0x23: {  	s9 =	sor.u32 $0xD0000000, s2;
	s6 =	simm.s32 $0x108;
	_ =	swait.ge @!p0 [sflag:s8], $0x0  }
0x24: {  	s3 =	sadd.s32 $0x88, s3;
	s6 =	simm.s32 @!p1 $0x1082;
	[sflag:s4] =	ssyncset.s32 $0xFFFFF086  }
0x25: {  	[simem:s6], [sflag:s4] =	dma.local [hbm:s3], $0xF7A  }
0x26: {  	[smem:$0x3F96] =	sst s1;
	(tag) =	ssettag s2;
	_ =	strace s9  }
0x27: {  	s1 =	sld [smem:$0x3FA6]  }
0x28: {  	s2 =	sld [smem:$0x3FA7]  }
0x29: {  	s4 =	sld [smem:$0x3FA9]  }
0x2a: {  	p0 =	seq.s32 s5, $0x0;
	s5 =	sld [smem:$0x3FAA]  }
0x2b: {  	s6 =	sld [smem:$0x3FAB]  }
0x2c: {  	s7 =	sld [smem:$0x3FAC]  }
0x2d: {  	s3 =	simm.s32 $0x108;
	s8 =	sld [smem:$0x3FAD]  }
0x2e: {  	s3 =	simm.s32 @!p0 $0x1082;
	s9 =	sld [smem:$0x3FAE]  }
0x2f: {  	lr =	sadd.s32 s0, s3;
	s0 =	sld [smem:$0x3FA5]  }
0x30: {  	s3 =	sld [smem:$0x3FA8]  }
0x31: {  	[smem:$0x3FB1] =	sst s10  }
0x32: {  	s10 =	sld [smem:$0x3FAF];
	_ =	sdelay $0x3  }
0x33: {  	p0 =	seq.s32 s10, $0x1;
	s10 =	sld [smem:$0x3FB1];
	_ =	sdelay $0x3  }
0x34: {  	[smem:$0x3FB1] =	sst s10  }
0x35: {  	s10 =	sld [smem:$0x3FB0];
	_ =	sdelay $0x3  }
0x36: {  	p1 =	seq.s32 s10, $0x1;
	s10 =	sld [smem:$0x3FB1];
	_ =	sdelay $0x3  }
0x37: {  	[smem:$0x3FB1] =	sst s10  }
0x38: {  	s10 =	sld [smem:$0x3FB2]  }
0x39: {  	_ = 	snop;
	(pc) =	sbr.ind lr, $3  }
0x3a: {  	_ = 	snop  }
0x3b: {  	_ = 	snop  }
0x3c: {  	p2 =	seq.s32 s10, $0x1;
	s10 =	sld [smem:$0x3FB1]  }
0x3d: {  	_ =	shalt  }
0x3e: {  	_ =	shalt  }
0x3f: {  	_ =	shalt  }
0x40: {  	_ =	shalt  }
0x41: {  	_ =	shalt  }
0x42: {  	_ =	shalt  }
0x43: {  	_ =	shalt  }
0x44: {  	_ =	shalt  }
0x45: {  	_ =	shalt  }
0x46: {  	_ =	shalt  }
0x47: {  	_ =	shalt  }
0x48: {  	_ =	shalt  }
0x49: {  	_ =	shalt  }
0x4a: {  	_ =	shalt  }
0x4b: {  	_ =	shalt  }
0x4c: {  	_ =	shalt  }
0x4d: {  	_ =	shalt  }
0x4e: {  	_ =	shalt  }
0x4f: {  	_ =	shalt  }
0x50: {  	_ =	shalt  }
0x51: {  	_ =	shalt  }
0x52: {  	_ =	shalt  }
0x53: {  	_ =	shalt  }
0x54: {  	_ =	shalt  }
0x55: {  	_ =	shalt  }
0x56: {  	_ =	shalt  }
0x57: {  	_ =	shalt  }
0x58: {  	_ =	shalt  }
0x59: {  	_ =	shalt  }
0x5a: {  	_ =	shalt  }
0x5b: {  	_ =	shalt  }
0x5c: {  	_ =	shalt  }
0x5d: {  	_ =	shalt  }
0x5e: {  	_ =	shalt  }
0x5f: {  	_ =	shalt  }
0x60: {  	_ =	shalt  }
0x61: {  	_ =	shalt  }
0x62: {  	_ =	shalt  }
0x63: {  	_ =	shalt  }
0x64: {  	_ =	shalt  }
0x65: {  	_ =	shalt  }
0x66: {  	_ =	shalt  }
0x67: {  	_ =	shalt  }
0x68: {  	_ =	shalt  }
0x69: {  	_ =	shalt  }
0x6a: {  	_ =	shalt  }
0x6b: {  	_ =	shalt  }
0x6c: {  	_ =	shalt  }
0x6d: {  	_ =	shalt  }
0x6e: {  	_ =	shalt  }
0x6f: {  	_ =	shalt  }
0x70: {  	_ =	shalt  }
0x71: {  	_ =	shalt  }
0x72: {  	_ =	shalt  }
0x73: {  	_ =	shalt  }
0x74: {  	_ =	shalt  }
0x75: {  	_ =	shalt  }
0x76: {  	_ =	shalt  }
0x77: {  	_ =	shalt  }
0x78: {  	_ =	shalt  }
0x79: {  	_ =	shalt  }
0x7a: {  	_ =	shalt  }
0x7b: {  	_ =	shalt  }
0x7c: {  	_ =	shalt  }
0x7d: {  	_ =	shalt  }
0x7e: {  	_ =	shalt  }
0x7f: {  	_ =	shalt  }
0x80: {  	_ =	shalt  }
0x81: {  	_ =	shalt  }
0x82: {  	_ =	shalt  }
0x83: {  	_ =	shalt  }
0x84: {  	_ =	shalt  }
0x85: {  	_ =	shalt  }
0x86: {  	_ =	shalt  }
0x87: {  	_ =	shalt  }
.Lfunc_end0:
.L_simem_size_0:
called_computation.1_lowered:
.L_overlay_start_0:
0x88: {  	s2 =	sld [smem:$0x3FD9]  }
0x89: {  	s3 =	sld [smem:$0x3FFE];
	_ =	sdelay $0x1  }
0x8a: {  	s1 =	srdreg.scid  }
0x8b: {  	s0 =	sand.u32 $0x1, s1  }
0x8c: {  	s16 =	sshll.u32 s0, $0xA;
	s2 =	sadd.s32 s3, s2  }
0x8d: {  	s2 =	sadd.s32 s2, s16  }
0x8e: {  	[smem:$0x3FBD] =	sst s2  }
0x8f: {  	_ = 	snop  }
0x90: {  	(tm) =	ssettm $0x1  }
0x91: {  	s17 =	sld [smem:$0x3FFB];
	_ =	sdelay $0x3  }
0x92: {  	_ =	strace s17  }
0x93: {  	s2 =	sld [smem:$0x3FFC];
	_ =	sdelay $0x3  }
0x94: {  	_ =	strace s2  }
0x95: {  	s2 =	sld [smem:$0x3FFD];
	_ =	sdelay $0x3  }
0x96: {  	_ =	strace s2  }
0x97: {  	_ =	strace $0x8FFFFFFF  }
0x98: {  	s18 =	sld [smem:$0x3FDB];
	_ =	sdelay $0x1  }
0x99: {  	s19 =	simm.s32 $_scs_section_size  }
0x9a: {  	s4 =	simm.s32 $_size__tile_overlayer_lowered;
	s5 =	simm.s32 $_tile_overlayer_lowered  }
0x9b: {  	s22 =	simm.s32 $0x1BFF;
	s21 =	sshll.u32 s5, $0x1;
	s2 =	sadd.s32 s19, s18  }
0x9c: {  	s6 =	simm.s32 $0x0;
	s20 =	sshll.u32 s4, $0x1;
	s4 =	sadd.s32 s21, s2  }
0x9d: {  	[timem:s6], [sflag:s22] =	dma.local [hbm:s4], s20  }
0x9e: {  	_ =	swait.ge [sflag:s22], s20  }
0x9f: {  	s3 =	ssub.s32 $0x0, s20;
	[sflag:s22] =	ssyncset.done $0x0  }
0xa0: {  	[sflag:s22] =	ssyncadd.s32 s3;
	_ =	sdelay $0x1  }
0xa1: {  	s23 =	simm.s32 $0x1B8B  }
0xa2: {  	_ =	swait.ge [sflag:s23], $0x1  }
0xa3: {  	[sflag:s23] =	ssyncset.done $0x0  }
0xa4: {  	s25 =	simm.s32 $0x1B8E;
	s24 =	sld [smem:$0x3FFE];
	[sflag:s23] =	ssyncadd.s32 $0xFFFFFFFF  }
0xa5: {  	s26 =	simm.s32 $execute0_lowered;
	[smem:$0x3FD2] =	sst s25  }
0xa6: {  	s4 =	sshll.u32 s26, $0x1;
	_ =	strace $0x80000049;
	[dreg:$0x1] =	wrdreg $0xFFFFFFFF  }
0xa7: {  	s28 =	simm.s32 $_size_execute0_lowered;
	s2 =	sadd.s32 s2, s4;
	[dreg:$0x0] =	wrdreg $0x0  }
0xa8: {  	s4 =	sshll.u32 s28, $0x1;
	[dreg:$0x2] =	wrdreg s2  }
0xa9: {  	[dreg:$0x3] =	wrdreg s4  }
0xaa: {  	[dreg:$0x4] =	wrdreg $0xC0  }
0xab: {  	_ =	task [dreg:s6], $0x5FFFF  }
0xac: {  	[dreg:$0x1] =	wrdreg $0xFFFFFFFF  }
0xad: {  	[dreg:$0x0] =	wrdreg $0x60  }
0xae: {  	[dreg:$0x2] =	wrdreg s24  }
0xaf: {  	[dreg:$0x3] =	wrdreg $0x14E000  }
0xb0: {  	[dreg:$0x4] =	wrdreg $0xB0000  }
0xb1: {  	[dreg:$0x5] =	wrdreg $0x9  }
0xb2: {  	_ =	task.clear_ibuf [dreg:s6], $0x6FFFF;
	_ =	strace $0x90000049  }
0xb3: {  	s29 =	simm.s32 $0x9;
	_ =	strace $0x8000004B  }
0xb4: {  	_ =	swait.ge [sflag:s29], $0x1  }
0xb5: {  	[sflag:s29] =	ssyncadd.s32 $0xFFFFFFFF  }
0xb6: {  	_ =	strace $0x9000004B  }
0xb7: {  	_ =	sfence  }
0xb8: {  	s30 =	sld [smem:$0x0];
	_ =	sdelay $0x2  }
0xb9: {  	s31 =	sshll.u32 s1, $0xD;
	s1 =	sshrl.u32 s1, $0x2  }
0xba: {  	s3 =	sand.u32 $0x4000, s31;
	s1 =	sadd.s32 s1, s30  }
0xbb: {  	s0 =	sor.u32 s3, s0;
	s1 =	sshll.u32 s1, $0x11  }
0xbc: {  	s0 =	sor.u32 s1, s0  }
0xbd: {  	s0 =	sadd.s32 $0x8F2B, s0  }
0xbe: {  	[sflag:s0] =	ssyncadd.remote.s32 $0x1  }
0xbf: {  	_ =	sfence.sel $0xFFFF  }
0xc0: {  	[dreg:$0x0] =	wrdreg $0xFFFFFFFF;
	(pc) =	sbr.abs _section_cstart, $3  }
0xc1: {  	[dreg:$0x1] =	wrdreg $0xFFFFFFFF  }
0xc2: {  	_ =	task.clear_ibuf [dreg:s6], $0x2FFFF;
	_ =	strace $0x9FFFFFFF  }
0xc3: {  	(tm) =	ssettm $0x7FFFFFFF  }
tec
execute0_lowered:
.L_overlay_start_1:
0x0: {  	(tag) =	ssettag $0x1  }
0x1: {  	s0 =	srdreg.scid;
	s1 =	rddreg [dreg:$0x0]  }
0x2: {  	s2 =	rddreg [dreg:$0x1];
	s26 =	stileid.u32  }
0x3: {  	s3 =	rddreg [dreg:$0x2];
	s17 =	simm.s32 $0x2800;
	s19 =	simm.s32 $0x9000  }
0x4: {  	s20 =	simm.s32 $0x3;
	s21 =	simm.s32 $0x1;
	s22 =	simm.s32 $0x2  }
0x5: {  	s23 =	simm.s32 $0x80;
	s24 =	simm.s32 $0x5000;
	s25 =	simm.s32 $0x7000  }
0x6: {  	s28 =	simm.s32 $0x4F00;
	s29 =	simm.s32 $0x4F80;
	s10 =	smul.u32 $0x9E00, s26  }
0x7: {  	s30 =	simm.s32 $0x0;
	s5 =	sand.u32 $0x1, s0;
	s11 =	smul.u32 $0x27800, s26  }
0x8: {  	s4 =	sshll.u32 s5, $0x4;
	s8 =	smul.u32 $0x9E000, s5;
	s5 =	ssub.s32 $0x2, s5  }
0x9: {  	s6 =	sor.u32 s26, s4;
	s4 =	simm.s32 $0x0;
	s7 =	sshrl.u32 s10, $0x3  }
0xa: {  	s9 =	sshrl.u32 s5, $0x1;
	s18 =	sadd.s32 s10, s2;
	s31 =	sshrl.u32 s11, $0x2  }
0xb: {  	s6 =	smul.u32 $0x500, s6;
	[smem:$0x7FF] =	sst s4;
	s7 =	sadd.s32 s7, s1  }
0xc: {  	s8 =	sadd.s32 s10, s8;
	s16 =	ssub.s32 s5, s9;
	s14 =	sadd.s32 s31, s3  }
0xd: {  	s10 =	sadd.s32 s10, s3;
	s18 =	sshrl.u32 s18, $0x3;
	_ =	strace $0x8000004A  }
0xe: {  	s8 =	sshrl.u32 s8, $0x3;
	s7 =	sadd.s32 $0xD800, s7;
	s11 =	sadd.s32 $0x2000, s14  }
0xf: {  	s12 =	sadd.s32 $0x4000, s14;
	s13 =	sadd.s32 $0x6000, s14;
	s14 =	sadd.s32 $0x8000, s14  }
0x10: {  	s16 =	smax.u32 s16, $0x1;
	s6 =	sadd.s32 s6, s1;
	s1 =	sadd.s32 s8, s1  }
0x11: {  	s8 =	sshll.u32 s26, $0x6;
	s26 =	simm.s32 $0x2780;
	s5 =	sadd.s32 $0x35000, s6  }
0x12: {  	v0 =	vimm.f32 $0.0e+00;
	s6 =	sadd.s32 $0x3800, s6;
	s9 =	sor.u32 $0x1C02, s8;
	s15 =	sadd.s32 $0x3F000, s1  }
.LBB2_1:
0x13: {  	[tilespmem:s4], [sflag:$0x1] =	stream.linear.gather [hbm4b:s5+s4], $0x2800, $0x38;
	[tilespmem:$0x1EC00] =	vst v63  }
0x14: {  	s1 =	simm.s32 $0x100;
	s31 =	simm.s32 $0x0  }
0x15: {  	[tilespmem:s17], [sflag:$0x1] =	stream.linear.gather [hbm4b:s6+s4], $0x2800, $0x38;
	[tilespmem:$0x1EC00] =	vst v63  }
0x16: {  	[spmem:s18], [sflag:s9] =	dma.local [hbm:s7], $0x13C0  }
.LBB2_2:
0x17: {  	p0 =	sne.s32 s1, $0x7F00;
	[tilespmem:s31+$0x9030] =	vst v0;
	s0 =	smov.u32 s1;
	s1 =	sadd.s32 $0x100, s1  }
.Ltmp0:
0x18: {  	[tilespmem:s31+$0x9020] =	vst v0;
	(pc) =	sbr.rel @p0 .LBB2_2-.Ltmp0, $3  }
0x19: {  	[tilespmem:s31+$0x9000] =	vst v0  }
0x1a: {  	[tilespmem:s31+$0x9010] =	vst v0;
	_ =	sdelay $0x1  }
0x1b: {  	s31 =	sshra.s32 s0, $0x2  }
0x1c: {  	[tilespmem:s31+$0x9030] =	vst v0  }
0x1d: {  	[tilespmem:s31+$0x9020] =	vst v0  }
0x1e: {  	[tilespmem:s31+$0x9000] =	vst v0  }
0x1f: {  	[tilespmem:s31+$0x9010] =	vst v0  }
0x20: {  	[spmem:s10] =	stream.linear.scatter [tilespmem:s19], [sflag:$0x3], $0x2000, $0x38;
	[tilespmem:$0x1EC00] =	vst v63  }
0x21: {  	_ =	swait.ge [sflag:s20], $0x2000  }
0x22: {  	[sflag:s20] =	ssyncset.done $0x0  }
0x23: {  	[sflag:s20] =	ssyncadd.s32 $0xFFFFE000  }
0x24: {  	[spmem:s11] =	stream.linear.scatter [tilespmem:s19], [sflag:$0x3], $0x2000, $0x38;
	[tilespmem:$0x1EC00] =	vst v63  }
0x25: {  	_ =	swait.ge [sflag:s20], $0x2000  }
0x26: {  	[sflag:s20] =	ssyncset.done $0x0  }
0x27: {  	[sflag:s20] =	ssyncadd.s32 $0xFFFFE000  }
0x28: {  	[spmem:s12] =	stream.linear.scatter [tilespmem:s19], [sflag:$0x3], $0x2000, $0x38;
	[tilespmem:$0x1EC00] =	vst v63  }
0x29: {  	_ =	swait.ge [sflag:s20], $0x2000  }
0x2a: {  	[sflag:s20] =	ssyncset.done $0x0  }
0x2b: {  	[sflag:s20] =	ssyncadd.s32 $0xFFFFE000  }
0x2c: {  	[spmem:s13] =	stream.linear.scatter [tilespmem:s19], [sflag:$0x3], $0x2000, $0x38;
	[tilespmem:$0x1EC00] =	vst v63  }
0x2d: {  	_ =	swait.ge [sflag:s20], $0x2000  }
0x2e: {  	[sflag:s20] =	ssyncset.done $0x0  }
0x2f: {  	[sflag:s20] =	ssyncadd.s32 $0xFFFFE000  }
0x30: {  	[spmem:s14] =	stream.linear.scatter [tilespmem:s19], [sflag:$0x3], $0x1E00, $0x38;
	[tilespmem:$0x1EC00] =	vst v63  }
0x31: {  	_ =	swait.ge [sflag:s20], $0x1E00  }
0x32: {  	[sflag:s20] =	ssyncset.done $0x0  }
0x33: {  	[sflag:s20] =	ssyncadd.s32 $0xFFFFE200  }
0x34: {  	_ =	swait.ge [sflag:s21], $0x2800  }
0x35: {  	[sflag:s21] =	ssyncset.done $0x0  }
0x36: {  	[sflag:s21] =	ssyncadd.s32 $0xFFFFD800  }
0x37: {  	_ =	swait.ge [sflag:s21], $0x2800  }
0x38: {  	[sflag:s21] =	ssyncset.done $0x0  }
0x39: {  	[sflag:s21] =	ssyncadd.s32 $0xFFFFD800  }
0x3a: {  	_ =	swait.ge [sflag:s22], $0x13C0  }
0x3b: {  	[sflag:s22] =	ssyncset.done $0x0  }
0x3c: {  	[sflag:s22] =	ssyncadd.s32 $0xFFFFEC40  }
0x3d: {  	s0 =	simm.s32 $0x0;
	[bflag:$0x0] =	sbarrier.arrive $0xFFFF  }
0x3e: {  	[tilespmem:s24], [sflag:$0x1] =	stream.indirect.gather [spmem:s2], $0x40, s0, s23, $0xb8;
	[tilespmem:$0x1EC00] =	vst v63  }
0x3f: {  	_ =	swait.ge [sflag:s21], $0x2000  }
0x40: {  	[sflag:s21] =	ssyncset.done $0x0  }
0x41: {  	s1 =	simm.s32 $0x80;
	[sflag:s21] =	ssyncadd.s32 $0xFFFFE000  }
0x42: {  	[tilespmem:s25], [sflag:$0x2] =	stream.indirect.gather [spmem:s2], $0x40, s1, s23, $0xb8;
	[tilespmem:$0x1EC00] =	vst v63  }
0x43: {  	s1 =	simm.s32 $0x2800  }
0x44: {  	[spmem:s3] =	stream.indirect.scatter.add.f32 [tilespmem:s24], [sflag:$0x3], $0x40, s1, s23, $0xb8;
	[tilespmem:$0x1EC00] =	vst v63  }
0x45: {  	_ =	swait.ge [sflag:s20], $0x2000  }
0x46: {  	[sflag:s20] =	ssyncset.done $0x0  }
0x47: {  	[sflag:s20] =	ssyncadd.s32 $0xFFFFE000  }
0x48: {  	_ =	swait.ge [sflag:s22], $0x2000  }
0x49: {  	[sflag:s22] =	ssyncset.done $0x0  }
0x4a: {  	s1 =	simm.s32 $0x100;
	[sflag:s22] =	ssyncadd.s32 $0xFFFFE000  }
0x4b: {  	[tilespmem:s24], [sflag:$0x1] =	stream.indirect.gather [spmem:s2], $0x40, s1, s23, $0xb8;
	[tilespmem:$0x1EC00] =	vst v63  }
0x4c: {  	s1 =	simm.s32 $0x2880  }
0x4d: {  	[spmem:s3] =	stream.indirect.scatter.add.f32 [tilespmem:s25], [sflag:$0x3], $0x40, s1, s23, $0xb8;
	[tilespmem:$0x1EC00] =	vst v63  }
0x4e: {  	_ =	swait.ge [sflag:s20], $0x2000  }
0x4f: {  	s31 =	simm.s32 $0x400;
	[sflag:s20] =	ssyncset.done $0x0  }
.LBB2_4:
0x50: {  	p0 =	sne.s32 s31, $0x9800  }
0x51: {  	[sflag:s20] =	ssyncadd.s32 $0xFFFFE000;
	s0 =	smov.u32 s31;
	s31 =	sadd.s32 $0x400, s31  }
0x52: {  	_ = 	snop  }
0x53: {  	_ =	swait.ge [sflag:s21], $0x2000  }
0x54: {  	s0 =	sshra.s32 s0, $0x2;
	[sflag:s21] =	ssyncset.done $0x0  }
0x55: {  	s1 =	sadd.s32 $0x80, s0;
	[sflag:s21] =	ssyncadd.s32 $0xFFFFE000  }
0x56: {  	[tilespmem:s25], [sflag:$0x2] =	stream.indirect.gather [spmem:s2], $0x40, s1, s23, $0xb8;
	[tilespmem:$0x1EC00] =	vst v63  }
0x57: {  	s1 =	sadd.s32 $0x2800, s0  }
0x58: {  	[spmem:s3] =	stream.indirect.scatter.add.f32 [tilespmem:s24], [sflag:$0x3], $0x40, s1, s23, $0xb8;
	[tilespmem:$0x1EC00] =	vst v63  }
0x59: {  	_ =	swait.ge [sflag:s20], $0x2000  }
0x5a: {  	[sflag:s20] =	ssyncset.done $0x0  }
0x5b: {  	[sflag:s20] =	ssyncadd.s32 $0xFFFFE000  }
0x5c: {  	_ =	swait.ge [sflag:s22], $0x2000  }
0x5d: {  	[sflag:s22] =	ssyncset.done $0x0  }
0x5e: {  	s1 =	sadd.s32 $0x100, s0;
	[sflag:s22] =	ssyncadd.s32 $0xFFFFE000  }
0x5f: {  	[tilespmem:s24], [sflag:$0x1] =	stream.indirect.gather [spmem:s2], $0x40, s1, s23, $0xb8;
	[tilespmem:$0x1EC00] =	vst v63  }
.Ltmp1:
0x60: {  	_ = 	snop;
	(pc) =	sbr.rel @p0 .LBB2_4-.Ltmp1, $4  }
0x61: {  	s0 =	sadd.s32 $0x2880, s0  }
0x62: {  	[spmem:s3] =	stream.indirect.scatter.add.f32 [tilespmem:s25], [sflag:$0x3], $0x40, s0, s23, $0xb8;
	[tilespmem:$0x1EC00] =	vst v63  }
0x63: {  	_ =	swait.ge [sflag:s20], $0x2000  }
0x64: {  	[sflag:s20] =	ssyncset.done $0x0  }
0x65: {  	[sflag:s20] =	ssyncadd.s32 $0xFFFFE000  }
0x66: {  	_ =	swait.ge [sflag:s21], $0x2000  }
0x67: {  	[sflag:s21] =	ssyncset.done $0x0  }
0x68: {  	[sflag:s21] =	ssyncadd.s32 $0xFFFFE000  }
0x69: {  	[tilespmem:s25], [sflag:$0x2] =	stream.indirect.gather [spmem:s2], $0x40, s26, s23, $0xb8;
	[tilespmem:$0x1EC00] =	vst v63  }
0x6a: {  	_ = 	snop  }
0x6b: {  	[spmem:s3] =	stream.indirect.scatter.add.f32 [tilespmem:s24], [sflag:$0x3], $0x40, s28, s23, $0xb8;
	[tilespmem:$0x1EC00] =	vst v63  }
0x6c: {  	_ =	swait.ge [sflag:s20], $0x2000  }
0x6d: {  	[sflag:s20] =	ssyncset.done $0x0  }
0x6e: {  	[sflag:s20] =	ssyncadd.s32 $0xFFFFE000  }
0x6f: {  	_ =	swait.ge [sflag:s22], $0x2000  }
0x70: {  	[sflag:s22] =	ssyncset.done $0x0  }
0x71: {  	[sflag:s22] =	ssyncadd.s32 $0xFFFFE000  }
0x72: {  	[spmem:s3] =	stream.indirect.scatter.add.f32 [tilespmem:s25], [sflag:$0x3], $0x40, s29, s23, $0xb8;
	[tilespmem:$0x1EC00] =	vst v63  }
0x73: {  	_ =	swait.ge [sflag:s20], $0x2000  }
0x74: {  	s30 =	sadd.s32 $0x1, s30;
	[sflag:s20] =	ssyncset.done $0x0  }
0x75: {  	s0 =	sor.u32 $0x1C03, s8;
	p0 =	sne.s32 s30, s16;
	[sflag:s20] =	ssyncadd.s32 $0xFFFFE000  }
.Ltmp2:
0x76: {  	s1 =	sshrl.u32 s10, $0x3;
	[bflag:$0x0] =	sbarrier.arrive $0xFFFF;
	(pc) =	sbr.rel @p0 .LBB2_1-.Ltmp2, $4  }
0x77: {  	[hbm:s15], [sflag:s0] =	dma.local [spmem:s1], $0x13C0  }
0x78: {  	_ =	swait.ge [sflag:s20], $0x13C0  }
0x79: {  	[sflag:s20] =	ssyncset.done $0x0  }
0x7a: {  	[sflag:s20] =	ssyncadd.s32 $0xFFFFEC40  }
0x7b: {  	_ =	sfence.sel $0x180000  }
0x7c: {  	[bflag:$0x0] =	sbarrier.arrive $0xFFFF  }
0x7d: {  	_ =	strace $0x9000004A  }
0x7e: {  	s0 =	stileid.u32;
	[bflag:$0x2] =	sbarrier.arrive $0xFFFF  }
0x7f: {  	p0 =	sne.s32 s0, $0x0;
	s0 =	rddreg [dreg:$0x3]  }
0x80: {  	s0 =	sadd.s32 @!p0 $0x100000, s0  }
0x81: {  	[sflag:s0] =	ssyncadd.tile.s32 @!p0 $0x1;
	_ =	shalt  }
.Lfunc_end2:
_tile_overlayer_lowered:
.L_overlay_start_2:
0x82: {  	(tag) =	ssettag $0x2  }
0x83: {  	s0 =	rddreg [dreg:$0x0];
	s2 =	stileid.u32  }
0x84: {  	s1 =	rddreg [dreg:$0x1];
	p0 =	sne.s32 s2, $0x0  }
0x85: {  	s3 =	rddreg [dreg:$0x2];
	[bflag:$0x3] =	sbarrier.arrive $0xFFFF;
	s2 =	simm.s32 @!p0 $0x1C03  }
0x86: {  	[timem:s3], [sflag:s2] =	dma.local @!p0 [hbm:s0], s1  }
0x87: {  	s0 =	simm.s32 @!p0 $0x3  }
0x88: {  	_ =	swait.ge @!p0 [sflag:s0], s1  }
0x89: {  	s1 =	ssub.s32 @!p0 $0x0, s1;
	[sflag:s0] =	ssyncset.done @!p0 $0x0  }
0x8a: {  	[sflag:s0] =	ssyncadd.s32 @!p0 s1  }
0x8b: {  	[bflag:$0x3] =	sbarrier.arrive $0xFFFF  }
0x8c: {  	_ =	shalt  }

// kernel: kernel.16.cloned.1.call-start
scs
__scs_entry_jumppad:
0x0: {  	(pc) =	sbr.rel $0x88, $3  }
0x1: {  	(tag) =	ssettag $0x0;
	lr =	simm.s32 $0x1  }
0x2: {  	[smem:$0x3F96] =	sst lr;
	_ =	strace $0xD0000000  }
0x3: {  	_ = 	snop  }
0x4: {  	_ = 	snop  }
0x5: {  	_ = 	snop  }
0x6: {  	_ = 	snop  }
0x7: {  	_ = 	snop  }
__scs_overlays_trampoline_lowered:
0x8: {  	[smem:$0x3FA5] =	sst s0  }
0x9: {  	[smem:$0x3FA6] =	sst s1  }
0xa: {  	[smem:$0x3FA7] =	sst s2  }
0xb: {  	[smem:$0x3FA8] =	sst s3  }
0xc: {  	[smem:$0x3FA9] =	sst s4  }
0xd: {  	[smem:$0x3FAA] =	sst s5  }
0xe: {  	[smem:$0x3FAB] =	sst s6  }
0xf: {  	[smem:$0x3FAC] =	sst s7  }
0x10: {  	[smem:$0x3FAD] =	sst s8  }
0x11: {  	[smem:$0x3FAE] =	sst s9;
	s0 =	simm.s32 @!p0 $0x0  }
0x12: {  	s1 =	sld [smem:$0x3F94];
	s0 =	simm.s32 @p0 $0x1  }
0x13: {  	[smem:$0x3FAF] =	sst s0;
	s0 =	simm.s32 @!p1 $0x0  }
0x14: {  	s2 =	sld [smem:$0x3F93];
	s0 =	simm.s32 @p1 $0x1  }
0x15: {  	[smem:$0x3FB0] =	sst s0;
	s0 =	simm.s32 @!p2 $0x0  }
0x16: {  	s3 =	sld [smem:$0x3FDB];
	s0 =	simm.s32 @p2 $0x1  }
0x17: {  	s4 =	simm.s32 $0x1BF5;
	[smem:$0x3FB2] =	sst s0  }
0x18: {  	s0 =	sld [smem:$0x3F95];
	_ =	swait.ge [sflag:s4], $0x0  }
0x19: {  	s7 =	sld [smem:$0x3F96]  }
0x1a: {  	s8 =	sadd.s32 $0xFFFFE003, lr  }
0x1b: {  	s9 =	sadd.s32 $0xFFFFFEF7, lr;
	s5 =	simm.s32 $0xFFFFFFFF;
	p2 =	slt.u32 s8, $0xFFFFF086  }
0x1c: {  	p1 =	slt.u32 s9, $0xF7A;
	s5 =	simm.s32 @!p2 $0x0  }
0x1d: {  	s5 =	simm.s32 @p1 $0x1;
	p0 =	seq.s32 s7, s2  }
0x1e: {  	s7 =	smul.u32 @!p0 $0xF7A, s2;
	p2 =	seq.s32 @!p0 s5, $0x0  }
0x1f: {  	s9 =	smul.u32 $0xF7A, s1;
	s8 =	simm.s32 @!p0 $0x1BF5;
	p2 =	por !p2, p0  }
0x20: {  	[sflag:s8] =	ssyncset.s32 @!p0 $0xFFFFF086;
	s6 =	sadd.s32 @!p0 s3, s7;
	s7 =	simm.s32 @!p0 $0x108  }
0x21: {  	s3 =	sadd.s32 s3, s9;
	s6 =	sadd.s32 @!p0 $0x88, s6;
	s7 =	simm.s32 @p2 $0x1082  }
0x22: {  	[simem:s7], [sflag:s8] =	dma.local @!p0 [hbm:s6], $0xF7A  }
0x23: {  	s9 =	sor.u32 $0xD0000000, s2;
	s6 =	simm.s32 $0x108;
	_ =	swait.ge @!p0 [sflag:s8], $0x0  }
0x24: {  	s3 =	sadd.s32 $0x88, s3;
	s6 =	simm.s32 @!p1 $0x1082;
	[sflag:s4] =	ssyncset.s32 $0xFFFFF086  }
0x25: {  	[simem:s6], [sflag:s4] =	dma.local [hbm:s3], $0xF7A  }
0x26: {  	[smem:$0x3F96] =	sst s1;
	(tag) =	ssettag s2;
	_ =	strace s9  }
0x27: {  	s1 =	sld [smem:$0x3FA6]  }
0x28: {  	s2 =	sld [smem:$0x3FA7]  }
0x29: {  	s4 =	sld [smem:$0x3FA9]  }
0x2a: {  	p0 =	seq.s32 s5, $0x0;
	s5 =	sld [smem:$0x3FAA]  }
0x2b: {  	s6 =	sld [smem:$0x3FAB]  }
0x2c: {  	s7 =	sld [smem:$0x3FAC]  }
0x2d: {  	s3 =	simm.s32 $0x108;
	s8 =	sld [smem:$0x3FAD]  }
0x2e: {  	s3 =	simm.s32 @!p0 $0x1082;
	s9 =	sld [smem:$0x3FAE]  }
0x2f: {  	lr =	sadd.s32 s0, s3;
	s0 =	sld [smem:$0x3FA5]  }
0x30: {  	s3 =	sld [smem:$0x3FA8]  }
0x31: {  	[smem:$0x3FB1] =	sst s10  }
0x32: {  	s10 =	sld [smem:$0x3FAF];
	_ =	sdelay $0x3  }
0x33: {  	p0 =	seq.s32 s10, $0x1;
	s10 =	sld [smem:$0x3FB1];
	_ =	sdelay $0x3  }
0x34: {  	[smem:$0x3FB1] =	sst s10  }
0x35: {  	s10 =	sld [smem:$0x3FB0];
	_ =	sdelay $0x3  }
0x36: {  	p1 =	seq.s32 s10, $0x1;
	s10 =	sld [smem:$0x3FB1];
	_ =	sdelay $0x3  }
0x37: {  	[smem:$0x3FB1] =	sst s10  }
0x38: {  	s10 =	sld [smem:$0x3FB2]  }
0x39: {  	_ = 	snop;
	(pc) =	sbr.ind lr, $3  }
0x3a: {  	_ = 	snop  }
0x3b: {  	_ = 	snop  }
0x3c: {  	p2 =	seq.s32 s10, $0x1;
	s10 =	sld [smem:$0x3FB1]  }
0x3d: {  	_ =	shalt  }
0x3e: {  	_ =	shalt  }
0x3f: {  	_ =	shalt  }
0x40: {  	_ =	shalt  }
0x41: {  	_ =	shalt  }
0x42: {  	_ =	shalt  }
0x43: {  	_ =	shalt  }
0x44: {  	_ =	shalt  }
0x45: {  	_ =	shalt  }
0x46: {  	_ =	shalt  }
0x47: {  	_ =	shalt  }
0x48: {  	_ =	shalt  }
0x49: {  	_ =	shalt  }
0x4a: {  	_ =	shalt  }
0x4b: {  	_ =	shalt  }
0x4c: {  	_ =	shalt  }
0x4d: {  	_ =	shalt  }
0x4e: {  	_ =	shalt  }
0x4f: {  	_ =	shalt  }
0x50: {  	_ =	shalt  }
0x51: {  	_ =	shalt  }
0x52: {  	_ =	shalt  }
0x53: {  	_ =	shalt  }
0x54: {  	_ =	shalt  }
0x55: {  	_ =	shalt  }
0x56: {  	_ =	shalt  }
0x57: {  	_ =	shalt  }
0x58: {  	_ =	shalt  }
0x59: {  	_ =	shalt  }
0x5a: {  	_ =	shalt  }
0x5b: {  	_ =	shalt  }
0x5c: {  	_ =	shalt  }
0x5d: {  	_ =	shalt  }
0x5e: {  	_ =	shalt  }
0x5f: {  	_ =	shalt  }
0x60: {  	_ =	shalt  }
0x61: {  	_ =	shalt  }
0x62: {  	_ =	shalt  }
0x63: {  	_ =	shalt  }
0x64: {  	_ =	shalt  }
0x65: {  	_ =	shalt  }
0x66: {  	_ =	shalt  }
0x67: {  	_ =	shalt  }
0x68: {  	_ =	shalt  }
0x69: {  	_ =	shalt  }
0x6a: {  	_ =	shalt  }
0x6b: {  	_ =	shalt  }
0x6c: {  	_ =	shalt  }
0x6d: {  	_ =	shalt  }
0x6e: {  	_ =	shalt  }
0x6f: {  	_ =	shalt  }
0x70: {  	_ =	shalt  }
0x71: {  	_ =	shalt  }
0x72: {  	_ =	shalt  }
0x73: {  	_ =	shalt  }
0x74: {  	_ =	shalt  }
0x75: {  	_ =	shalt  }
0x76: {  	_ =	shalt  }
0x77: {  	_ =	shalt  }
0x78: {  	_ =	shalt  }
0x79: {  	_ =	shalt  }
0x7a: {  	_ =	shalt  }
0x7b: {  	_ =	shalt  }
0x7c: {  	_ =	shalt  }
0x7d: {  	_ =	shalt  }
0x7e: {  	_ =	shalt  }
0x7f: {  	_ =	shalt  }
0x80: {  	_ =	shalt  }
0x81: {  	_ =	shalt  }
0x82: {  	_ =	shalt  }
0x83: {  	_ =	shalt  }
0x84: {  	_ =	shalt  }
0x85: {  	_ =	shalt  }
0x86: {  	_ =	shalt  }
0x87: {  	_ =	shalt  }
.Lfunc_end0:
.L_simem_size_0:
called_computation.2_lowered:
.L_overlay_start_0:
0x88: {  	s2 =	sld [smem:$0x3FD9]  }
0x89: {  	s3 =	sld [smem:$0x3FFE];
	_ =	sdelay $0x1  }
0x8a: {  	s1 =	srdreg.scid  }
0x8b: {  	s0 =	sand.u32 $0x1, s1  }
0x8c: {  	s16 =	sshll.u32 s0, $0xA;
	s2 =	sadd.s32 s3, s2  }
0x8d: {  	s2 =	sadd.s32 s2, s16  }
0x8e: {  	[smem:$0x3FBD] =	sst s2  }
0x8f: {  	_ = 	snop  }
0x90: {  	(tm) =	ssettm $0x1  }
0x91: {  	s17 =	sld [smem:$0x3FFB];
	_ =	sdelay $0x3  }
0x92: {  	_ =	strace s17  }
0x93: {  	s2 =	sld [smem:$0x3FFC];
	_ =	sdelay $0x3  }
0x94: {  	_ =	strace s2  }
0x95: {  	s2 =	sld [smem:$0x3FFD];
	_ =	sdelay $0x3  }
0x96: {  	_ =	strace s2  }
0x97: {  	_ =	strace $0x8FFFFFFF  }
0x98: {  	s18 =	sld [smem:$0x3FDB];
	_ =	sdelay $0x1  }
0x99: {  	s19 =	simm.s32 $_scs_section_size  }
0x9a: {  	s4 =	simm.s32 $_size__tile_overlayer_lowered;
	s5 =	simm.s32 $_tile_overlayer_lowered  }
0x9b: {  	s22 =	simm.s32 $0x1BFF;
	s21 =	sshll.u32 s5, $0x1;
	s2 =	sadd.s32 s19, s18  }
0x9c: {  	s6 =	simm.s32 $0x0;
	s20 =	sshll.u32 s4, $0x1;
	s4 =	sadd.s32 s21, s2  }
0x9d: {  	[timem:s6], [sflag:s22] =	dma.local [hbm:s4], s20  }
0x9e: {  	_ =	swait.ge [sflag:s22], s20  }
0x9f: {  	s3 =	ssub.s32 $0x0, s20;
	[sflag:s22] =	ssyncset.done $0x0  }
0xa0: {  	[sflag:s22] =	ssyncadd.s32 s3;
	_ =	sdelay $0x1  }
0xa1: {  	s23 =	simm.s32 $0x1B8B  }
0xa2: {  	_ =	swait.ge [sflag:s23], $0x1  }
0xa3: {  	[sflag:s23] =	ssyncset.done $0x0  }
0xa4: {  	s25 =	simm.s32 $0x1B8E;
	s24 =	sld [smem:$0x3FFE];
	[sflag:s23] =	ssyncadd.s32 $0xFFFFFFFF  }
0xa5: {  	s26 =	simm.s32 $execute0_lowered;
	[smem:$0x3FD2] =	sst s25  }
0xa6: {  	s4 =	sshll.u32 s26, $0x1;
	_ =	strace $0x8000004C;
	[dreg:$0x1] =	wrdreg $0xFFFFFFFF  }
0xa7: {  	s28 =	simm.s32 $_size_execute0_lowered;
	s2 =	sadd.s32 s2, s4;
	[dreg:$0x0] =	wrdreg $0x0  }
0xa8: {  	s4 =	sshll.u32 s28, $0x1;
	[dreg:$0x2] =	wrdreg s2  }
0xa9: {  	[dreg:$0x3] =	wrdreg s4  }
0xaa: {  	[dreg:$0x4] =	wrdreg $0xC0  }
0xab: {  	_ =	task [dreg:s6], $0x5FFFF  }
0xac: {  	[dreg:$0x1] =	wrdreg $0xFFFFFFFF  }
0xad: {  	[dreg:$0x0] =	wrdreg $0x60  }
0xae: {  	[dreg:$0x2] =	wrdreg s24  }
0xaf: {  	[dreg:$0x3] =	wrdreg $0x14E000  }
0xb0: {  	[dreg:$0x4] =	wrdreg $0xB0000  }
0xb1: {  	[dreg:$0x5] =	wrdreg $0x9  }
0xb2: {  	_ =	task.clear_ibuf [dreg:s6], $0x6FFFF;
	_ =	strace $0x9000004C  }
0xb3: {  	s29 =	simm.s32 $0x9;
	_ =	strace $0x8000004E  }
0xb4: {  	_ =	swait.ge [sflag:s29], $0x1  }
0xb5: {  	[sflag:s29] =	ssyncadd.s32 $0xFFFFFFFF  }
0xb6: {  	_ =	strace $0x9000004E  }
0xb7: {  	_ =	sfence  }
0xb8: {  	s30 =	sld [smem:$0x0];
	_ =	sdelay $0x2  }
0xb9: {  	s31 =	sshll.u32 s1, $0xD;
	s1 =	sshrl.u32 s1, $0x2  }
0xba: {  	s3 =	sand.u32 $0x4000, s31;
	s1 =	sadd.s32 s1, s30  }
0xbb: {  	s0 =	sor.u32 s3, s0;
	s1 =	sshll.u32 s1, $0x11  }
0xbc: {  	s0 =	sor.u32 s1, s0  }
0xbd: {  	s0 =	sadd.s32 $0x8F2B, s0  }
0xbe: {  	[sflag:s0] =	ssyncadd.remote.s32 $0x1  }
0xbf: {  	_ =	sfence.sel $0xFFFF  }
0xc0: {  	[dreg:$0x0] =	wrdreg $0xFFFFFFFF;
	(pc) =	sbr.abs _section_cstart, $3  }
0xc1: {  	[dreg:$0x1] =	wrdreg $0xFFFFFFFF  }
0xc2: {  	_ =	task.clear_ibuf [dreg:s6], $0x2FFFF;
	_ =	strace $0x9FFFFFFF  }
0xc3: {  	(tm) =	ssettm $0x7FFFFFFF  }
tec
execute0_lowered:
.L_overlay_start_1:
0x0: {  	(tag) =	ssettag $0x1  }
0x1: {  	s0 =	srdreg.scid;
	s1 =	rddreg [dreg:$0x0]  }
0x2: {  	s2 =	rddreg [dreg:$0x1];
	s26 =	stileid.u32  }
0x3: {  	s3 =	rddreg [dreg:$0x2];
	s17 =	simm.s32 $0x2800;
	s19 =	simm.s32 $0x9000  }
0x4: {  	s20 =	simm.s32 $0x3;
	s21 =	simm.s32 $0x1;
	s22 =	simm.s32 $0x2  }
0x5: {  	s23 =	simm.s32 $0x80;
	s24 =	simm.s32 $0x5000;
	s25 =	simm.s32 $0x7000  }
0x6: {  	s28 =	simm.s32 $0x4F00;
	s29 =	simm.s32 $0x4F80;
	s10 =	smul.u32 $0x9E00, s26  }
0x7: {  	s30 =	simm.s32 $0x0;
	s5 =	sand.u32 $0x1, s0;
	s11 =	smul.u32 $0x27800, s26  }
0x8: {  	s4 =	sshll.u32 s5, $0x4;
	s8 =	smul.u32 $0x9E000, s5;
	s5 =	ssub.s32 $0x2, s5  }
0x9: {  	s6 =	sor.u32 s26, s4;
	s4 =	simm.s32 $0x0;
	s7 =	sshrl.u32 s10, $0x3  }
0xa: {  	s9 =	sshrl.u32 s5, $0x1;
	s18 =	sadd.s32 s10, s2;
	s31 =	sshrl.u32 s11, $0x2  }
0xb: {  	s6 =	smul.u32 $0x500, s6;
	[smem:$0x7FF] =	sst s4;
	s7 =	sadd.s32 s7, s1  }
0xc: {  	s8 =	sadd.s32 s10, s8;
	s16 =	ssub.s32 s5, s9;
	s14 =	sadd.s32 s31, s3  }
0xd: {  	s10 =	sadd.s32 s10, s3;
	s18 =	sshrl.u32 s18, $0x3;
	_ =	strace $0x8000004D  }
0xe: {  	s8 =	sshrl.u32 s8, $0x3;
	s7 =	sadd.s32 $0xD800, s7;
	s11 =	sadd.s32 $0x2000, s14  }
0xf: {  	s12 =	sadd.s32 $0x4000, s14;
	s13 =	sadd.s32 $0x6000, s14;
	s14 =	sadd.s32 $0x8000, s14  }
0x10: {  	s16 =	smax.u32 s16, $0x1;
	s6 =	sadd.s32 s6, s1;
	s1 =	sadd.s32 s8, s1  }
0x11: {  	s8 =	sshll.u32 s26, $0x6;
	s26 =	simm.s32 $0x2780;
	s5 =	sadd.s32 $0x35000, s6  }
0x12: {  	v0 =	vimm.f32 $0.0e+00;
	s6 =	sadd.s32 $0x3800, s6;
	s9 =	sor.u32 $0x1C02, s8;
	s15 =	sadd.s32 $0x3F000, s1  }
.LBB2_1:
0x13: {  	[tilespmem:s4], [sflag:$0x1] =	stream.linear.gather [hbm4b:s5+s4], $0x2800, $0x38;
	[tilespmem:$0x1EC00] =	vst v63  }
0x14: {  	s1 =	simm.s32 $0x100;
	s31 =	simm.s32 $0x0  }
0x15: {  	[tilespmem:s17], [sflag:$0x1] =	stream.linear.gather [hbm4b:s6+s4], $0x2800, $0x38;
	[tilespmem:$0x1EC00] =	vst v63  }
0x16: {  	[spmem:s18], [sflag:s9] =	dma.local [hbm:s7], $0x13C0  }
.LBB2_2:
0x17: {  	p0 =	sne.s32 s1, $0x7F00;
	[tilespmem:s31+$0x9030] =	vst v0;
	s0 =	smov.u32 s1;
	s1 =	sadd.s32 $0x100, s1  }
.Ltmp0:
0x18: {  	[tilespmem:s31+$0x9020] =	vst v0;
	(pc) =	sbr.rel @p0 .LBB2_2-.Ltmp0, $3  }
0x19: {  	[tilespmem:s31+$0x9000] =	vst v0  }
0x1a: {  	[tilespmem:s31+$0x9010] =	vst v0;
	_ =	sdelay $0x1  }
0x1b: {  	s31 =	sshra.s32 s0, $0x2  }
0x1c: {  	[tilespmem:s31+$0x9030] =	vst v0  }
0x1d: {  	[tilespmem:s31+$0x9020] =	vst v0  }
0x1e: {  	[tilespmem:s31+$0x9000] =	vst v0  }
0x1f: {  	[tilespmem:s31+$0x9010] =	vst v0  }
0x20: {  	[spmem:s10] =	stream.linear.scatter [tilespmem:s19], [sflag:$0x3], $0x2000, $0x38;
	[tilespmem:$0x1EC00] =	vst v63  }
0x21: {  	_ =	swait.ge [sflag:s20], $0x2000  }
0x22: {  	[sflag:s20] =	ssyncset.done $0x0  }
0x23: {  	[sflag:s20] =	ssyncadd.s32 $0xFFFFE000  }
0x24: {  	[spmem:s11] =	stream.linear.scatter [tilespmem:s19], [sflag:$0x3], $0x2000, $0x38;
	[tilespmem:$0x1EC00] =	vst v63  }
0x25: {  	_ =	swait.ge [sflag:s20], $0x2000  }
0x26: {  	[sflag:s20] =	ssyncset.done $0x0  }
0x27: {  	[sflag:s20] =	ssyncadd.s32 $0xFFFFE000  }
0x28: {  	[spmem:s12] =	stream.linear.scatter [tilespmem:s19], [sflag:$0x3], $0x2000, $0x38;
	[tilespmem:$0x1EC00] =	vst v63  }
0x29: {  	_ =	swait.ge [sflag:s20], $0x2000  }
0x2a: {  	[sflag:s20] =	ssyncset.done $0x0  }
0x2b: {  	[sflag:s20] =	ssyncadd.s32 $0xFFFFE000  }
0x2c: {  	[spmem:s13] =	stream.linear.scatter [tilespmem:s19], [sflag:$0x3], $0x2000, $0x38;
	[tilespmem:$0x1EC00] =	vst v63  }
0x2d: {  	_ =	swait.ge [sflag:s20], $0x2000  }
0x2e: {  	[sflag:s20] =	ssyncset.done $0x0  }
0x2f: {  	[sflag:s20] =	ssyncadd.s32 $0xFFFFE000  }
0x30: {  	[spmem:s14] =	stream.linear.scatter [tilespmem:s19], [sflag:$0x3], $0x1E00, $0x38;
	[tilespmem:$0x1EC00] =	vst v63  }
0x31: {  	_ =	swait.ge [sflag:s20], $0x1E00  }
0x32: {  	[sflag:s20] =	ssyncset.done $0x0  }
0x33: {  	[sflag:s20] =	ssyncadd.s32 $0xFFFFE200  }
0x34: {  	_ =	swait.ge [sflag:s21], $0x2800  }
0x35: {  	[sflag:s21] =	ssyncset.done $0x0  }
0x36: {  	[sflag:s21] =	ssyncadd.s32 $0xFFFFD800  }
0x37: {  	_ =	swait.ge [sflag:s21], $0x2800  }
0x38: {  	[sflag:s21] =	ssyncset.done $0x0  }
0x39: {  	[sflag:s21] =	ssyncadd.s32 $0xFFFFD800  }
0x3a: {  	_ =	swait.ge [sflag:s22], $0x13C0  }
0x3b: {  	[sflag:s22] =	ssyncset.done $0x0  }
0x3c: {  	[sflag:s22] =	ssyncadd.s32 $0xFFFFEC40  }
0x3d: {  	s0 =	simm.s32 $0x0;
	[bflag:$0x0] =	sbarrier.arrive $0xFFFF  }
0x3e: {  	[tilespmem:s24], [sflag:$0x1] =	stream.indirect.gather [spmem:s2], $0x40, s0, s23, $0xb8;
	[tilespmem:$0x1EC00] =	vst v63  }
0x3f: {  	_ =	swait.ge [sflag:s21], $0x2000  }
0x40: {  	[sflag:s21] =	ssyncset.done $0x0  }
0x41: {  	s1 =	simm.s32 $0x80;
	[sflag:s21] =	ssyncadd.s32 $0xFFFFE000  }
0x42: {  	[tilespmem:s25], [sflag:$0x2] =	stream.indirect.gather [spmem:s2], $0x40, s1, s23, $0xb8;
	[tilespmem:$0x1EC00] =	vst v63  }
0x43: {  	s1 =	simm.s32 $0x2800  }
0x44: {  	[spmem:s3] =	stream.indirect.scatter.add.f32 [tilespmem:s24], [sflag:$0x3], $0x40, s1, s23, $0xb8;
	[tilespmem:$0x1EC00] =	vst v63  }
0x45: {  	_ =	swait.ge [sflag:s20], $0x2000  }
0x46: {  	[sflag:s20] =	ssyncset.done $0x0  }
0x47: {  	[sflag:s20] =	ssyncadd.s32 $0xFFFFE000  }
0x48: {  	_ =	swait.ge [sflag:s22], $0x2000  }
0x49: {  	[sflag:s22] =	ssyncset.done $0x0  }
0x4a: {  	s1 =	simm.s32 $0x100;
	[sflag:s22] =	ssyncadd.s32 $0xFFFFE000  }
0x4b: {  	[tilespmem:s24], [sflag:$0x1] =	stream.indirect.gather [spmem:s2], $0x40, s1, s23, $0xb8;
	[tilespmem:$0x1EC00] =	vst v63  }
0x4c: {  	s1 =	simm.s32 $0x2880  }
0x4d: {  	[spmem:s3] =	stream.indirect.scatter.add.f32 [tilespmem:s25], [sflag:$0x3], $0x40, s1, s23, $0xb8;
	[tilespmem:$0x1EC00] =	vst v63  }
0x4e: {  	_ =	swait.ge [sflag:s20], $0x2000  }
0x4f: {  	s31 =	simm.s32 $0x400;
	[sflag:s20] =	ssyncset.done $0x0  }
.LBB2_4:
0x50: {  	p0 =	sne.s32 s31, $0x9800  }
0x51: {  	[sflag:s20] =	ssyncadd.s32 $0xFFFFE000;
	s0 =	smov.u32 s31;
	s31 =	sadd.s32 $0x400, s31  }
0x52: {  	_ = 	snop  }
0x53: {  	_ =	swait.ge [sflag:s21], $0x2000  }
0x54: {  	s0 =	sshra.s32 s0, $0x2;
	[sflag:s21] =	ssyncset.done $0x0  }
0x55: {  	s1 =	sadd.s32 $0x80, s0;
	[sflag:s21] =	ssyncadd.s32 $0xFFFFE000  }
0x56: {  	[tilespmem:s25], [sflag:$0x2] =	stream.indirect.gather [spmem:s2], $0x40, s1, s23, $0xb8;
	[tilespmem:$0x1EC00] =	vst v63  }
0x57: {  	s1 =	sadd.s32 $0x2800, s0  }
0x58: {  	[spmem:s3] =	stream.indirect.scatter.add.f32 [tilespmem:s24], [sflag:$0x3], $0x40, s1, s23, $0xb8;
	[tilespmem:$0x1EC00] =	vst v63  }
0x59: {  	_ =	swait.ge [sflag:s20], $0x2000  }
0x5a: {  	[sflag:s20] =	ssyncset.done $0x0  }
0x5b: {  	[sflag:s20] =	ssyncadd.s32 $0xFFFFE000  }
0x5c: {  	_ =	swait.ge [sflag:s22], $0x2000  }
0x5d: {  	[sflag:s22] =	ssyncset.done $0x0  }
0x5e: {  	s1 =	sadd.s32 $0x100, s0;
	[sflag:s22] =	ssyncadd.s32 $0xFFFFE000  }
0x5f: {  	[tilespmem:s24], [sflag:$0x1] =	stream.indirect.gather [spmem:s2], $0x40, s1, s23, $0xb8;
	[tilespmem:$0x1EC00] =	vst v63  }
.Ltmp1:
0x60: {  	_ = 	snop;
	(pc) =	sbr.rel @p0 .LBB2_4-.Ltmp1, $4  }
0x61: {  	s0 =	sadd.s32 $0x2880, s0  }
0x62: {  	[spmem:s3] =	stream.indirect.scatter.add.f32 [tilespmem:s25], [sflag:$0x3], $0x40, s0, s23, $0xb8;
	[tilespmem:$0x1EC00] =	vst v63  }
0x63: {  	_ =	swait.ge [sflag:s20], $0x2000  }
0x64: {  	[sflag:s20] =	ssyncset.done $0x0  }
0x65: {  	[sflag:s20] =	ssyncadd.s32 $0xFFFFE000  }
0x66: {  	_ =	swait.ge [sflag:s21], $0x2000  }
0x67: {  	[sflag:s21] =	ssyncset.done $0x0  }
0x68: {  	[sflag:s21] =	ssyncadd.s32 $0xFFFFE000  }
0x69: {  	[tilespmem:s25], [sflag:$0x2] =	stream.indirect.gather [spmem:s2], $0x40, s26, s23, $0xb8;
	[tilespmem:$0x1EC00] =	vst v63  }
0x6a: {  	_ = 	snop  }
0x6b: {  	[spmem:s3] =	stream.indirect.scatter.add.f32 [tilespmem:s24], [sflag:$0x3], $0x40, s28, s23, $0xb8;
	[tilespmem:$0x1EC00] =	vst v63  }
0x6c: {  	_ =	swait.ge [sflag:s20], $0x2000  }
0x6d: {  	[sflag:s20] =	ssyncset.done $0x0  }
0x6e: {  	[sflag:s20] =	ssyncadd.s32 $0xFFFFE000  }
0x6f: {  	_ =	swait.ge [sflag:s22], $0x2000  }
0x70: {  	[sflag:s22] =	ssyncset.done $0x0  }
0x71: {  	[sflag:s22] =	ssyncadd.s32 $0xFFFFE000  }
0x72: {  	[spmem:s3] =	stream.indirect.scatter.add.f32 [tilespmem:s25], [sflag:$0x3], $0x40, s29, s23, $0xb8;
	[tilespmem:$0x1EC00] =	vst v63  }
0x73: {  	_ =	swait.ge [sflag:s20], $0x2000  }
0x74: {  	s30 =	sadd.s32 $0x1, s30;
	[sflag:s20] =	ssyncset.done $0x0  }
0x75: {  	s0 =	sor.u32 $0x1C03, s8;
	p0 =	sne.s32 s30, s16;
	[sflag:s20] =	ssyncadd.s32 $0xFFFFE000  }
.Ltmp2:
0x76: {  	s1 =	sshrl.u32 s10, $0x3;
	[bflag:$0x0] =	sbarrier.arrive $0xFFFF;
	(pc) =	sbr.rel @p0 .LBB2_1-.Ltmp2, $4  }
0x77: {  	[hbm:s15], [sflag:s0] =	dma.local [spmem:s1], $0x13C0  }
0x78: {  	_ =	swait.ge [sflag:s20], $0x13C0  }
0x79: {  	[sflag:s20] =	ssyncset.done $0x0  }
0x7a: {  	[sflag:s20] =	ssyncadd.s32 $0xFFFFEC40  }
0x7b: {  	_ =	sfence.sel $0x180000  }
0x7c: {  	[bflag:$0x0] =	sbarrier.arrive $0xFFFF  }
0x7d: {  	_ =	strace $0x9000004D  }
0x7e: {  	s0 =	stileid.u32;
	[bflag:$0x2] =	sbarrier.arrive $0xFFFF  }
0x7f: {  	p0 =	sne.s32 s0, $0x0;
	s0 =	rddreg [dreg:$0x3]  }
0x80: {  	s0 =	sadd.s32 @!p0 $0x100000, s0  }
0x81: {  	[sflag:s0] =	ssyncadd.tile.s32 @!p0 $0x1;
	_ =	shalt  }
.Lfunc_end2:
_tile_overlayer_lowered:
.L_overlay_start_2:
0x82: {  	(tag) =	ssettag $0x2  }
0x83: {  	s0 =	rddreg [dreg:$0x0];
	s2 =	stileid.u32  }
0x84: {  	s1 =	rddreg [dreg:$0x1];
	p0 =	sne.s32 s2, $0x0  }
0x85: {  	s3 =	rddreg [dreg:$0x2];
	[bflag:$0x3] =	sbarrier.arrive $0xFFFF;
	s2 =	simm.s32 @!p0 $0x1C03  }
0x86: {  	[timem:s3], [sflag:s2] =	dma.local @!p0 [hbm:s0], s1  }
0x87: {  	s0 =	simm.s32 @!p0 $0x3  }
0x88: {  	_ =	swait.ge @!p0 [sflag:s0], s1  }
0x89: {  	s1 =	ssub.s32 @!p0 $0x0, s1;
	[sflag:s0] =	ssyncset.done @!p0 $0x0  }
0x8a: {  	[sflag:s0] =	ssyncadd.s32 @!p0 s1  }
0x8b: {  	[bflag:$0x3] =	sbarrier.arrive $0xFFFF  }
0x8c: {  	_ =	shalt  }

// kernel: kernel.19.cloned.1.call-start
scs
__scs_entry_jumppad:
0x0: {  	(pc) =	sbr.rel $0x88, $3  }
0x1: {  	(tag) =	ssettag $0x0;
	lr =	simm.s32 $0x1  }
0x2: {  	[smem:$0x3F96] =	sst lr;
	_ =	strace $0xD0000000  }
0x3: {  	_ = 	snop  }
0x4: {  	_ = 	snop  }
0x5: {  	_ = 	snop  }
0x6: {  	_ = 	snop  }
0x7: {  	_ = 	snop  }
__scs_overlays_trampoline_lowered:
0x8: {  	[smem:$0x3FA5] =	sst s0  }
0x9: {  	[smem:$0x3FA6] =	sst s1  }
0xa: {  	[smem:$0x3FA7] =	sst s2  }
0xb: {  	[smem:$0x3FA8] =	sst s3  }
0xc: {  	[smem:$0x3FA9] =	sst s4  }
0xd: {  	[smem:$0x3FAA] =	sst s5  }
0xe: {  	[smem:$0x3FAB] =	sst s6  }
0xf: {  	[smem:$0x3FAC] =	sst s7  }
0x10: {  	[smem:$0x3FAD] =	sst s8  }
0x11: {  	[smem:$0x3FAE] =	sst s9;
	s0 =	simm.s32 @!p0 $0x0  }
0x12: {  	s1 =	sld [smem:$0x3F94];
	s0 =	simm.s32 @p0 $0x1  }
0x13: {  	[smem:$0x3FAF] =	sst s0;
	s0 =	simm.s32 @!p1 $0x0  }
0x14: {  	s2 =	sld [smem:$0x3F93];
	s0 =	simm.s32 @p1 $0x1  }
0x15: {  	[smem:$0x3FB0] =	sst s0;
	s0 =	simm.s32 @!p2 $0x0  }
0x16: {  	s3 =	sld [smem:$0x3FDB];
	s0 =	simm.s32 @p2 $0x1  }
0x17: {  	s4 =	simm.s32 $0x1BF5;
	[smem:$0x3FB2] =	sst s0  }
0x18: {  	s0 =	sld [smem:$0x3F95];
	_ =	swait.ge [sflag:s4], $0x0  }
0x19: {  	s7 =	sld [smem:$0x3F96]  }
0x1a: {  	s8 =	sadd.s32 $0xFFFFE003, lr  }
0x1b: {  	s9 =	sadd.s32 $0xFFFFFEF7, lr;
	s5 =	simm.s32 $0xFFFFFFFF;
	p2 =	slt.u32 s8, $0xFFFFF086  }
0x1c: {  	p1 =	slt.u32 s9, $0xF7A;
	s5 =	simm.s32 @!p2 $0x0  }
0x1d: {  	s5 =	simm.s32 @p1 $0x1;
	p0 =	seq.s32 s7, s2  }
0x1e: {  	s7 =	smul.u32 @!p0 $0xF7A, s2;
	p2 =	seq.s32 @!p0 s5, $0x0  }
0x1f: {  	s9 =	smul.u32 $0xF7A, s1;
	s8 =	simm.s32 @!p0 $0x1BF5;
	p2 =	por !p2, p0  }
0x20: {  	[sflag:s8] =	ssyncset.s32 @!p0 $0xFFFFF086;
	s6 =	sadd.s32 @!p0 s3, s7;
	s7 =	simm.s32 @!p0 $0x108  }
0x21: {  	s3 =	sadd.s32 s3, s9;
	s6 =	sadd.s32 @!p0 $0x88, s6;
	s7 =	simm.s32 @p2 $0x1082  }
0x22: {  	[simem:s7], [sflag:s8] =	dma.local @!p0 [hbm:s6], $0xF7A  }
0x23: {  	s9 =	sor.u32 $0xD0000000, s2;
	s6 =	simm.s32 $0x108;
	_ =	swait.ge @!p0 [sflag:s8], $0x0  }
0x24: {  	s3 =	sadd.s32 $0x88, s3;
	s6 =	simm.s32 @!p1 $0x1082;
	[sflag:s4] =	ssyncset.s32 $0xFFFFF086  }
0x25: {  	[simem:s6], [sflag:s4] =	dma.local [hbm:s3], $0xF7A  }
0x26: {  	[smem:$0x3F96] =	sst s1;
	(tag) =	ssettag s2;
	_ =	strace s9  }
0x27: {  	s1 =	sld [smem:$0x3FA6]  }
0x28: {  	s2 =	sld [smem:$0x3FA7]  }
0x29: {  	s4 =	sld [smem:$0x3FA9]  }
0x2a: {  	p0 =	seq.s32 s5, $0x0;
	s5 =	sld [smem:$0x3FAA]  }
0x2b: {  	s6 =	sld [smem:$0x3FAB]  }
0x2c: {  	s7 =	sld [smem:$0x3FAC]  }
0x2d: {  	s3 =	simm.s32 $0x108;
	s8 =	sld [smem:$0x3FAD]  }
0x2e: {  	s3 =	simm.s32 @!p0 $0x1082;
	s9 =	sld [smem:$0x3FAE]  }
0x2f: {  	lr =	sadd.s32 s0, s3;
	s0 =	sld [smem:$0x3FA5]  }
0x30: {  	s3 =	sld [smem:$0x3FA8]  }
0x31: {  	[smem:$0x3FB1] =	sst s10  }
0x32: {  	s10 =	sld [smem:$0x3FAF];
	_ =	sdelay $0x3  }
0x33: {  	p0 =	seq.s32 s10, $0x1;
	s10 =	sld [smem:$0x3FB1];
	_ =	sdelay $0x3  }
0x34: {  	[smem:$0x3FB1] =	sst s10  }
0x35: {  	s10 =	sld [smem:$0x3FB0];
	_ =	sdelay $0x3  }
0x36: {  	p1 =	seq.s32 s10, $0x1;
	s10 =	sld [smem:$0x3FB1];
	_ =	sdelay $0x3  }
0x37: {  	[smem:$0x3FB1] =	sst s10  }
0x38: {  	s10 =	sld [smem:$0x3FB2]  }
0x39: {  	_ = 	snop;
	(pc) =	sbr.ind lr, $3  }
0x3a: {  	_ = 	snop  }
0x3b: {  	_ = 	snop  }
0x3c: {  	p2 =	seq.s32 s10, $0x1;
	s10 =	sld [smem:$0x3FB1]  }
0x3d: {  	_ =	shalt  }
0x3e: {  	_ =	shalt  }
0x3f: {  	_ =	shalt  }
0x40: {  	_ =	shalt  }
0x41: {  	_ =	shalt  }
0x42: {  	_ =	shalt  }
0x43: {  	_ =	shalt  }
0x44: {  	_ =	shalt  }
0x45: {  	_ =	shalt  }
0x46: {  	_ =	shalt  }
0x47: {  	_ =	shalt  }
0x48: {  	_ =	shalt  }
0x49: {  	_ =	shalt  }
0x4a: {  	_ =	shalt  }
0x4b: {  	_ =	shalt  }
0x4c: {  	_ =	shalt  }
0x4d: {  	_ =	shalt  }
0x4e: {  	_ =	shalt  }
0x4f: {  	_ =	shalt  }
0x50: {  	_ =	shalt  }
0x51: {  	_ =	shalt  }
0x52: {  	_ =	shalt  }
0x53: {  	_ =	shalt  }
0x54: {  	_ =	shalt  }
0x55: {  	_ =	shalt  }
0x56: {  	_ =	shalt  }
0x57: {  	_ =	shalt  }
0x58: {  	_ =	shalt  }
0x59: {  	_ =	shalt  }
0x5a: {  	_ =	shalt  }
0x5b: {  	_ =	shalt  }
0x5c: {  	_ =	shalt  }
0x5d: {  	_ =	shalt  }
0x5e: {  	_ =	shalt  }
0x5f: {  	_ =	shalt  }
0x60: {  	_ =	shalt  }
0x61: {  	_ =	shalt  }
0x62: {  	_ =	shalt  }
0x63: {  	_ =	shalt  }
0x64: {  	_ =	shalt  }
0x65: {  	_ =	shalt  }
0x66: {  	_ =	shalt  }
0x67: {  	_ =	shalt  }
0x68: {  	_ =	shalt  }
0x69: {  	_ =	shalt  }
0x6a: {  	_ =	shalt  }
0x6b: {  	_ =	shalt  }
0x6c: {  	_ =	shalt  }
0x6d: {  	_ =	shalt  }
0x6e: {  	_ =	shalt  }
0x6f: {  	_ =	shalt  }
0x70: {  	_ =	shalt  }
0x71: {  	_ =	shalt  }
0x72: {  	_ =	shalt  }
0x73: {  	_ =	shalt  }
0x74: {  	_ =	shalt  }
0x75: {  	_ =	shalt  }
0x76: {  	_ =	shalt  }
0x77: {  	_ =	shalt  }
0x78: {  	_ =	shalt  }
0x79: {  	_ =	shalt  }
0x7a: {  	_ =	shalt  }
0x7b: {  	_ =	shalt  }
0x7c: {  	_ =	shalt  }
0x7d: {  	_ =	shalt  }
0x7e: {  	_ =	shalt  }
0x7f: {  	_ =	shalt  }
0x80: {  	_ =	shalt  }
0x81: {  	_ =	shalt  }
0x82: {  	_ =	shalt  }
0x83: {  	_ =	shalt  }
0x84: {  	_ =	shalt  }
0x85: {  	_ =	shalt  }
0x86: {  	_ =	shalt  }
0x87: {  	_ =	shalt  }
.Lfunc_end0:
.L_simem_size_0:
called_computation.3_lowered:
.L_overlay_start_0:
0x88: {  	s2 =	sld [smem:$0x3FD9]  }
0x89: {  	s3 =	sld [smem:$0x3FFE];
	_ =	sdelay $0x1  }
0x8a: {  	s1 =	srdreg.scid  }
0x8b: {  	s0 =	sand.u32 $0x1, s1  }
0x8c: {  	s16 =	sshll.u32 s0, $0xA;
	s2 =	sadd.s32 s3, s2  }
0x8d: {  	s2 =	sadd.s32 s2, s16  }
0x8e: {  	[smem:$0x3FBD] =	sst s2  }
0x8f: {  	_ = 	snop  }
0x90: {  	(tm) =	ssettm $0x1  }
0x91: {  	s17 =	sld [smem:$0x3FFB];
	_ =	sdelay $0x3  }
0x92: {  	_ =	strace s17  }
0x93: {  	s2 =	sld [smem:$0x3FFC];
	_ =	sdelay $0x3  }
0x94: {  	_ =	strace s2  }
0x95: {  	s2 =	sld [smem:$0x3FFD];
	_ =	sdelay $0x3  }
0x96: {  	_ =	strace s2  }
0x97: {  	_ =	strace $0x8FFFFFFF  }
0x98: {  	s18 =	sld [smem:$0x3FDB];
	_ =	sdelay $0x1  }
0x99: {  	s19 =	simm.s32 $_scs_section_size  }
0x9a: {  	s4 =	simm.s32 $_size__tile_overlayer_lowered;
	s5 =	simm.s32 $_tile_overlayer_lowered  }
0x9b: {  	s22 =	simm.s32 $0x1BFF;
	s21 =	sshll.u32 s5, $0x1;
	s2 =	sadd.s32 s19, s18  }
0x9c: {  	s6 =	simm.s32 $0x0;
	s20 =	sshll.u32 s4, $0x1;
	s4 =	sadd.s32 s21, s2  }
0x9d: {  	[timem:s6], [sflag:s22] =	dma.local [hbm:s4], s20  }
0x9e: {  	_ =	swait.ge [sflag:s22], s20  }
0x9f: {  	s3 =	ssub.s32 $0x0, s20;
	[sflag:s22] =	ssyncset.done $0x0  }
0xa0: {  	[sflag:s22] =	ssyncadd.s32 s3;
	_ =	sdelay $0x1  }
0xa1: {  	s23 =	simm.s32 $0x1B8B  }
0xa2: {  	_ =	swait.ge [sflag:s23], $0x1  }
0xa3: {  	[sflag:s23] =	ssyncset.done $0x0  }
0xa4: {  	s25 =	simm.s32 $0x1B8E;
	s24 =	sld [smem:$0x3FFE];
	[sflag:s23] =	ssyncadd.s32 $0xFFFFFFFF  }
0xa5: {  	s26 =	simm.s32 $execute0_lowered;
	[smem:$0x3FD2] =	sst s25  }
0xa6: {  	s4 =	sshll.u32 s26, $0x1;
	_ =	strace $0x8000004F;
	[dreg:$0x1] =	wrdreg $0xFFFFFFFF  }
0xa7: {  	s28 =	simm.s32 $_size_execute0_lowered;
	s2 =	sadd.s32 s2, s4;
	[dreg:$0x0] =	wrdreg $0x0  }
0xa8: {  	s4 =	sshll.u32 s28, $0x1;
	[dreg:$0x2] =	wrdreg s2  }
0xa9: {  	[dreg:$0x3] =	wrdreg s4  }
0xaa: {  	[dreg:$0x4] =	wrdreg $0xC0  }
0xab: {  	_ =	task [dreg:s6], $0x5FFFF  }
0xac: {  	[dreg:$0x1] =	wrdreg $0xFFFFFFFF  }
0xad: {  	[dreg:$0x0] =	wrdreg $0x60  }
0xae: {  	[dreg:$0x2] =	wrdreg s24  }
0xaf: {  	[dreg:$0x3] =	wrdreg $0x14E000  }
0xb0: {  	[dreg:$0x4] =	wrdreg $0xB0000  }
0xb1: {  	[dreg:$0x5] =	wrdreg $0x9  }
0xb2: {  	_ =	task.clear_ibuf [dreg:s6], $0x6FFFF;
	_ =	strace $0x9000004F  }
0xb3: {  	s29 =	simm.s32 $0x9;
	_ =	strace $0x80000051  }
0xb4: {  	_ =	swait.ge [sflag:s29], $0x1  }
0xb5: {  	[sflag:s29] =	ssyncadd.s32 $0xFFFFFFFF  }
0xb6: {  	_ =	strace $0x90000051  }
0xb7: {  	_ =	sfence  }
0xb8: {  	s30 =	sld [smem:$0x0];
	_ =	sdelay $0x2  }
0xb9: {  	s31 =	sshll.u32 s1, $0xD;
	s1 =	sshrl.u32 s1, $0x2  }
0xba: {  	s3 =	sand.u32 $0x4000, s31;
	s1 =	sadd.s32 s1, s30  }
0xbb: {  	s0 =	sor.u32 s3, s0;
	s1 =	sshll.u32 s1, $0x11  }
0xbc: {  	s0 =	sor.u32 s1, s0  }
0xbd: {  	s0 =	sadd.s32 $0x8F2B, s0  }
0xbe: {  	[sflag:s0] =	ssyncadd.remote.s32 $0x1  }
0xbf: {  	_ =	sfence.sel $0xFFFF  }
0xc0: {  	[dreg:$0x0] =	wrdreg $0xFFFFFFFF;
	(pc) =	sbr.abs _section_cstart, $3  }
0xc1: {  	[dreg:$0x1] =	wrdreg $0xFFFFFFFF  }
0xc2: {  	_ =	task.clear_ibuf [dreg:s6], $0x2FFFF;
	_ =	strace $0x9FFFFFFF  }
0xc3: {  	(tm) =	ssettm $0x7FFFFFFF  }
tec
execute0_lowered:
.L_overlay_start_1:
0x0: {  	(tag) =	ssettag $0x1  }
0x1: {  	s0 =	srdreg.scid;
	s1 =	rddreg [dreg:$0x0]  }
0x2: {  	s2 =	rddreg [dreg:$0x1];
	s26 =	stileid.u32  }
0x3: {  	s3 =	rddreg [dreg:$0x2];
	s17 =	simm.s32 $0x2800;
	s19 =	simm.s32 $0x9000  }
0x4: {  	s20 =	simm.s32 $0x3;
	s21 =	simm.s32 $0x1;
	s22 =	simm.s32 $0x2  }
0x5: {  	s23 =	simm.s32 $0x80;
	s24 =	simm.s32 $0x5000;
	s25 =	simm.s32 $0x7000  }
0x6: {  	s28 =	simm.s32 $0x4F00;
	s29 =	simm.s32 $0x4F80;
	s10 =	smul.u32 $0x9E00, s26  }
0x7: {  	s30 =	simm.s32 $0x0;
	s5 =	sand.u32 $0x1, s0;
	s11 =	smul.u32 $0x27800, s26  }
0x8: {  	s4 =	sshll.u32 s5, $0x4;
	s8 =	smul.u32 $0x9E000, s5;
	s5 =	ssub.s32 $0x2, s5  }
0x9: {  	s6 =	sor.u32 s26, s4;
	s4 =	simm.s32 $0x0;
	s7 =	sshrl.u32 s10, $0x3  }
0xa: {  	s9 =	sshrl.u32 s5, $0x1;
	s18 =	sadd.s32 s10, s2;
	s31 =	sshrl.u32 s11, $0x2  }
0xb: {  	s6 =	smul.u32 $0x500, s6;
	[smem:$0x7FF] =	sst s4;
	s7 =	sadd.s32 s7, s1  }
0xc: {  	s8 =	sadd.s32 s10, s8;
	s16 =	ssub.s32 s5, s9;
	s14 =	sadd.s32 s31, s3  }
0xd: {  	s10 =	sadd.s32 s10, s3;
	s18 =	sshrl.u32 s18, $0x3;
	_ =	strace $0x80000050  }
0xe: {  	s8 =	sshrl.u32 s8, $0x3;
	s7 =	sadd.s32 $0xD800, s7;
	s11 =	sadd.s32 $0x2000, s14  }
0xf: {  	s12 =	sadd.s32 $0x4000, s14;
	s13 =	sadd.s32 $0x6000, s14;
	s14 =	sadd.s32 $0x8000, s14  }
0x10: {  	s16 =	smax.u32 s16, $0x1;
	s6 =	sadd.s32 s6, s1;
	s1 =	sadd.s32 s8, s1  }
0x11: {  	s8 =	sshll.u32 s26, $0x6;
	s26 =	simm.s32 $0x2780;
	s5 =	sadd.s32 $0x35000, s6  }
0x12: {  	v0 =	vimm.f32 $0.0e+00;
	s6 =	sadd.s32 $0x3800, s6;
	s9 =	sor.u32 $0x1C02, s8;
	s15 =	sadd.s32 $0x3F000, s1  }
.LBB2_1:
0x13: {  	[tilespmem:s4], [sflag:$0x1] =	stream.linear.gather [hbm4b:s5+s4], $0x2800, $0x38;
	[tilespmem:$0x1EC00] =	vst v63  }
0x14: {  	s1 =	simm.s32 $0x100;
	s31 =	simm.s32 $0x0  }
0x15: {  	[tilespmem:s17], [sflag:$0x1] =	stream.linear.gather [hbm4b:s6+s4], $0x2800, $0x38;
	[tilespmem:$0x1EC00] =	vst v63  }
0x16: {  	[spmem:s18], [sflag:s9] =	dma.local [hbm:s7], $0x13C0  }
.LBB2_2:
0x17: {  	p0 =	sne.s32 s1, $0x7F00;
	[tilespmem:s31+$0x9030] =	vst v0;
	s0 =	smov.u32 s1;
	s1 =	sadd.s32 $0x100, s1  }
.Ltmp0:
0x18: {  	[tilespmem:s31+$0x9020] =	vst v0;
	(pc) =	sbr.rel @p0 .LBB2_2-.Ltmp0, $3  }
0x19: {  	[tilespmem:s31+$0x9000] =	vst v0  }
0x1a: {  	[tilespmem:s31+$0x9010] =	vst v0;
	_ =	sdelay $0x1  }
0x1b: {  	s31 =	sshra.s32 s0, $0x2  }
0x1c: {  	[tilespmem:s31+$0x9030] =	vst v0  }
0x1d: {  	[tilespmem:s31+$0x9020] =	vst v0  }
0x1e: {  	[tilespmem:s31+$0x9000] =	vst v0  }
0x1f: {  	[tilespmem:s31+$0x9010] =	vst v0  }
0x20: {  	[spmem:s10] =	stream.linear.scatter [tilespmem:s19], [sflag:$0x3], $0x2000, $0x38;
	[tilespmem:$0x1EC00] =	vst v63  }
0x21: {  	_ =	swait.ge [sflag:s20], $0x2000  }
0x22: {  	[sflag:s20] =	ssyncset.done $0x0  }
0x23: {  	[sflag:s20] =	ssyncadd.s32 $0xFFFFE000  }
0x24: {  	[spmem:s11] =	stream.linear.scatter [tilespmem:s19], [sflag:$0x3], $0x2000, $0x38;
	[tilespmem:$0x1EC00] =	vst v63  }
0x25: {  	_ =	swait.ge [sflag:s20], $0x2000  }
0x26: {  	[sflag:s20] =	ssyncset.done $0x0  }
0x27: {  	[sflag:s20] =	ssyncadd.s32 $0xFFFFE000  }
0x28: {  	[spmem:s12] =	stream.linear.scatter [tilespmem:s19], [sflag:$0x3], $0x2000, $0x38;
	[tilespmem:$0x1EC00] =	vst v63  }
0x29: {  	_ =	swait.ge [sflag:s20], $0x2000  }
0x2a: {  	[sflag:s20] =	ssyncset.done $0x0  }
0x2b: {  	[sflag:s20] =	ssyncadd.s32 $0xFFFFE000  }
0x2c: {  	[spmem:s13] =	stream.linear.scatter [tilespmem:s19], [sflag:$0x3], $0x2000, $0x38;
	[tilespmem:$0x1EC00] =	vst v63  }
0x2d: {  	_ =	swait.ge [sflag:s20], $0x2000  }
0x2e: {  	[sflag:s20] =	ssyncset.done $0x0  }
0x2f: {  	[sflag:s20] =	ssyncadd.s32 $0xFFFFE000  }
0x30: {  	[spmem:s14] =	stream.linear.scatter [tilespmem:s19], [sflag:$0x3], $0x1E00, $0x38;
	[tilespmem:$0x1EC00] =	vst v63  }
0x31: {  	_ =	swait.ge [sflag:s20], $0x1E00  }
0x32: {  	[sflag:s20] =	ssyncset.done $0x0  }
0x33: {  	[sflag:s20] =	ssyncadd.s32 $0xFFFFE200  }
0x34: {  	_ =	swait.ge [sflag:s21], $0x2800  }
0x35: {  	[sflag:s21] =	ssyncset.done $0x0  }
0x36: {  	[sflag:s21] =	ssyncadd.s32 $0xFFFFD800  }
0x37: {  	_ =	swait.ge [sflag:s21], $0x2800  }
0x38: {  	[sflag:s21] =	ssyncset.done $0x0  }
0x39: {  	[sflag:s21] =	ssyncadd.s32 $0xFFFFD800  }
0x3a: {  	_ =	swait.ge [sflag:s22], $0x13C0  }
0x3b: {  	[sflag:s22] =	ssyncset.done $0x0  }
0x3c: {  	[sflag:s22] =	ssyncadd.s32 $0xFFFFEC40  }
0x3d: {  	s0 =	simm.s32 $0x0;
	[bflag:$0x0] =	sbarrier.arrive $0xFFFF  }
0x3e: {  	[tilespmem:s24], [sflag:$0x1] =	stream.indirect.gather [spmem:s2], $0x40, s0, s23, $0xb8;
	[tilespmem:$0x1EC00] =	vst v63  }
0x3f: {  	_ =	swait.ge [sflag:s21], $0x2000  }
0x40: {  	[sflag:s21] =	ssyncset.done $0x0  }
0x41: {  	s1 =	simm.s32 $0x80;
	[sflag:s21] =	ssyncadd.s32 $0xFFFFE000  }
0x42: {  	[tilespmem:s25], [sflag:$0x2] =	stream.indirect.gather [spmem:s2], $0x40, s1, s23, $0xb8;
	[tilespmem:$0x1EC00] =	vst v63  }
0x43: {  	s1 =	simm.s32 $0x2800  }
0x44: {  	[spmem:s3] =	stream.indirect.scatter.add.f32 [tilespmem:s24], [sflag:$0x3], $0x40, s1, s23, $0xb8;
	[tilespmem:$0x1EC00] =	vst v63  }
0x45: {  	_ =	swait.ge [sflag:s20], $0x2000  }
0x46: {  	[sflag:s20] =	ssyncset.done $0x0  }
0x47: {  	[sflag:s20] =	ssyncadd.s32 $0xFFFFE000  }
0x48: {  	_ =	swait.ge [sflag:s22], $0x2000  }
0x49: {  	[sflag:s22] =	ssyncset.done $0x0  }
0x4a: {  	s1 =	simm.s32 $0x100;
	[sflag:s22] =	ssyncadd.s32 $0xFFFFE000  }
0x4b: {  	[tilespmem:s24], [sflag:$0x1] =	stream.indirect.gather [spmem:s2], $0x40, s1, s23, $0xb8;
	[tilespmem:$0x1EC00] =	vst v63  }
0x4c: {  	s1 =	simm.s32 $0x2880  }
0x4d: {  	[spmem:s3] =	stream.indirect.scatter.add.f32 [tilespmem:s25], [sflag:$0x3], $0x40, s1, s23, $0xb8;
	[tilespmem:$0x1EC00] =	vst v63  }
0x4e: {  	_ =	swait.ge [sflag:s20], $0x2000  }
0x4f: {  	s31 =	simm.s32 $0x400;
	[sflag:s20] =	ssyncset.done $0x0  }
.LBB2_4:
0x50: {  	p0 =	sne.s32 s31, $0x9800  }
0x51: {  	[sflag:s20] =	ssyncadd.s32 $0xFFFFE000;
	s0 =	smov.u32 s31;
	s31 =	sadd.s32 $0x400, s31  }
0x52: {  	_ = 	snop  }
0x53: {  	_ =	swait.ge [sflag:s21], $0x2000  }
0x54: {  	s0 =	sshra.s32 s0, $0x2;
	[sflag:s21] =	ssyncset.done $0x0  }
0x55: {  	s1 =	sadd.s32 $0x80, s0;
	[sflag:s21] =	ssyncadd.s32 $0xFFFFE000  }
0x56: {  	[tilespmem:s25], [sflag:$0x2] =	stream.indirect.gather [spmem:s2], $0x40, s1, s23, $0xb8;
	[tilespmem:$0x1EC00] =	vst v63  }
0x57: {  	s1 =	sadd.s32 $0x2800, s0  }
0x58: {  	[spmem:s3] =	stream.indirect.scatter.add.f32 [tilespmem:s24], [sflag:$0x3], $0x40, s1, s23, $0xb8;
	[tilespmem:$0x1EC00] =	vst v63  }
0x59: {  	_ =	swait.ge [sflag:s20], $0x2000  }
0x5a: {  	[sflag:s20] =	ssyncset.done $0x0  }
0x5b: {  	[sflag:s20] =	ssyncadd.s32 $0xFFFFE000  }
0x5c: {  	_ =	swait.ge [sflag:s22], $0x2000  }
0x5d: {  	[sflag:s22] =	ssyncset.done $0x0  }
0x5e: {  	s1 =	sadd.s32 $0x100, s0;
	[sflag:s22] =	ssyncadd.s32 $0xFFFFE000  }
0x5f: {  	[tilespmem:s24], [sflag:$0x1] =	stream.indirect.gather [spmem:s2], $0x40, s1, s23, $0xb8;
	[tilespmem:$0x1EC00] =	vst v63  }
.Ltmp1:
0x60: {  	_ = 	snop;
	(pc) =	sbr.rel @p0 .LBB2_4-.Ltmp1, $4  }
0x61: {  	s0 =	sadd.s32 $0x2880, s0  }
0x62: {  	[spmem:s3] =	stream.indirect.scatter.add.f32 [tilespmem:s25], [sflag:$0x3], $0x40, s0, s23, $0xb8;
	[tilespmem:$0x1EC00] =	vst v63  }
0x63: {  	_ =	swait.ge [sflag:s20], $0x2000  }
0x64: {  	[sflag:s20] =	ssyncset.done $0x0  }
0x65: {  	[sflag:s20] =	ssyncadd.s32 $0xFFFFE000  }
0x66: {  	_ =	swait.ge [sflag:s21], $0x2000  }
0x67: {  	[sflag:s21] =	ssyncset.done $0x0  }
0x68: {  	[sflag:s21] =	ssyncadd.s32 $0xFFFFE000  }
0x69: {  	[tilespmem:s25], [sflag:$0x2] =	stream.indirect.gather [spmem:s2], $0x40, s26, s23, $0xb8;
	[tilespmem:$0x1EC00] =	vst v63  }
0x6a: {  	_ = 	snop  }
0x6b: {  	[spmem:s3] =	stream.indirect.scatter.add.f32 [tilespmem:s24], [sflag:$0x3], $0x40, s28, s23, $0xb8;
	[tilespmem:$0x1EC00] =	vst v63  }
0x6c: {  	_ =	swait.ge [sflag:s20], $0x2000  }
0x6d: {  	[sflag:s20] =	ssyncset.done $0x0  }
0x6e: {  	[sflag:s20] =	ssyncadd.s32 $0xFFFFE000  }
0x6f: {  	_ =	swait.ge [sflag:s22], $0x2000  }
0x70: {  	[sflag:s22] =	ssyncset.done $0x0  }
0x71: {  	[sflag:s22] =	ssyncadd.s32 $0xFFFFE000  }
0x72: {  	[spmem:s3] =	stream.indirect.scatter.add.f32 [tilespmem:s25], [sflag:$0x3], $0x40, s29, s23, $0xb8;
	[tilespmem:$0x1EC00] =	vst v63  }
0x73: {  	_ =	swait.ge [sflag:s20], $0x2000  }
0x74: {  	s30 =	sadd.s32 $0x1, s30;
	[sflag:s20] =	ssyncset.done $0x0  }
0x75: {  	s0 =	sor.u32 $0x1C03, s8;
	p0 =	sne.s32 s30, s16;
	[sflag:s20] =	ssyncadd.s32 $0xFFFFE000  }
.Ltmp2:
0x76: {  	s1 =	sshrl.u32 s10, $0x3;
	[bflag:$0x0] =	sbarrier.arrive $0xFFFF;
	(pc) =	sbr.rel @p0 .LBB2_1-.Ltmp2, $4  }
0x77: {  	[hbm:s15], [sflag:s0] =	dma.local [spmem:s1], $0x13C0  }
0x78: {  	_ =	swait.ge [sflag:s20], $0x13C0  }
0x79: {  	[sflag:s20] =	ssyncset.done $0x0  }
0x7a: {  	[sflag:s20] =	ssyncadd.s32 $0xFFFFEC40  }
0x7b: {  	_ =	sfence.sel $0x180000  }
0x7c: {  	[bflag:$0x0] =	sbarrier.arrive $0xFFFF  }
0x7d: {  	_ =	strace $0x90000050  }
0x7e: {  	s0 =	stileid.u32;
	[bflag:$0x2] =	sbarrier.arrive $0xFFFF  }
0x7f: {  	p0 =	sne.s32 s0, $0x0;
	s0 =	rddreg [dreg:$0x3]  }
0x80: {  	s0 =	sadd.s32 @!p0 $0x100000, s0  }
0x81: {  	[sflag:s0] =	ssyncadd.tile.s32 @!p0 $0x1;
	_ =	shalt  }
.Lfunc_end2:
_tile_overlayer_lowered:
.L_overlay_start_2:
0x82: {  	(tag) =	ssettag $0x2  }
0x83: {  	s0 =	rddreg [dreg:$0x0];
	s2 =	stileid.u32  }
0x84: {  	s1 =	rddreg [dreg:$0x1];
	p0 =	sne.s32 s2, $0x0  }
0x85: {  	s3 =	rddreg [dreg:$0x2];
	[bflag:$0x3] =	sbarrier.arrive $0xFFFF;
	s2 =	simm.s32 @!p0 $0x1C03  }
0x86: {  	[timem:s3], [sflag:s2] =	dma.local @!p0 [hbm:s0], s1  }
0x87: {  	s0 =	simm.s32 @!p0 $0x3  }
0x88: {  	_ =	swait.ge @!p0 [sflag:s0], s1  }
0x89: {  	s1 =	ssub.s32 @!p0 $0x0, s1;
	[sflag:s0] =	ssyncset.done @!p0 $0x0  }
0x8a: {  	[sflag:s0] =	ssyncadd.s32 @!p0 s1  }
0x8b: {  	[bflag:$0x3] =	sbarrier.arrive $0xFFFF  }
0x8c: {  	_ =	shalt  }

</sc_bundles>
